<compile_context>
chip_gen: v7x
topology: tpu7x:2x2x1
jax: 0.10.2.dev20260603
libtpu: 0.0.44.dev20260713+nightly
codegen_flags: <defaults>
</compile_context>

<pallas_src>
import functools

import jax
import jax.numpy as jnp
from jax import lax
from jax.experimental import pallas as pl
from jax.experimental.pallas import tpu as pltpu
from jax.experimental.pallas import tpu_sc as plsc

H = 128
NC = 2
NS = 16
NW = NC * NS
C = 64
NSETS = 4


def _emb_body(nchunk, seq, token_hbm, pos_hbm, delta_hbm, segb_hbm, tidx_hbm,
              out_hbm, tix_all, pos_v, delta_v, bufs, gsems, bsems, ssems):
    wid = lax.axis_index("s") * NC + lax.axis_index("c")
    base = wid * (nchunk * C)

    pltpu.sync_copy(pos_hbm, pos_v)
    pltpu.sync_copy(delta_hbm, delta_v)
    pltpu.sync_copy(tidx_hbm.at[wid], tix_all)

    def start_gather(g, s):
        a, _, sb = bufs[s]
        pltpu.async_copy(token_hbm.at[tix_all.at[g]], a, gsems[s])
        pltpu.async_copy(segb_hbm.at[wid].at[g], sb, bsems[s])

    def out_slice(g):
        return out_hbm.at[pl.ds(base + g * C, C)]

    def add_chunk(g, s):
        a, o, sb = bufs[s]
        pltpu.make_async_copy(segb_hbm.at[wid].at[g], sb, bsems[s]).wait()
        pltpu.make_async_copy(token_hbm.at[tix_all.at[g]], a, gsems[s]).wait()
        s_off = lax.rem(base + g * C, seq)
        dv = [delta_v[pl.ds(j * 16, 16)] for j in range(H // 16)]

        @plsc.parallel_loop(0, C, step=1, unroll=4)
        def _(r):
            seg_splat = sb[pl.ds(r * 16, 16)]
            pr = s_off + r
            for j in range(H // 16):
                sl = pl.ds(j * 16, 16)
                o[r, sl] = a[r, sl] + pos_v[pr, sl] + seg_splat * dv[j]

    for s in range(NSETS):
        start_gather(s, s)

    def quad(q, carry):
        for s in range(NSETS):
            g = NSETS * q + s
            _, o, _ = bufs[s]

            @pl.when(q > 0)
            def _():
                pltpu.make_async_copy(o, out_slice(g - NSETS),
                                      ssems[s]).wait()

            add_chunk(g, s)

            @pl.when(q < nchunk // NSETS - 1)
            def _():
                start_gather(g + NSETS, s)

            pltpu.async_copy(o, out_slice(g), ssems[s])
        return carry

    lax.fori_loop(0, nchunk // NSETS, quad, 0, unroll=False)

    for s in range(NSETS):
        _, o, _ = bufs[s]
        pltpu.make_async_copy(o, out_slice(nchunk - NSETS + s), ssems[s]).wait()


def kernel(sentences, segments, token_table, segment_table, positional_embedding):
    batch, seq = sentences.shape
    bs = batch * seq
    assert bs % (NW * C) == 0
    nchunk = bs // (NW * C)
    assert nchunk % NSETS == 0

    pos_used = positional_embedding[0, :seq, :]
    pos_ext = (jnp.concatenate([pos_used, pos_used[:C]], axis=0)
               + segment_table[0][None, :])
    delta = segment_table[1] - segment_table[0]
    segb = jnp.broadcast_to(
        segments.reshape(NW, nchunk, C, 1).astype(jnp.float32),
        (NW, nchunk, C, 16)).reshape(NW, nchunk, C * 16)
    tidx = sentences.reshape(NW, nchunk, C).astype(jnp.int32)

    mesh = plsc.VectorSubcoreMesh(core_axis_name="c", subcore_axis_name="s")
    run = pl.kernel(
        functools.partial(_emb_body, nchunk, seq),
        out_type=jax.ShapeDtypeStruct((bs, H), jnp.float32),
        mesh=mesh,
        scratch_types=[
            pltpu.VMEM((nchunk, C), jnp.int32),
            pltpu.VMEM((seq + C, H), jnp.float32),
            pltpu.VMEM((H,), jnp.float32),
            tuple(tuple([pltpu.VMEM((C, H), jnp.float32),
                         pltpu.VMEM((C, H), jnp.float32),
                         pltpu.VMEM((C * 16,), jnp.float32)])
                  for _ in range(NSETS)),
            tuple(pltpu.SemaphoreType.DMA for _ in range(NSETS)),
            tuple(pltpu.SemaphoreType.DMA for _ in range(NSETS)),
            tuple(pltpu.SemaphoreType.DMA for _ in range(NSETS)),
        ],
    )
    out = run(token_table, pos_ext, delta, segb, tidx)
    return out.reshape(batch, seq, H)

# --- scband reference (transcript-rebuilt; emitter-appended) ---
"""Pipeline reference for scband-bertembedding-68985764708688 (READ-ONLY COPY).

The authoritative reference and input builder live on the scoring server;
editing this copy changes nothing except your own understanding.
"""

import jax, jax.numpy as jnp
import numpy as np

VOCAB_SIZE = 100000
HIDDEN_SIZE = 128
MAX_LEN = 512
BATCH = 1024
SEQ = 200

def setup_inputs(seed: int = 0) -> dict:
    key = jax.random.key(seed)
    k1, k2, k3, k4, k5 = jax.random.split(key, 5)
    sentences = jax.random.randint(k1, (BATCH, SEQ), 0, VOCAB_SIZE, dtype=jnp.int64 if jax.config.jax_enable_x64 else jnp.int32)
    segments = jax.random.randint(k2, (BATCH, SEQ), 0, 2, dtype=jnp.int64 if jax.config.jax_enable_x64 else jnp.int32)
    token_table = jax.random.normal(k3, (VOCAB_SIZE, HIDDEN_SIZE), dtype=jnp.float32)
    segment_table = jax.random.normal(k4, (2, HIDDEN_SIZE), dtype=jnp.float32)
    positional_embedding = jax.random.normal(k5, (1, MAX_LEN, HIDDEN_SIZE), dtype=jnp.float32)
    return {"sentences": sentences, "segments": segments, "token_table": token_table, "segment_table": segment_table, "positional_embedding": positional_embedding}

def reference(sentences, segments, token_table, segment_table, positional_embedding):
    batch_size, seq_size = sentences.shape
    token_embedding = jnp.take(token_table, sentences, axis=0)
    segment_embedding = jnp.take(segment_table, segments, axis=0)
    embedding = token_embedding + segment_embedding + positional_embedding[:, :seq_size, :]
    return embedding

if __name__ == "__main__":
    import jax
    _d = setup_inputs()
    print(jax.jit(kernel)(*tuple(_d.values())))

</pallas_src>

<mosaic_0001>
#map = affine_map<(d0, d1) -> (0, 0)>
#map1 = affine_map<(d0, d1) -> (0)>
#map2 = affine_map<(d0, d1) -> (0, 0, 0)>
module attributes {stable_mosaic.version = 14 : i64} {
  func.func @_emb_body(%arg0: i32, %arg1: i32, %arg2: memref<100000x128xf32, #tpu.memory_space<hbm>>, %arg3: memref<264x128xf32, #tpu.memory_space<hbm>>, %arg4: memref<128xf32, #tpu.memory_space<hbm>>, %arg5: memref<32x100x1024xf32, #tpu.memory_space<hbm>>, %arg6: memref<32x100x64xi32, #tpu.memory_space<hbm>>, %arg7: memref<204800x128xf32, #tpu.memory_space<hbm>>, %arg8: memref<100x64xi32, #tpu.memory_space<vmem>>, %arg9: memref<264x128xf32, #tpu.memory_space<vmem>>, %arg10: memref<128xf32, #tpu.memory_space<vmem>>, %arg11: memref<64x128xf32, #tpu.memory_space<vmem>>, %arg12: memref<64x128xf32, #tpu.memory_space<vmem>>, %arg13: memref<1024xf32, #tpu.memory_space<vmem>>, %arg14: memref<64x128xf32, #tpu.memory_space<vmem>>, %arg15: memref<64x128xf32, #tpu.memory_space<vmem>>, %arg16: memref<1024xf32, #tpu.memory_space<vmem>>, %arg17: memref<64x128xf32, #tpu.memory_space<vmem>>, %arg18: memref<64x128xf32, #tpu.memory_space<vmem>>, %arg19: memref<1024xf32, #tpu.memory_space<vmem>>, %arg20: memref<64x128xf32, #tpu.memory_space<vmem>>, %arg21: memref<64x128xf32, #tpu.memory_space<vmem>>, %arg22: memref<1024xf32, #tpu.memory_space<vmem>>, %arg23: memref<!tpu.dma_semaphore, #tpu.memory_space<semaphore_mem>>, %arg24: memref<!tpu.dma_semaphore, #tpu.memory_space<semaphore_mem>>, %arg25: memref<!tpu.dma_semaphore, #tpu.memory_space<semaphore_mem>>, %arg26: memref<!tpu.dma_semaphore, #tpu.memory_space<semaphore_mem>>, %arg27: memref<!tpu.dma_semaphore, #tpu.memory_space<semaphore_mem>>, %arg28: memref<!tpu.dma_semaphore, #tpu.memory_space<semaphore_mem>>, %arg29: memref<!tpu.dma_semaphore, #tpu.memory_space<semaphore_mem>>, %arg30: memref<!tpu.dma_semaphore, #tpu.memory_space<semaphore_mem>>, %arg31: memref<!tpu.dma_semaphore, #tpu.memory_space<semaphore_mem>>, %arg32: memref<!tpu.dma_semaphore, #tpu.memory_space<semaphore_mem>>, %arg33: memref<!tpu.dma_semaphore, #tpu.memory_space<semaphore_mem>>, %arg34: memref<!tpu.dma_semaphore, #tpu.memory_space<semaphore_mem>>) attributes {dimension_semantics = [#tpu.dimension_semantics<core_parallel>, #tpu.dimension_semantics<subcore_parallel>], iteration_bounds = array<i64: 2, 16>, scalar_prefetch = 0 : i64, scratch_operands = 27 : i64, tpu.core_type = #tpu.core_type<sc_vector_subcore>, window_params = [{transform_indices = #map}, {transform_indices = #map}, {transform_indices = #map1}, {transform_indices = #map2}, {transform_indices = #map2}, {transform_indices = #map}]} {
    %mul3A = arith.constant 2 : i32
    %mul3A_0 = arith.muli %arg1, %mul3A : i32
    %add3A = arith.addi %mul3A_0, %arg0 : i32
    %mul3A_1 = arith.constant 6400 : i32
    %mul3A_2 = arith.muli %add3A, %mul3A_1 : i32
    "tpu.region"() ({
      %run_scoped3A = tpu.sem_alloc : memref<!tpu.dma_semaphore, #tpu.memory_space<semaphore_mem>>
      tpu.enqueue_dma source(%arg3 : memref<264x128xf32, #tpu.memory_space<hbm>>) target(%arg9 : memref<264x128xf32, #tpu.memory_space<vmem>>) target_semaphore(%run_scoped3A : memref<!tpu.dma_semaphore, #tpu.memory_space<semaphore_mem>>)
      tpu.wait_dma2 semaphore(%run_scoped3A : memref<!tpu.dma_semaphore, #tpu.memory_space<semaphore_mem>>) src(%arg3 : memref<264x128xf32, #tpu.memory_space<hbm>>) dst(%arg9 : memref<264x128xf32, #tpu.memory_space<vmem>>)
      tpu.yield
    }) : () -> ()
    "tpu.region"() ({
      %run_scoped3A = tpu.sem_alloc : memref<!tpu.dma_semaphore, #tpu.memory_space<semaphore_mem>>
      tpu.enqueue_dma source(%arg4 : memref<128xf32, #tpu.memory_space<hbm>>) target(%arg10 : memref<128xf32, #tpu.memory_space<vmem>>) target_semaphore(%run_scoped3A : memref<!tpu.dma_semaphore, #tpu.memory_space<semaphore_mem>>)
      tpu.wait_dma2 semaphore(%run_scoped3A : memref<!tpu.dma_semaphore, #tpu.memory_space<semaphore_mem>>) src(%arg4 : memref<128xf32, #tpu.memory_space<hbm>>) dst(%arg10 : memref<128xf32, #tpu.memory_space<vmem>>)
      tpu.yield
    }) : () -> ()
    "tpu.region"() ({
      %run_scoped3A = tpu.sem_alloc : memref<!tpu.dma_semaphore, #tpu.memory_space<semaphore_mem>>
      %dma_start3A_118 = arith.constant 0 : i32
      %dma_start3A_119 = arith.constant 0 : i32
      %dma_start3A_120 = tpu.memref_slice %arg6[%add3A, %dma_start3A_118, %dma_start3A_119] : memref<32x100x64xi32, #tpu.memory_space<hbm>> -> memref<1x100x64xi32, #tpu.memory_space<hbm>>
      %dma_start3A_121 = tpu.memref_squeeze %dma_start3A_120 : memref<1x100x64xi32, #tpu.memory_space<hbm>> -> memref<100x64xi32, #tpu.memory_space<hbm>>
      %dma_start3A_122 = arith.constant 0 : i32
      %dma_start3A_123 = arith.constant 0 : i32
      %dma_start3A_124 = tpu.memref_slice %arg6[%add3A, %dma_start3A_122, %dma_start3A_123] : memref<32x100x64xi32, #tpu.memory_space<hbm>> -> memref<1x100x64xi32, #tpu.memory_space<hbm>>
      %dma_start3A_125 = tpu.memref_squeeze %dma_start3A_124 : memref<1x100x64xi32, #tpu.memory_space<hbm>> -> memref<100x64xi32, #tpu.memory_space<hbm>>
      tpu.enqueue_dma source(%dma_start3A_125 : memref<100x64xi32, #tpu.memory_space<hbm>>) target(%arg8 : memref<100x64xi32, #tpu.memory_space<vmem>>) target_semaphore(%run_scoped3A : memref<!tpu.dma_semaphore, #tpu.memory_space<semaphore_mem>>)
      %dma_wait3A_126 = arith.constant 0 : i32
      %dma_wait3A_127 = arith.constant 0 : i32
      %dma_wait3A_128 = tpu.memref_slice %arg6[%add3A, %dma_wait3A_126, %dma_wait3A_127] : memref<32x100x64xi32, #tpu.memory_space<hbm>> -> memref<1x100x64xi32, #tpu.memory_space<hbm>>
      %dma_wait3A_129 = tpu.memref_squeeze %dma_wait3A_128 : memref<1x100x64xi32, #tpu.memory_space<hbm>> -> memref<100x64xi32, #tpu.memory_space<hbm>>
      %dma_wait3A_130 = arith.constant 0 : i32
      %dma_wait3A_131 = arith.constant 0 : i32
      %dma_wait3A_132 = tpu.memref_slice %arg6[%add3A, %dma_wait3A_130, %dma_wait3A_131] : memref<32x100x64xi32, #tpu.memory_space<hbm>> -> memref<1x100x64xi32, #tpu.memory_space<hbm>>
      %dma_wait3A_133 = tpu.memref_squeeze %dma_wait3A_132 : memref<1x100x64xi32, #tpu.memory_space<hbm>> -> memref<100x64xi32, #tpu.memory_space<hbm>>
      tpu.wait_dma2 semaphore(%run_scoped3A : memref<!tpu.dma_semaphore, #tpu.memory_space<semaphore_mem>>) src(%dma_wait3A_133 : memref<100x64xi32, #tpu.memory_space<hbm>>) dst(%arg8 : memref<100x64xi32, #tpu.memory_space<vmem>>)
      tpu.yield
    }) : () -> ()
    %dma_start3A = arith.constant 0 : i32
    %dma_start3A_3 = arith.constant 0 : i32
    %dma_start3A_4 = tpu.memref_slice %arg8[%dma_start3A, %dma_start3A_3] : memref<100x64xi32, #tpu.memory_space<vmem>> -> memref<1x64xi32, #tpu.memory_space<vmem>>
    %dma_start3A_5 = tpu.memref_squeeze %dma_start3A_4 : memref<1x64xi32, #tpu.memory_space<vmem>> -> memref<64xi32, #tpu.memory_space<vmem>>
    %dma_start3A_6 = arith.constant 0 : i32
    %dma_start3A_7 = arith.constant 0 : i32
    %dma_start3A_8 = tpu.memref_slice %arg2[%dma_start3A_6, %dma_start3A_7] : memref<100000x128xf32, #tpu.memory_space<hbm>> -> memref<100000x128xf32, #tpu.memory_space<hbm>>
    tpu.enqueue_indirect_dma source(%dma_start3A_8 : memref<100000x128xf32, #tpu.memory_space<hbm>>) target(%arg11 : memref<64x128xf32, #tpu.memory_space<vmem>>) offsets(%dma_start3A_5 : memref<64xi32, #tpu.memory_space<vmem>>) semaphore(%arg23 : memref<!tpu.dma_semaphore, #tpu.memory_space<semaphore_mem>>)
    %dma_start3A_9 = arith.constant 0 : i32
    %dma_start3A_10 = arith.constant 0 : i32
    %dma_start3A_11 = arith.constant 0 : i32
    %dma_start3A_12 = tpu.memref_slice %arg5[%add3A, %dma_start3A_10, %dma_start3A_11] : memref<32x100x1024xf32, #tpu.memory_space<hbm>> -> memref<1x100x1024xf32, #tpu.memory_space<hbm>>
    %dma_start3A_13 = tpu.memref_squeeze %dma_start3A_12 : memref<1x100x1024xf32, #tpu.memory_space<hbm>> -> memref<100x1024xf32, #tpu.memory_space<hbm>>
    %dma_start3A_14 = arith.constant 0 : i32
    %dma_start3A_15 = tpu.memref_slice %dma_start3A_13[%dma_start3A_9, %dma_start3A_14] : memref<100x1024xf32, #tpu.memory_space<hbm>> -> memref<1x1024xf32, #tpu.memory_space<hbm>>
    %dma_start3A_16 = tpu.memref_squeeze %dma_start3A_15 : memref<1x1024xf32, #tpu.memory_space<hbm>> -> memref<1024xf32, #tpu.memory_space<hbm>>
    %dma_start3A_17 = arith.constant 0 : i32
    %dma_start3A_18 = arith.constant 0 : i32
    %dma_start3A_19 = tpu.memref_slice %arg5[%add3A, %dma_start3A_17, %dma_start3A_18] : memref<32x100x1024xf32, #tpu.memory_space<hbm>> -> memref<1x100x1024xf32, #tpu.memory_space<hbm>>
    %dma_start3A_20 = tpu.memref_squeeze %dma_start3A_19 : memref<1x100x1024xf32, #tpu.memory_space<hbm>> -> memref<100x1024xf32, #tpu.memory_space<hbm>>
    %dma_start3A_21 = arith.constant 0 : i32
    %dma_start3A_22 = tpu.memref_slice %dma_start3A_20[%dma_start3A_9, %dma_start3A_21] : memref<100x1024xf32, #tpu.memory_space<hbm>> -> memref<1x1024xf32, #tpu.memory_space<hbm>>
    %dma_start3A_23 = tpu.memref_squeeze %dma_start3A_22 : memref<1x1024xf32, #tpu.memory_space<hbm>> -> memref<1024xf32, #tpu.memory_space<hbm>>
    tpu.enqueue_dma source(%dma_start3A_23 : memref<1024xf32, #tpu.memory_space<hbm>>) target(%arg13 : memref<1024xf32, #tpu.memory_space<vmem>>) target_semaphore(%arg27 : memref<!tpu.dma_semaphore, #tpu.memory_space<semaphore_mem>>)
    %dma_start3A_24 = arith.constant 1 : i32
    %dma_start3A_25 = arith.constant 0 : i32
    %dma_start3A_26 = tpu.memref_slice %arg8[%dma_start3A_24, %dma_start3A_25] : memref<100x64xi32, #tpu.memory_space<vmem>> -> memref<1x64xi32, #tpu.memory_space<vmem>>
    %dma_start3A_27 = tpu.memref_squeeze %dma_start3A_26 : memref<1x64xi32, #tpu.memory_space<vmem>> -> memref<64xi32, #tpu.memory_space<vmem>>
    %dma_start3A_28 = arith.constant 0 : i32
    %dma_start3A_29 = arith.constant 0 : i32
    %dma_start3A_30 = tpu.memref_slice %arg2[%dma_start3A_28, %dma_start3A_29] : memref<100000x128xf32, #tpu.memory_space<hbm>> -> memref<100000x128xf32, #tpu.memory_space<hbm>>
    tpu.enqueue_indirect_dma source(%dma_start3A_30 : memref<100000x128xf32, #tpu.memory_space<hbm>>) target(%arg14 : memref<64x128xf32, #tpu.memory_space<vmem>>) offsets(%dma_start3A_27 : memref<64xi32, #tpu.memory_space<vmem>>) semaphore(%arg24 : memref<!tpu.dma_semaphore, #tpu.memory_space<semaphore_mem>>)
    %dma_start3A_31 = arith.constant 1 : i32
    %dma_start3A_32 = arith.constant 0 : i32
    %dma_start3A_33 = arith.constant 0 : i32
    %dma_start3A_34 = tpu.memref_slice %arg5[%add3A, %dma_start3A_32, %dma_start3A_33] : memref<32x100x1024xf32, #tpu.memory_space<hbm>> -> memref<1x100x1024xf32, #tpu.memory_space<hbm>>
    %dma_start3A_35 = tpu.memref_squeeze %dma_start3A_34 : memref<1x100x1024xf32, #tpu.memory_space<hbm>> -> memref<100x1024xf32, #tpu.memory_space<hbm>>
    %dma_start3A_36 = arith.constant 0 : i32
    %dma_start3A_37 = tpu.memref_slice %dma_start3A_35[%dma_start3A_31, %dma_start3A_36] : memref<100x1024xf32, #tpu.memory_space<hbm>> -> memref<1x1024xf32, #tpu.memory_space<hbm>>
    %dma_start3A_38 = tpu.memref_squeeze %dma_start3A_37 : memref<1x1024xf32, #tpu.memory_space<hbm>> -> memref<1024xf32, #tpu.memory_space<hbm>>
    %dma_start3A_39 = arith.constant 0 : i32
    %dma_start3A_40 = arith.constant 0 : i32
    %dma_start3A_41 = tpu.memref_slice %arg5[%add3A, %dma_start3A_39, %dma_start3A_40] : memref<32x100x1024xf32, #tpu.memory_space<hbm>> -> memref<1x100x1024xf32, #tpu.memory_space<hbm>>
    %dma_start3A_42 = tpu.memref_squeeze %dma_start3A_41 : memref<1x100x1024xf32, #tpu.memory_space<hbm>> -> memref<100x1024xf32, #tpu.memory_space<hbm>>
    %dma_start3A_43 = arith.constant 0 : i32
    %dma_start3A_44 = tpu.memref_slice %dma_start3A_42[%dma_start3A_31, %dma_start3A_43] : memref<100x1024xf32, #tpu.memory_space<hbm>> -> memref<1x1024xf32, #tpu.memory_space<hbm>>
    %dma_start3A_45 = tpu.memref_squeeze %dma_start3A_44 : memref<1x1024xf32, #tpu.memory_space<hbm>> -> memref<1024xf32, #tpu.memory_space<hbm>>
    tpu.enqueue_dma source(%dma_start3A_45 : memref<1024xf32, #tpu.memory_space<hbm>>) target(%arg16 : memref<1024xf32, #tpu.memory_space<vmem>>) target_semaphore(%arg28 : memref<!tpu.dma_semaphore, #tpu.memory_space<semaphore_mem>>)
    %dma_start3A_46 = arith.constant 2 : i32
    %dma_start3A_47 = arith.constant 0 : i32
    %dma_start3A_48 = tpu.memref_slice %arg8[%dma_start3A_46, %dma_start3A_47] : memref<100x64xi32, #tpu.memory_space<vmem>> -> memref<1x64xi32, #tpu.memory_space<vmem>>
    %dma_start3A_49 = tpu.memref_squeeze %dma_start3A_48 : memref<1x64xi32, #tpu.memory_space<vmem>> -> memref<64xi32, #tpu.memory_space<vmem>>
    %dma_start3A_50 = arith.constant 0 : i32
    %dma_start3A_51 = arith.constant 0 : i32
    %dma_start3A_52 = tpu.memref_slice %arg2[%dma_start3A_50, %dma_start3A_51] : memref<100000x128xf32, #tpu.memory_space<hbm>> -> memref<100000x128xf32, #tpu.memory_space<hbm>>
    tpu.enqueue_indirect_dma source(%dma_start3A_52 : memref<100000x128xf32, #tpu.memory_space<hbm>>) target(%arg17 : memref<64x128xf32, #tpu.memory_space<vmem>>) offsets(%dma_start3A_49 : memref<64xi32, #tpu.memory_space<vmem>>) semaphore(%arg25 : memref<!tpu.dma_semaphore, #tpu.memory_space<semaphore_mem>>)
    %dma_start3A_53 = arith.constant 2 : i32
    %dma_start3A_54 = arith.constant 0 : i32
    %dma_start3A_55 = arith.constant 0 : i32
    %dma_start3A_56 = tpu.memref_slice %arg5[%add3A, %dma_start3A_54, %dma_start3A_55] : memref<32x100x1024xf32, #tpu.memory_space<hbm>> -> memref<1x100x1024xf32, #tpu.memory_space<hbm>>
    %dma_start3A_57 = tpu.memref_squeeze %dma_start3A_56 : memref<1x100x1024xf32, #tpu.memory_space<hbm>> -> memref<100x1024xf32, #tpu.memory_space<hbm>>
    %dma_start3A_58 = arith.constant 0 : i32
    %dma_start3A_59 = tpu.memref_slice %dma_start3A_57[%dma_start3A_53, %dma_start3A_58] : memref<100x1024xf32, #tpu.memory_space<hbm>> -> memref<1x1024xf32, #tpu.memory_space<hbm>>
    %dma_start3A_60 = tpu.memref_squeeze %dma_start3A_59 : memref<1x1024xf32, #tpu.memory_space<hbm>> -> memref<1024xf32, #tpu.memory_space<hbm>>
    %dma_start3A_61 = arith.constant 0 : i32
    %dma_start3A_62 = arith.constant 0 : i32
    %dma_start3A_63 = tpu.memref_slice %arg5[%add3A, %dma_start3A_61, %dma_start3A_62] : memref<32x100x1024xf32, #tpu.memory_space<hbm>> -> memref<1x100x1024xf32, #tpu.memory_space<hbm>>
    %dma_start3A_64 = tpu.memref_squeeze %dma_start3A_63 : memref<1x100x1024xf32, #tpu.memory_space<hbm>> -> memref<100x1024xf32, #tpu.memory_space<hbm>>
    %dma_start3A_65 = arith.constant 0 : i32
    %dma_start3A_66 = tpu.memref_slice %dma_start3A_64[%dma_start3A_53, %dma_start3A_65] : memref<100x1024xf32, #tpu.memory_space<hbm>> -> memref<1x1024xf32, #tpu.memory_space<hbm>>
    %dma_start3A_67 = tpu.memref_squeeze %dma_start3A_66 : memref<1x1024xf32, #tpu.memory_space<hbm>> -> memref<1024xf32, #tpu.memory_space<hbm>>
    tpu.enqueue_dma source(%dma_start3A_67 : memref<1024xf32, #tpu.memory_space<hbm>>) target(%arg19 : memref<1024xf32, #tpu.memory_space<vmem>>) target_semaphore(%arg29 : memref<!tpu.dma_semaphore, #tpu.memory_space<semaphore_mem>>)
    %dma_start3A_68 = arith.constant 3 : i32
    %dma_start3A_69 = arith.constant 0 : i32
    %dma_start3A_70 = tpu.memref_slice %arg8[%dma_start3A_68, %dma_start3A_69] : memref<100x64xi32, #tpu.memory_space<vmem>> -> memref<1x64xi32, #tpu.memory_space<vmem>>
    %dma_start3A_71 = tpu.memref_squeeze %dma_start3A_70 : memref<1x64xi32, #tpu.memory_space<vmem>> -> memref<64xi32, #tpu.memory_space<vmem>>
    %dma_start3A_72 = arith.constant 0 : i32
    %dma_start3A_73 = arith.constant 0 : i32
    %dma_start3A_74 = tpu.memref_slice %arg2[%dma_start3A_72, %dma_start3A_73] : memref<100000x128xf32, #tpu.memory_space<hbm>> -> memref<100000x128xf32, #tpu.memory_space<hbm>>
    tpu.enqueue_indirect_dma source(%dma_start3A_74 : memref<100000x128xf32, #tpu.memory_space<hbm>>) target(%arg20 : memref<64x128xf32, #tpu.memory_space<vmem>>) offsets(%dma_start3A_71 : memref<64xi32, #tpu.memory_space<vmem>>) semaphore(%arg26 : memref<!tpu.dma_semaphore, #tpu.memory_space<semaphore_mem>>)
    %dma_start3A_75 = arith.constant 3 : i32
    %dma_start3A_76 = arith.constant 0 : i32
    %dma_start3A_77 = arith.constant 0 : i32
    %dma_start3A_78 = tpu.memref_slice %arg5[%add3A, %dma_start3A_76, %dma_start3A_77] : memref<32x100x1024xf32, #tpu.memory_space<hbm>> -> memref<1x100x1024xf32, #tpu.memory_space<hbm>>
    %dma_start3A_79 = tpu.memref_squeeze %dma_start3A_78 : memref<1x100x1024xf32, #tpu.memory_space<hbm>> -> memref<100x1024xf32, #tpu.memory_space<hbm>>
    %dma_start3A_80 = arith.constant 0 : i32
    %dma_start3A_81 = tpu.memref_slice %dma_start3A_79[%dma_start3A_75, %dma_start3A_80] : memref<100x1024xf32, #tpu.memory_space<hbm>> -> memref<1x1024xf32, #tpu.memory_space<hbm>>
    %dma_start3A_82 = tpu.memref_squeeze %dma_start3A_81 : memref<1x1024xf32, #tpu.memory_space<hbm>> -> memref<1024xf32, #tpu.memory_space<hbm>>
    %dma_start3A_83 = arith.constant 0 : i32
    %dma_start3A_84 = arith.constant 0 : i32
    %dma_start3A_85 = tpu.memref_slice %arg5[%add3A, %dma_start3A_83, %dma_start3A_84] : memref<32x100x1024xf32, #tpu.memory_space<hbm>> -> memref<1x100x1024xf32, #tpu.memory_space<hbm>>
    %dma_start3A_86 = tpu.memref_squeeze %dma_start3A_85 : memref<1x100x1024xf32, #tpu.memory_space<hbm>> -> memref<100x1024xf32, #tpu.memory_space<hbm>>
    %dma_start3A_87 = arith.constant 0 : i32
    %dma_start3A_88 = tpu.memref_slice %dma_start3A_86[%dma_start3A_75, %dma_start3A_87] : memref<100x1024xf32, #tpu.memory_space<hbm>> -> memref<1x1024xf32, #tpu.memory_space<hbm>>
    %dma_start3A_89 = tpu.memref_squeeze %dma_start3A_88 : memref<1x1024xf32, #tpu.memory_space<hbm>> -> memref<1024xf32, #tpu.memory_space<hbm>>
    tpu.enqueue_dma source(%dma_start3A_89 : memref<1024xf32, #tpu.memory_space<hbm>>) target(%arg22 : memref<1024xf32, #tpu.memory_space<vmem>>) target_semaphore(%arg30 : memref<!tpu.dma_semaphore, #tpu.memory_space<semaphore_mem>>)
    %scan3A = arith.constant 0 : i32
    %scan3A_90 = arith.constant 0 : i32
    %scan3A_91 = arith.constant 25 : i32
    %scan3A_92 = arith.addi %scan3A_90, %scan3A_91 : i32
    %scan3A_93 = arith.constant 1 : i32
    scf.for %scan3A_118 = %scan3A_90 to %scan3A_92 step %scan3A_93  : i32 {
      %mul3A_119 = arith.constant 4 : i32
      %mul3A_120 = arith.muli %mul3A_119, %scan3A_118 : i32
      %add3A_121 = arith.constant 0 : i32
      %add3A_122 = arith.addi %mul3A_120, %add3A_121 : i32
      %gt3A = arith.constant 0 : i32
      %gt3A_123 = arith.cmpi sgt, %scan3A_118, %gt3A : i32
      %convert_element_type3A = arith.extui %gt3A_123 : i1 to i32
      %cond3A = arith.constant 0 : i32
      %cond3A_124 = arith.cmpi ne, %convert_element_type3A, %cond3A : i32
      scf.if %cond3A_124 {
        %sub3A = arith.constant 4 : i32
        %sub3A_404 = arith.subi %add3A_122, %sub3A : i32
        %mul3A_405 = arith.constant 64 : i32
        %mul3A_406 = arith.muli %sub3A_404, %mul3A_405 : i32
        %add3A_407 = arith.addi %mul3A_2, %mul3A_406 : i32
        %dma_wait3A_408 = arith.constant 0 : i32
        %dma_wait3A_409 = tpu.memref_slice %arg7[%add3A_407, %dma_wait3A_408] : memref<204800x128xf32, #tpu.memory_space<hbm>> -> memref<64x128xf32, #tpu.memory_space<hbm>>
        %dma_wait3A_410 = arith.constant 0 : i32
        %dma_wait3A_411 = tpu.memref_slice %arg7[%add3A_407, %dma_wait3A_410] : memref<204800x128xf32, #tpu.memory_space<hbm>> -> memref<64x128xf32, #tpu.memory_space<hbm>>
        tpu.wait_dma2 semaphore(%arg31 : memref<!tpu.dma_semaphore, #tpu.memory_space<semaphore_mem>>) src(%arg12 : memref<64x128xf32, #tpu.memory_space<vmem>>) dst(%dma_wait3A_411 : memref<64x128xf32, #tpu.memory_space<hbm>>)
      } else {
      }
      %dma_wait3A_125 = arith.constant 0 : i32
      %dma_wait3A_126 = arith.constant 0 : i32
      %dma_wait3A_127 = tpu.memref_slice %arg5[%add3A, %dma_wait3A_125, %dma_wait3A_126] : memref<32x100x1024xf32, #tpu.memory_space<hbm>> -> memref<1x100x1024xf32, #tpu.memory_space<hbm>>
      %dma_wait3A_128 = tpu.memref_squeeze %dma_wait3A_127 : memref<1x100x1024xf32, #tpu.memory_space<hbm>> -> memref<100x1024xf32, #tpu.memory_space<hbm>>
      %dma_wait3A_129 = arith.constant 0 : i32
      %dma_wait3A_130 = tpu.memref_slice %dma_wait3A_128[%add3A_122, %dma_wait3A_129] : memref<100x1024xf32, #tpu.memory_space<hbm>> -> memref<1x1024xf32, #tpu.memory_space<hbm>>
      %dma_wait3A_131 = tpu.memref_squeeze %dma_wait3A_130 : memref<1x1024xf32, #tpu.memory_space<hbm>> -> memref<1024xf32, #tpu.memory_space<hbm>>
      %dma_wait3A_132 = arith.constant 0 : i32
      %dma_wait3A_133 = arith.constant 0 : i32
      %dma_wait3A_134 = tpu.memref_slice %arg5[%add3A, %dma_wait3A_132, %dma_wait3A_133] : memref<32x100x1024xf32, #tpu.memory_space<hbm>> -> memref<1x100x1024xf32, #tpu.memory_space<hbm>>
      %dma_wait3A_135 = tpu.memref_squeeze %dma_wait3A_134 : memref<1x100x1024xf32, #tpu.memory_space<hbm>> -> memref<100x1024xf32, #tpu.memory_space<hbm>>
      %dma_wait3A_136 = arith.constant 0 : i32
      %dma_wait3A_137 = tpu.memref_slice %dma_wait3A_135[%add3A_122, %dma_wait3A_136] : memref<100x1024xf32, #tpu.memory_space<hbm>> -> memref<1x1024xf32, #tpu.memory_space<hbm>>
      %dma_wait3A_138 = tpu.memref_squeeze %dma_wait3A_137 : memref<1x1024xf32, #tpu.memory_space<hbm>> -> memref<1024xf32, #tpu.memory_space<hbm>>
      tpu.wait_dma2 semaphore(%arg27 : memref<!tpu.dma_semaphore, #tpu.memory_space<semaphore_mem>>) src(%dma_wait3A_138 : memref<1024xf32, #tpu.memory_space<hbm>>) dst(%arg13 : memref<1024xf32, #tpu.memory_space<vmem>>)
      %dma_wait3A_139 = arith.constant 0 : i32
      %dma_wait3A_140 = tpu.memref_slice %arg8[%add3A_122, %dma_wait3A_139] : memref<100x64xi32, #tpu.memory_space<vmem>> -> memref<1x64xi32, #tpu.memory_space<vmem>>
      %dma_wait3A_141 = tpu.memref_squeeze %dma_wait3A_140 : memref<1x64xi32, #tpu.memory_space<vmem>> -> memref<64xi32, #tpu.memory_space<vmem>>
      %dma_wait3A_142 = arith.constant 0 : i32
      %dma_wait3A_143 = arith.constant 0 : i32
      %dma_wait3A_144 = tpu.memref_slice %arg2[%dma_wait3A_142, %dma_wait3A_143] : memref<100000x128xf32, #tpu.memory_space<hbm>> -> memref<100000x128xf32, #tpu.memory_space<hbm>>
      tpu.wait_indirect_dma semaphore(%arg23 : memref<!tpu.dma_semaphore, #tpu.memory_space<semaphore_mem>>) src(%dma_wait3A_144 : memref<100000x128xf32, #tpu.memory_space<hbm>>) dst(%arg11 : memref<64x128xf32, #tpu.memory_space<vmem>>)
      %mul3A_145 = arith.constant 64 : i32
      %mul3A_146 = arith.muli %add3A_122, %mul3A_145 : i32
      %add3A_147 = arith.addi %mul3A_2, %mul3A_146 : i32
      %rem3A = arith.constant 200 : i32
      %rem3A_148 = arith.remsi %add3A_147, %rem3A : i32
      %get3A = arith.constant 0 : index
      %get3A_149 = tpu.vector_load %arg10[%get3A] {strides = array<i32>} : memref<128xf32, #tpu.memory_space<vmem>>, vector<16xf32>,
      %get3A_150 = vector.shape_cast %get3A_149 : vector<16xf32> to vector<16xf32>
      %get3A_151 = arith.constant 16 : index
      %get3A_152 = tpu.vector_load %arg10[%get3A_151] {strides = array<i32>} : memref<128xf32, #tpu.memory_space<vmem>>, vector<16xf32>,
      %get3A_153 = vector.shape_cast %get3A_152 : vector<16xf32> to vector<16xf32>
      %get3A_154 = arith.constant 32 : index
      %get3A_155 = tpu.vector_load %arg10[%get3A_154] {strides = array<i32>} : memref<128xf32, #tpu.memory_space<vmem>>, vector<16xf32>,
      %get3A_156 = vector.shape_cast %get3A_155 : vector<16xf32> to vector<16xf32>
      %get3A_157 = arith.constant 48 : index
      %get3A_158 = tpu.vector_load %arg10[%get3A_157] {strides = array<i32>} : memref<128xf32, #tpu.memory_space<vmem>>, vector<16xf32>,
      %get3A_159 = vector.shape_cast %get3A_158 : vector<16xf32> to vector<16xf32>
      %get3A_160 = arith.constant 64 : index
      %get3A_161 = tpu.vector_load %arg10[%get3A_160] {strides = array<i32>} : memref<128xf32, #tpu.memory_space<vmem>>, vector<16xf32>,
      %get3A_162 = vector.shape_cast %get3A_161 : vector<16xf32> to vector<16xf32>
      %get3A_163 = arith.constant 80 : index
      %get3A_164 = tpu.vector_load %arg10[%get3A_163] {strides = array<i32>} : memref<128xf32, #tpu.memory_space<vmem>>, vector<16xf32>,
      %get3A_165 = vector.shape_cast %get3A_164 : vector<16xf32> to vector<16xf32>
      %get3A_166 = arith.constant 96 : index
      %get3A_167 = tpu.vector_load %arg10[%get3A_166] {strides = array<i32>} : memref<128xf32, #tpu.memory_space<vmem>>, vector<16xf32>,
      %get3A_168 = vector.shape_cast %get3A_167 : vector<16xf32> to vector<16xf32>
      %get3A_169 = arith.constant 112 : index
      %get3A_170 = tpu.vector_load %arg10[%get3A_169] {strides = array<i32>} : memref<128xf32, #tpu.memory_space<vmem>>, vector<16xf32>,
      %get3A_171 = vector.shape_cast %get3A_170 : vector<16xf32> to vector<16xf32>
      %parallel_loop3A = arith.constant 0 : i32
      %parallel_loop3A_172 = arith.constant 64 : i32
      %parallel_loop3A_173 = arith.constant 1 : i32
      scf.for %parallel_loop3A_404 = %parallel_loop3A to %parallel_loop3A_172 step %parallel_loop3A_173  : i32 {
        %parallel_loop3A_405 = arith.constant 16 : i32
        %parallel_loop3A_406 = arith.muli %parallel_loop3A_404, %parallel_loop3A_405 : i32
        %parallel_loop3A_407 = arith.index_cast %parallel_loop3A_406 : i32 to index
        %parallel_loop3A_408 = tpu.vector_load %arg13[%parallel_loop3A_407] {strides = array<i32>} : memref<1024xf32, #tpu.memory_space<vmem>>, vector<16xf32>,
        %parallel_loop3A_409 = vector.shape_cast %parallel_loop3A_408 : vector<16xf32> to vector<16xf32>
        %parallel_loop3A_410 = arith.addi %rem3A_148, %parallel_loop3A_404 : i32
        %parallel_loop3A_411 = arith.index_cast %parallel_loop3A_404 : i32 to index
        %parallel_loop3A_412 = arith.constant 0 : index
        %parallel_loop3A_413 = tpu.vector_load %arg11[%parallel_loop3A_411, %parallel_loop3A_412] {strides = array<i32>} : memref<64x128xf32, #tpu.memory_space<vmem>>, vector<1x16xf32>,
        %parallel_loop3A_414 = vector.shape_cast %parallel_loop3A_413 : vector<1x16xf32> to vector<16xf32>
        %parallel_loop3A_415 = arith.index_cast %parallel_loop3A_410 : i32 to index
        %parallel_loop3A_416 = arith.constant 0 : index
        %parallel_loop3A_417 = tpu.vector_load %arg9[%parallel_loop3A_415, %parallel_loop3A_416] {strides = array<i32>} : memref<264x128xf32, #tpu.memory_space<vmem>>, vector<1x16xf32>,
        %parallel_loop3A_418 = vector.shape_cast %parallel_loop3A_417 : vector<1x16xf32> to vector<16xf32>
        %parallel_loop3A_419 = arith.addf %parallel_loop3A_414, %parallel_loop3A_418 : vector<16xf32>
        %parallel_loop3A_420 = arith.mulf %parallel_loop3A_409, %get3A_150 : vector<16xf32>
        %parallel_loop3A_421 = arith.addf %parallel_loop3A_419, %parallel_loop3A_420 : vector<16xf32>
        %parallel_loop3A_422 = arith.index_cast %parallel_loop3A_404 : i32 to index
        %parallel_loop3A_423 = arith.constant 0 : index
        %parallel_loop3A_424 = tpu.vector_load %arg12[%parallel_loop3A_422, %parallel_loop3A_423] {strides = array<i32>} : memref<64x128xf32, #tpu.memory_space<vmem>>, vector<1x16xf32>,
        %parallel_loop3A_425 = vector.shape_cast %parallel_loop3A_424 : vector<1x16xf32> to vector<16xf32>
        %parallel_loop3A_426 = vector.shape_cast %parallel_loop3A_421 : vector<16xf32> to vector<1x16xf32>
        tpu.vector_store %arg12[%parallel_loop3A_422, %parallel_loop3A_423], %parallel_loop3A_426 {strides = array<i32>} : memref<64x128xf32, #tpu.memory_space<vmem>>, vector<1x16xf32>,
        %parallel_loop3A_427 = arith.index_cast %parallel_loop3A_404 : i32 to index
        %parallel_loop3A_428 = arith.constant 16 : index
        %parallel_loop3A_429 = tpu.vector_load %arg11[%parallel_loop3A_427, %parallel_loop3A_428] {strides = array<i32>} : memref<64x128xf32, #tpu.memory_space<vmem>>, vector<1x16xf32>,
        %parallel_loop3A_430 = vector.shape_cast %parallel_loop3A_429 : vector<1x16xf32> to vector<16xf32>
        %parallel_loop3A_431 = arith.index_cast %parallel_loop3A_410 : i32 to index
        %parallel_loop3A_432 = arith.constant 16 : index
        %parallel_loop3A_433 = tpu.vector_load %arg9[%parallel_loop3A_431, %parallel_loop3A_432] {strides = array<i32>} : memref<264x128xf32, #tpu.memory_space<vmem>>, vector<1x16xf32>,
        %parallel_loop3A_434 = vector.shape_cast %parallel_loop3A_433 : vector<1x16xf32> to vector<16xf32>
        %parallel_loop3A_435 = arith.addf %parallel_loop3A_430, %parallel_loop3A_434 : vector<16xf32>
        %parallel_loop3A_436 = arith.mulf %parallel_loop3A_409, %get3A_153 : vector<16xf32>
        %parallel_loop3A_437 = arith.addf %parallel_loop3A_435, %parallel_loop3A_436 : vector<16xf32>
        %parallel_loop3A_438 = arith.index_cast %parallel_loop3A_404 : i32 to index
        %parallel_loop3A_439 = arith.constant 16 : index
        %parallel_loop3A_440 = tpu.vector_load %arg12[%parallel_loop3A_438, %parallel_loop3A_439] {strides = array<i32>} : memref<64x128xf32, #tpu.memory_space<vmem>>, vector<1x16xf32>,
        %parallel_loop3A_441 = vector.shape_cast %parallel_loop3A_440 : vector<1x16xf32> to vector<16xf32>
        %parallel_loop3A_442 = vector.shape_cast %parallel_loop3A_437 : vector<16xf32> to vector<1x16xf32>
        tpu.vector_store %arg12[%parallel_loop3A_438, %parallel_loop3A_439], %parallel_loop3A_442 {strides = array<i32>} : memref<64x128xf32, #tpu.memory_space<vmem>>, vector<1x16xf32>,
        %parallel_loop3A_443 = arith.index_cast %parallel_loop3A_404 : i32 to index
        %parallel_loop3A_444 = arith.constant 32 : index
        %parallel_loop3A_445 = tpu.vector_load %arg11[%parallel_loop3A_443, %parallel_loop3A_444] {strides = array<i32>} : memref<64x128xf32, #tpu.memory_space<vmem>>, vector<1x16xf32>,
        %parallel_loop3A_446 = vector.shape_cast %parallel_loop3A_445 : vector<1x16xf32> to vector<16xf32>
        %parallel_loop3A_447 = arith.index_cast %parallel_loop3A_410 : i32 to index
        %parallel_loop3A_448 = arith.constant 32 : index
        %parallel_loop3A_449 = tpu.vector_load %arg9[%parallel_loop3A_447, %parallel_loop3A_448] {strides = array<i32>} : memref<264x128xf32, #tpu.memory_space<vmem>>, vector<1x16xf32>,
        %parallel_loop3A_450 = vector.shape_cast %parallel_loop3A_449 : vector<1x16xf32> to vector<16xf32>
        %parallel_loop3A_451 = arith.addf %parallel_loop3A_446, %parallel_loop3A_450 : vector<16xf32>
        %parallel_loop3A_452 = arith.mulf %parallel_loop3A_409, %get3A_156 : vector<16xf32>
        %parallel_loop3A_453 = arith.addf %parallel_loop3A_451, %parallel_loop3A_452 : vector<16xf32>
        %parallel_loop3A_454 = arith.index_cast %parallel_loop3A_404 : i32 to index
        %parallel_loop3A_455 = arith.constant 32 : index
        %parallel_loop3A_456 = tpu.vector_load %arg12[%parallel_loop3A_454, %parallel_loop3A_455] {strides = array<i32>} : memref<64x128xf32, #tpu.memory_space<vmem>>, vector<1x16xf32>,
        %parallel_loop3A_457 = vector.shape_cast %parallel_loop3A_456 : vector<1x16xf32> to vector<16xf32>
        %parallel_loop3A_458 = vector.shape_cast %parallel_loop3A_453 : vector<16xf32> to vector<1x16xf32>
        tpu.vector_store %arg12[%parallel_loop3A_454, %parallel_loop3A_455], %parallel_loop3A_458 {strides = array<i32>} : memref<64x128xf32, #tpu.memory_space<vmem>>, vector<1x16xf32>,
        %parallel_loop3A_459 = arith.index_cast %parallel_loop3A_404 : i32 to index
        %parallel_loop3A_460 = arith.constant 48 : index
        %parallel_loop3A_461 = tpu.vector_load %arg11[%parallel_loop3A_459, %parallel_loop3A_460] {strides = array<i32>} : memref<64x128xf32, #tpu.memory_space<vmem>>, vector<1x16xf32>,
        %parallel_loop3A_462 = vector.shape_cast %parallel_loop3A_461 : vector<1x16xf32> to vector<16xf32>
        %parallel_loop3A_463 = arith.index_cast %parallel_loop3A_410 : i32 to index
        %parallel_loop3A_464 = arith.constant 48 : index
        %parallel_loop3A_465 = tpu.vector_load %arg9[%parallel_loop3A_463, %parallel_loop3A_464] {strides = array<i32>} : memref<264x128xf32, #tpu.memory_space<vmem>>, vector<1x16xf32>,
        %parallel_loop3A_466 = vector.shape_cast %parallel_loop3A_465 : vector<1x16xf32> to vector<16xf32>
        %parallel_loop3A_467 = arith.addf %parallel_loop3A_462, %parallel_loop3A_466 : vector<16xf32>
        %parallel_loop3A_468 = arith.mulf %parallel_loop3A_409, %get3A_159 : vector<16xf32>
        %parallel_loop3A_469 = arith.addf %parallel_loop3A_467, %parallel_loop3A_468 : vector<16xf32>
        %parallel_loop3A_470 = arith.index_cast %parallel_loop3A_404 : i32 to index
        %parallel_loop3A_471 = arith.constant 48 : index
        %parallel_loop3A_472 = tpu.vector_load %arg12[%parallel_loop3A_470, %parallel_loop3A_471] {strides = array<i32>} : memref<64x128xf32, #tpu.memory_space<vmem>>, vector<1x16xf32>,
        %parallel_loop3A_473 = vector.shape_cast %parallel_loop3A_472 : vector<1x16xf32> to vector<16xf32>
        %parallel_loop3A_474 = vector.shape_cast %parallel_loop3A_469 : vector<16xf32> to vector<1x16xf32>
        tpu.vector_store %arg12[%parallel_loop3A_470, %parallel_loop3A_471], %parallel_loop3A_474 {strides = array<i32>} : memref<64x128xf32, #tpu.memory_space<vmem>>, vector<1x16xf32>,
        %parallel_loop3A_475 = arith.index_cast %parallel_loop3A_404 : i32 to index
        %parallel_loop3A_476 = arith.constant 64 : index
        %parallel_loop3A_477 = tpu.vector_load %arg11[%parallel_loop3A_475, %parallel_loop3A_476] {strides = array<i32>} : memref<64x128xf32, #tpu.memory_space<vmem>>, vector<1x16xf32>,
        %parallel_loop3A_478 = vector.shape_cast %parallel_loop3A_477 : vector<1x16xf32> to vector<16xf32>
        %parallel_loop3A_479 = arith.index_cast %parallel_loop3A_410 : i32 to index
        %parallel_loop3A_480 = arith.constant 64 : index
        %parallel_loop3A_481 = tpu.vector_load %arg9[%parallel_loop3A_479, %parallel_loop3A_480] {strides = array<i32>} : memref<264x128xf32, #tpu.memory_space<vmem>>, vector<1x16xf32>,
        %parallel_loop3A_482 = vector.shape_cast %parallel_loop3A_481 : vector<1x16xf32> to vector<16xf32>
        %parallel_loop3A_483 = arith.addf %parallel_loop3A_478, %parallel_loop3A_482 : vector<16xf32>
        %parallel_loop3A_484 = arith.mulf %parallel_loop3A_409, %get3A_162 : vector<16xf32>
        %parallel_loop3A_485 = arith.addf %parallel_loop3A_483, %parallel_loop3A_484 : vector<16xf32>
        %parallel_loop3A_486 = arith.index_cast %parallel_loop3A_404 : i32 to index
        %parallel_loop3A_487 = arith.constant 64 : index
        %parallel_loop3A_488 = tpu.vector_load %arg12[%parallel_loop3A_486, %parallel_loop3A_487] {strides = array<i32>} : memref<64x128xf32, #tpu.memory_space<vmem>>, vector<1x16xf32>,
        %parallel_loop3A_489 = vector.shape_cast %parallel_loop3A_488 : vector<1x16xf32> to vector<16xf32>
        %parallel_loop3A_490 = vector.shape_cast %parallel_loop3A_485 : vector<16xf32> to vector<1x16xf32>
        tpu.vector_store %arg12[%parallel_loop3A_486, %parallel_loop3A_487], %parallel_loop3A_490 {strides = array<i32>} : memref<64x128xf32, #tpu.memory_space<vmem>>, vector<1x16xf32>,
        %parallel_loop3A_491 = arith.index_cast %parallel_loop3A_404 : i32 to index
        %parallel_loop3A_492 = arith.constant 80 : index
        %parallel_loop3A_493 = tpu.vector_load %arg11[%parallel_loop3A_491, %parallel_loop3A_492] {strides = array<i32>} : memref<64x128xf32, #tpu.memory_space<vmem>>, vector<1x16xf32>,
        %parallel_loop3A_494 = vector.shape_cast %parallel_loop3A_493 : vector<1x16xf32> to vector<16xf32>
        %parallel_loop3A_495 = arith.index_cast %parallel_loop3A_410 : i32 to index
        %parallel_loop3A_496 = arith.constant 80 : index
        %parallel_loop3A_497 = tpu.vector_load %arg9[%parallel_loop3A_495, %parallel_loop3A_496] {strides = array<i32>} : memref<264x128xf32, #tpu.memory_space<vmem>>, vector<1x16xf32>,
        %parallel_loop3A_498 = vector.shape_cast %parallel_loop3A_497 : vector<1x16xf32> to vector<16xf32>
        %parallel_loop3A_499 = arith.addf %parallel_loop3A_494, %parallel_loop3A_498 : vector<16xf32>
        %parallel_loop3A_500 = arith.mulf %parallel_loop3A_409, %get3A_165 : vector<16xf32>
        %parallel_loop3A_501 = arith.addf %parallel_loop3A_499, %parallel_loop3A_500 : vector<16xf32>
        %parallel_loop3A_502 = arith.index_cast %parallel_loop3A_404 : i32 to index
        %parallel_loop3A_503 = arith.constant 80 : index
        %parallel_loop3A_504 = tpu.vector_load %arg12[%parallel_loop3A_502, %parallel_loop3A_503] {strides = array<i32>} : memref<64x128xf32, #tpu.memory_space<vmem>>, vector<1x16xf32>,
        %parallel_loop3A_505 = vector.shape_cast %parallel_loop3A_504 : vector<1x16xf32> to vector<16xf32>
        %parallel_loop3A_506 = vector.shape_cast %parallel_loop3A_501 : vector<16xf32> to vector<1x16xf32>
        tpu.vector_store %arg12[%parallel_loop3A_502, %parallel_loop3A_503], %parallel_loop3A_506 {strides = array<i32>} : memref<64x128xf32, #tpu.memory_space<vmem>>, vector<1x16xf32>,
        %parallel_loop3A_507 = arith.index_cast %parallel_loop3A_404 : i32 to index
        %parallel_loop3A_508 = arith.constant 96 : index
        %parallel_loop3A_509 = tpu.vector_load %arg11[%parallel_loop3A_507, %parallel_loop3A_508] {strides = array<i32>} : memref<64x128xf32, #tpu.memory_space<vmem>>, vector<1x16xf32>,
        %parallel_loop3A_510 = vector.shape_cast %parallel_loop3A_509 : vector<1x16xf32> to vector<16xf32>
        %parallel_loop3A_511 = arith.index_cast %parallel_loop3A_410 : i32 to index
        %parallel_loop3A_512 = arith.constant 96 : index
        %parallel_loop3A_513 = tpu.vector_load %arg9[%parallel_loop3A_511, %parallel_loop3A_512] {strides = array<i32>} : memref<264x128xf32, #tpu.memory_space<vmem>>, vector<1x16xf32>,
        %parallel_loop3A_514 = vector.shape_cast %parallel_loop3A_513 : vector<1x16xf32> to vector<16xf32>
        %parallel_loop3A_515 = arith.addf %parallel_loop3A_510, %parallel_loop3A_514 : vector<16xf32>
        %parallel_loop3A_516 = arith.mulf %parallel_loop3A_409, %get3A_168 : vector<16xf32>
        %parallel_loop3A_517 = arith.addf %parallel_loop3A_515, %parallel_loop3A_516 : vector<16xf32>
        %parallel_loop3A_518 = arith.index_cast %parallel_loop3A_404 : i32 to index
        %parallel_loop3A_519 = arith.constant 96 : index
        %parallel_loop3A_520 = tpu.vector_load %arg12[%parallel_loop3A_518, %parallel_loop3A_519] {strides = array<i32>} : memref<64x128xf32, #tpu.memory_space<vmem>>, vector<1x16xf32>,
        %parallel_loop3A_521 = vector.shape_cast %parallel_loop3A_520 : vector<1x16xf32> to vector<16xf32>
        %parallel_loop3A_522 = vector.shape_cast %parallel_loop3A_517 : vector<16xf32> to vector<1x16xf32>
        tpu.vector_store %arg12[%parallel_loop3A_518, %parallel_loop3A_519], %parallel_loop3A_522 {strides = array<i32>} : memref<64x128xf32, #tpu.memory_space<vmem>>, vector<1x16xf32>,
        %parallel_loop3A_523 = arith.index_cast %parallel_loop3A_404 : i32 to index
        %parallel_loop3A_524 = arith.constant 112 : index
        %parallel_loop3A_525 = tpu.vector_load %arg11[%parallel_loop3A_523, %parallel_loop3A_524] {strides = array<i32>} : memref<64x128xf32, #tpu.memory_space<vmem>>, vector<1x16xf32>,
        %parallel_loop3A_526 = vector.shape_cast %parallel_loop3A_525 : vector<1x16xf32> to vector<16xf32>
        %parallel_loop3A_527 = arith.index_cast %parallel_loop3A_410 : i32 to index
        %parallel_loop3A_528 = arith.constant 112 : index
        %parallel_loop3A_529 = tpu.vector_load %arg9[%parallel_loop3A_527, %parallel_loop3A_528] {strides = array<i32>} : memref<264x128xf32, #tpu.memory_space<vmem>>, vector<1x16xf32>,
        %parallel_loop3A_530 = vector.shape_cast %parallel_loop3A_529 : vector<1x16xf32> to vector<16xf32>
        %parallel_loop3A_531 = arith.addf %parallel_loop3A_526, %parallel_loop3A_530 : vector<16xf32>
        %parallel_loop3A_532 = arith.mulf %parallel_loop3A_409, %get3A_171 : vector<16xf32>
        %parallel_loop3A_533 = arith.addf %parallel_loop3A_531, %parallel_loop3A_532 : vector<16xf32>
        %parallel_loop3A_534 = arith.index_cast %parallel_loop3A_404 : i32 to index
        %parallel_loop3A_535 = arith.constant 112 : index
        %parallel_loop3A_536 = tpu.vector_load %arg12[%parallel_loop3A_534, %parallel_loop3A_535] {strides = array<i32>} : memref<64x128xf32, #tpu.memory_space<vmem>>, vector<1x16xf32>,
        %parallel_loop3A_537 = vector.shape_cast %parallel_loop3A_536 : vector<1x16xf32> to vector<16xf32>
        %parallel_loop3A_538 = vector.shape_cast %parallel_loop3A_533 : vector<16xf32> to vector<1x16xf32>
        tpu.vector_store %arg12[%parallel_loop3A_534, %parallel_loop3A_535], %parallel_loop3A_538 {strides = array<i32>} : memref<64x128xf32, #tpu.memory_space<vmem>>, vector<1x16xf32>,
      } {sc.loop_unroll_factor = 4 : i64, sc.parallel_access}
      %lt3A = arith.constant 24 : i32
      %lt3A_174 = arith.cmpi slt, %scan3A_118, %lt3A : i32
      %convert_element_type3A_175 = arith.extui %lt3A_174 : i1 to i32
      %cond3A_176 = arith.constant 0 : i32
      %cond3A_177 = arith.cmpi ne, %convert_element_type3A_175, %cond3A_176 : i32
      scf.if %cond3A_177 {
        %add3A_404 = arith.constant 4 : i32
        %add3A_405 = arith.addi %add3A_122, %add3A_404 : i32
        %dma_start3A_406 = arith.constant 0 : i32
        %dma_start3A_407 = tpu.memref_slice %arg8[%add3A_405, %dma_start3A_406] : memref<100x64xi32, #tpu.memory_space<vmem>> -> memref<1x64xi32, #tpu.memory_space<vmem>>
        %dma_start3A_408 = tpu.memref_squeeze %dma_start3A_407 : memref<1x64xi32, #tpu.memory_space<vmem>> -> memref<64xi32, #tpu.memory_space<vmem>>
        %dma_start3A_409 = arith.constant 0 : i32
        %dma_start3A_410 = arith.constant 0 : i32
        %dma_start3A_411 = tpu.memref_slice %arg2[%dma_start3A_409, %dma_start3A_410] : memref<100000x128xf32, #tpu.memory_space<hbm>> -> memref<100000x128xf32, #tpu.memory_space<hbm>>
        tpu.enqueue_indirect_dma source(%dma_start3A_411 : memref<100000x128xf32, #tpu.memory_space<hbm>>) target(%arg11 : memref<64x128xf32, #tpu.memory_space<vmem>>) offsets(%dma_start3A_408 : memref<64xi32, #tpu.memory_space<vmem>>) semaphore(%arg23 : memref<!tpu.dma_semaphore, #tpu.memory_space<semaphore_mem>>)
        %dma_start3A_412 = arith.constant 0 : i32
        %dma_start3A_413 = arith.constant 0 : i32
        %dma_start3A_414 = tpu.memref_slice %arg5[%add3A, %dma_start3A_412, %dma_start3A_413] : memref<32x100x1024xf32, #tpu.memory_space<hbm>> -> memref<1x100x1024xf32, #tpu.memory_space<hbm>>
        %dma_start3A_415 = tpu.memref_squeeze %dma_start3A_414 : memref<1x100x1024xf32, #tpu.memory_space<hbm>> -> memref<100x1024xf32, #tpu.memory_space<hbm>>
        %dma_start3A_416 = arith.constant 0 : i32
        %dma_start3A_417 = tpu.memref_slice %dma_start3A_415[%add3A_405, %dma_start3A_416] : memref<100x1024xf32, #tpu.memory_space<hbm>> -> memref<1x1024xf32, #tpu.memory_space<hbm>>
        %dma_start3A_418 = tpu.memref_squeeze %dma_start3A_417 : memref<1x1024xf32, #tpu.memory_space<hbm>> -> memref<1024xf32, #tpu.memory_space<hbm>>
        %dma_start3A_419 = arith.constant 0 : i32
        %dma_start3A_420 = arith.constant 0 : i32
        %dma_start3A_421 = tpu.memref_slice %arg5[%add3A, %dma_start3A_419, %dma_start3A_420] : memref<32x100x1024xf32, #tpu.memory_space<hbm>> -> memref<1x100x1024xf32, #tpu.memory_space<hbm>>
        %dma_start3A_422 = tpu.memref_squeeze %dma_start3A_421 : memref<1x100x1024xf32, #tpu.memory_space<hbm>> -> memref<100x1024xf32, #tpu.memory_space<hbm>>
        %dma_start3A_423 = arith.constant 0 : i32
        %dma_start3A_424 = tpu.memref_slice %dma_start3A_422[%add3A_405, %dma_start3A_423] : memref<100x1024xf32, #tpu.memory_space<hbm>> -> memref<1x1024xf32, #tpu.memory_space<hbm>>
        %dma_start3A_425 = tpu.memref_squeeze %dma_start3A_424 : memref<1x1024xf32, #tpu.memory_space<hbm>> -> memref<1024xf32, #tpu.memory_space<hbm>>
        tpu.enqueue_dma source(%dma_start3A_425 : memref<1024xf32, #tpu.memory_space<hbm>>) target(%arg13 : memref<1024xf32, #tpu.memory_space<vmem>>) target_semaphore(%arg27 : memref<!tpu.dma_semaphore, #tpu.memory_space<semaphore_mem>>)
      } else {
      }
      %mul3A_178 = arith.constant 64 : i32
      %mul3A_179 = arith.muli %add3A_122, %mul3A_178 : i32
      %add3A_180 = arith.addi %mul3A_2, %mul3A_179 : i32
      %dma_start3A_181 = arith.constant 0 : i32
      %dma_start3A_182 = tpu.memref_slice %arg7[%add3A_180, %dma_start3A_181] : memref<204800x128xf32, #tpu.memory_space<hbm>> -> memref<64x128xf32, #tpu.memory_space<hbm>>
      %dma_start3A_183 = arith.constant 0 : i32
      %dma_start3A_184 = tpu.memref_slice %arg7[%add3A_180, %dma_start3A_183] : memref<204800x128xf32, #tpu.memory_space<hbm>> -> memref<64x128xf32, #tpu.memory_space<hbm>>
      tpu.enqueue_dma source(%arg12 : memref<64x128xf32, #tpu.memory_space<vmem>>) target(%dma_start3A_184 : memref<64x128xf32, #tpu.memory_space<hbm>>) target_semaphore(%arg31 : memref<!tpu.dma_semaphore, #tpu.memory_space<semaphore_mem>>)
      %mul3A_185 = arith.constant 4 : i32
      %mul3A_186 = arith.muli %mul3A_185, %scan3A_118 : i32
      %add3A_187 = arith.constant 1 : i32
      %add3A_188 = arith.addi %mul3A_186, %add3A_187 : i32
      %gt3A_189 = arith.constant 0 : i32
      %gt3A_190 = arith.cmpi sgt, %scan3A_118, %gt3A_189 : i32
      %convert_element_type3A_191 = arith.extui %gt3A_190 : i1 to i32
      %cond3A_192 = arith.constant 0 : i32
      %cond3A_193 = arith.cmpi ne, %convert_element_type3A_191, %cond3A_192 : i32
      scf.if %cond3A_193 {
        %sub3A = arith.constant 4 : i32
        %sub3A_404 = arith.subi %add3A_188, %sub3A : i32
        %mul3A_405 = arith.constant 64 : i32
        %mul3A_406 = arith.muli %sub3A_404, %mul3A_405 : i32
        %add3A_407 = arith.addi %mul3A_2, %mul3A_406 : i32
        %dma_wait3A_408 = arith.constant 0 : i32
        %dma_wait3A_409 = tpu.memref_slice %arg7[%add3A_407, %dma_wait3A_408] : memref<204800x128xf32, #tpu.memory_space<hbm>> -> memref<64x128xf32, #tpu.memory_space<hbm>>
        %dma_wait3A_410 = arith.constant 0 : i32
        %dma_wait3A_411 = tpu.memref_slice %arg7[%add3A_407, %dma_wait3A_410] : memref<204800x128xf32, #tpu.memory_space<hbm>> -> memref<64x128xf32, #tpu.memory_space<hbm>>
        tpu.wait_dma2 semaphore(%arg32 : memref<!tpu.dma_semaphore, #tpu.memory_space<semaphore_mem>>) src(%arg15 : memref<64x128xf32, #tpu.memory_space<vmem>>) dst(%dma_wait3A_411 : memref<64x128xf32, #tpu.memory_space<hbm>>)
      } else {
      }
      %dma_wait3A_194 = arith.constant 0 : i32
      %dma_wait3A_195 = arith.constant 0 : i32
      %dma_wait3A_196 = tpu.memref_slice %arg5[%add3A, %dma_wait3A_194, %dma_wait3A_195] : memref<32x100x1024xf32, #tpu.memory_space<hbm>> -> memref<1x100x1024xf32, #tpu.memory_space<hbm>>
      %dma_wait3A_197 = tpu.memref_squeeze %dma_wait3A_196 : memref<1x100x1024xf32, #tpu.memory_space<hbm>> -> memref<100x1024xf32, #tpu.memory_space<hbm>>
      %dma_wait3A_198 = arith.constant 0 : i32
      %dma_wait3A_199 = tpu.memref_slice %dma_wait3A_197[%add3A_188, %dma_wait3A_198] : memref<100x1024xf32, #tpu.memory_space<hbm>> -> memref<1x1024xf32, #tpu.memory_space<hbm>>
      %dma_wait3A_200 = tpu.memref_squeeze %dma_wait3A_199 : memref<1x1024xf32, #tpu.memory_space<hbm>> -> memref<1024xf32, #tpu.memory_space<hbm>>
      %dma_wait3A_201 = arith.constant 0 : i32
      %dma_wait3A_202 = arith.constant 0 : i32
      %dma_wait3A_203 = tpu.memref_slice %arg5[%add3A, %dma_wait3A_201, %dma_wait3A_202] : memref<32x100x1024xf32, #tpu.memory_space<hbm>> -> memref<1x100x1024xf32, #tpu.memory_space<hbm>>
      %dma_wait3A_204 = tpu.memref_squeeze %dma_wait3A_203 : memref<1x100x1024xf32, #tpu.memory_space<hbm>> -> memref<100x1024xf32, #tpu.memory_space<hbm>>
      %dma_wait3A_205 = arith.constant 0 : i32
      %dma_wait3A_206 = tpu.memref_slice %dma_wait3A_204[%add3A_188, %dma_wait3A_205] : memref<100x1024xf32, #tpu.memory_space<hbm>> -> memref<1x1024xf32, #tpu.memory_space<hbm>>
      %dma_wait3A_207 = tpu.memref_squeeze %dma_wait3A_206 : memref<1x1024xf32, #tpu.memory_space<hbm>> -> memref<1024xf32, #tpu.memory_space<hbm>>
      tpu.wait_dma2 semaphore(%arg28 : memref<!tpu.dma_semaphore, #tpu.memory_space<semaphore_mem>>) src(%dma_wait3A_207 : memref<1024xf32, #tpu.memory_space<hbm>>) dst(%arg16 : memref<1024xf32, #tpu.memory_space<vmem>>)
      %dma_wait3A_208 = arith.constant 0 : i32
      %dma_wait3A_209 = tpu.memref_slice %arg8[%add3A_188, %dma_wait3A_208] : memref<100x64xi32, #tpu.memory_space<vmem>> -> memref<1x64xi32, #tpu.memory_space<vmem>>
      %dma_wait3A_210 = tpu.memref_squeeze %dma_wait3A_209 : memref<1x64xi32, #tpu.memory_space<vmem>> -> memref<64xi32, #tpu.memory_space<vmem>>
      %dma_wait3A_211 = arith.constant 0 : i32
      %dma_wait3A_212 = arith.constant 0 : i32
      %dma_wait3A_213 = tpu.memref_slice %arg2[%dma_wait3A_211, %dma_wait3A_212] : memref<100000x128xf32, #tpu.memory_space<hbm>> -> memref<100000x128xf32, #tpu.memory_space<hbm>>
      tpu.wait_indirect_dma semaphore(%arg24 : memref<!tpu.dma_semaphore, #tpu.memory_space<semaphore_mem>>) src(%dma_wait3A_213 : memref<100000x128xf32, #tpu.memory_space<hbm>>) dst(%arg14 : memref<64x128xf32, #tpu.memory_space<vmem>>)
      %mul3A_214 = arith.constant 64 : i32
      %mul3A_215 = arith.muli %add3A_188, %mul3A_214 : i32
      %add3A_216 = arith.addi %mul3A_2, %mul3A_215 : i32
      %rem3A_217 = arith.constant 200 : i32
      %rem3A_218 = arith.remsi %add3A_216, %rem3A_217 : i32
      %get3A_219 = arith.constant 0 : index
      %get3A_220 = tpu.vector_load %arg10[%get3A_219] {strides = array<i32>} : memref<128xf32, #tpu.memory_space<vmem>>, vector<16xf32>,
      %get3A_221 = vector.shape_cast %get3A_220 : vector<16xf32> to vector<16xf32>
      %get3A_222 = arith.constant 16 : index
      %get3A_223 = tpu.vector_load %arg10[%get3A_222] {strides = array<i32>} : memref<128xf32, #tpu.memory_space<vmem>>, vector<16xf32>,
      %get3A_224 = vector.shape_cast %get3A_223 : vector<16xf32> to vector<16xf32>
      %get3A_225 = arith.constant 32 : index
      %get3A_226 = tpu.vector_load %arg10[%get3A_225] {strides = array<i32>} : memref<128xf32, #tpu.memory_space<vmem>>, vector<16xf32>,
      %get3A_227 = vector.shape_cast %get3A_226 : vector<16xf32> to vector<16xf32>
      %get3A_228 = arith.constant 48 : index
      %get3A_229 = tpu.vector_load %arg10[%get3A_228] {strides = array<i32>} : memref<128xf32, #tpu.memory_space<vmem>>, vector<16xf32>,
      %get3A_230 = vector.shape_cast %get3A_229 : vector<16xf32> to vector<16xf32>
      %get3A_231 = arith.constant 64 : index
      %get3A_232 = tpu.vector_load %arg10[%get3A_231] {strides = array<i32>} : memref<128xf32, #tpu.memory_space<vmem>>, vector<16xf32>,
      %get3A_233 = vector.shape_cast %get3A_232 : vector<16xf32> to vector<16xf32>
      %get3A_234 = arith.constant 80 : index
      %get3A_235 = tpu.vector_load %arg10[%get3A_234] {strides = array<i32>} : memref<128xf32, #tpu.memory_space<vmem>>, vector<16xf32>,
      %get3A_236 = vector.shape_cast %get3A_235 : vector<16xf32> to vector<16xf32>
      %get3A_237 = arith.constant 96 : index
      %get3A_238 = tpu.vector_load %arg10[%get3A_237] {strides = array<i32>} : memref<128xf32, #tpu.memory_space<vmem>>, vector<16xf32>,
      %get3A_239 = vector.shape_cast %get3A_238 : vector<16xf32> to vector<16xf32>
      %get3A_240 = arith.constant 112 : index
      %get3A_241 = tpu.vector_load %arg10[%get3A_240] {strides = array<i32>} : memref<128xf32, #tpu.memory_space<vmem>>, vector<16xf32>,
      %get3A_242 = vector.shape_cast %get3A_241 : vector<16xf32> to vector<16xf32>
      %parallel_loop3A_243 = arith.constant 0 : i32
      %parallel_loop3A_244 = arith.constant 64 : i32
      %parallel_loop3A_245 = arith.constant 1 : i32
      scf.for %parallel_loop3A_404 = %parallel_loop3A_243 to %parallel_loop3A_244 step %parallel_loop3A_245  : i32 {
        %parallel_loop3A_405 = arith.constant 16 : i32
        %parallel_loop3A_406 = arith.muli %parallel_loop3A_404, %parallel_loop3A_405 : i32
        %parallel_loop3A_407 = arith.index_cast %parallel_loop3A_406 : i32 to index
        %parallel_loop3A_408 = tpu.vector_load %arg16[%parallel_loop3A_407] {strides = array<i32>} : memref<1024xf32, #tpu.memory_space<vmem>>, vector<16xf32>,
        %parallel_loop3A_409 = vector.shape_cast %parallel_loop3A_408 : vector<16xf32> to vector<16xf32>
        %parallel_loop3A_410 = arith.addi %rem3A_218, %parallel_loop3A_404 : i32
        %parallel_loop3A_411 = arith.index_cast %parallel_loop3A_404 : i32 to index
        %parallel_loop3A_412 = arith.constant 0 : index
        %parallel_loop3A_413 = tpu.vector_load %arg14[%parallel_loop3A_411, %parallel_loop3A_412] {strides = array<i32>} : memref<64x128xf32, #tpu.memory_space<vmem>>, vector<1x16xf32>,
        %parallel_loop3A_414 = vector.shape_cast %parallel_loop3A_413 : vector<1x16xf32> to vector<16xf32>
        %parallel_loop3A_415 = arith.index_cast %parallel_loop3A_410 : i32 to index
        %parallel_loop3A_416 = arith.constant 0 : index
        %parallel_loop3A_417 = tpu.vector_load %arg9[%parallel_loop3A_415, %parallel_loop3A_416] {strides = array<i32>} : memref<264x128xf32, #tpu.memory_space<vmem>>, vector<1x16xf32>,
        %parallel_loop3A_418 = vector.shape_cast %parallel_loop3A_417 : vector<1x16xf32> to vector<16xf32>
        %parallel_loop3A_419 = arith.addf %parallel_loop3A_414, %parallel_loop3A_418 : vector<16xf32>
        %parallel_loop3A_420 = arith.mulf %parallel_loop3A_409, %get3A_221 : vector<16xf32>
        %parallel_loop3A_421 = arith.addf %parallel_loop3A_419, %parallel_loop3A_420 : vector<16xf32>
        %parallel_loop3A_422 = arith.index_cast %parallel_loop3A_404 : i32 to index
        %parallel_loop3A_423 = arith.constant 0 : index
        %parallel_loop3A_424 = tpu.vector_load %arg15[%parallel_loop3A_422, %parallel_loop3A_423] {strides = array<i32>} : memref<64x128xf32, #tpu.memory_space<vmem>>, vector<1x16xf32>,
        %parallel_loop3A_425 = vector.shape_cast %parallel_loop3A_424 : vector<1x16xf32> to vector<16xf32>
        %parallel_loop3A_426 = vector.shape_cast %parallel_loop3A_421 : vector<16xf32> to vector<1x16xf32>
        tpu.vector_store %arg15[%parallel_loop3A_422, %parallel_loop3A_423], %parallel_loop3A_426 {strides = array<i32>} : memref<64x128xf32, #tpu.memory_space<vmem>>, vector<1x16xf32>,
        %parallel_loop3A_427 = arith.index_cast %parallel_loop3A_404 : i32 to index
        %parallel_loop3A_428 = arith.constant 16 : index
        %parallel_loop3A_429 = tpu.vector_load %arg14[%parallel_loop3A_427, %parallel_loop3A_428] {strides = array<i32>} : memref<64x128xf32, #tpu.memory_space<vmem>>, vector<1x16xf32>,
        %parallel_loop3A_430 = vector.shape_cast %parallel_loop3A_429 : vector<1x16xf32> to vector<16xf32>
        %parallel_loop3A_431 = arith.index_cast %parallel_loop3A_410 : i32 to index
        %parallel_loop3A_432 = arith.constant 16 : index
        %parallel_loop3A_433 = tpu.vector_load %arg9[%parallel_loop3A_431, %parallel_loop3A_432] {strides = array<i32>} : memref<264x128xf32, #tpu.memory_space<vmem>>, vector<1x16xf32>,
        %parallel_loop3A_434 = vector.shape_cast %parallel_loop3A_433 : vector<1x16xf32> to vector<16xf32>
        %parallel_loop3A_435 = arith.addf %parallel_loop3A_430, %parallel_loop3A_434 : vector<16xf32>
        %parallel_loop3A_436 = arith.mulf %parallel_loop3A_409, %get3A_224 : vector<16xf32>
        %parallel_loop3A_437 = arith.addf %parallel_loop3A_435, %parallel_loop3A_436 : vector<16xf32>
        %parallel_loop3A_438 = arith.index_cast %parallel_loop3A_404 : i32 to index
        %parallel_loop3A_439 = arith.constant 16 : index
        %parallel_loop3A_440 = tpu.vector_load %arg15[%parallel_loop3A_438, %parallel_loop3A_439] {strides = array<i32>} : memref<64x128xf32, #tpu.memory_space<vmem>>, vector<1x16xf32>,
        %parallel_loop3A_441 = vector.shape_cast %parallel_loop3A_440 : vector<1x16xf32> to vector<16xf32>
        %parallel_loop3A_442 = vector.shape_cast %parallel_loop3A_437 : vector<16xf32> to vector<1x16xf32>
        tpu.vector_store %arg15[%parallel_loop3A_438, %parallel_loop3A_439], %parallel_loop3A_442 {strides = array<i32>} : memref<64x128xf32, #tpu.memory_space<vmem>>, vector<1x16xf32>,
        %parallel_loop3A_443 = arith.index_cast %parallel_loop3A_404 : i32 to index
        %parallel_loop3A_444 = arith.constant 32 : index
        %parallel_loop3A_445 = tpu.vector_load %arg14[%parallel_loop3A_443, %parallel_loop3A_444] {strides = array<i32>} : memref<64x128xf32, #tpu.memory_space<vmem>>, vector<1x16xf32>,
        %parallel_loop3A_446 = vector.shape_cast %parallel_loop3A_445 : vector<1x16xf32> to vector<16xf32>
        %parallel_loop3A_447 = arith.index_cast %parallel_loop3A_410 : i32 to index
        %parallel_loop3A_448 = arith.constant 32 : index
        %parallel_loop3A_449 = tpu.vector_load %arg9[%parallel_loop3A_447, %parallel_loop3A_448] {strides = array<i32>} : memref<264x128xf32, #tpu.memory_space<vmem>>, vector<1x16xf32>,
        %parallel_loop3A_450 = vector.shape_cast %parallel_loop3A_449 : vector<1x16xf32> to vector<16xf32>
        %parallel_loop3A_451 = arith.addf %parallel_loop3A_446, %parallel_loop3A_450 : vector<16xf32>
        %parallel_loop3A_452 = arith.mulf %parallel_loop3A_409, %get3A_227 : vector<16xf32>
        %parallel_loop3A_453 = arith.addf %parallel_loop3A_451, %parallel_loop3A_452 : vector<16xf32>
        %parallel_loop3A_454 = arith.index_cast %parallel_loop3A_404 : i32 to index
        %parallel_loop3A_455 = arith.constant 32 : index
        %parallel_loop3A_456 = tpu.vector_load %arg15[%parallel_loop3A_454, %parallel_loop3A_455] {strides = array<i32>} : memref<64x128xf32, #tpu.memory_space<vmem>>, vector<1x16xf32>,
        %parallel_loop3A_457 = vector.shape_cast %parallel_loop3A_456 : vector<1x16xf32> to vector<16xf32>
        %parallel_loop3A_458 = vector.shape_cast %parallel_loop3A_453 : vector<16xf32> to vector<1x16xf32>
        tpu.vector_store %arg15[%parallel_loop3A_454, %parallel_loop3A_455], %parallel_loop3A_458 {strides = array<i32>} : memref<64x128xf32, #tpu.memory_space<vmem>>, vector<1x16xf32>,
        %parallel_loop3A_459 = arith.index_cast %parallel_loop3A_404 : i32 to index
        %parallel_loop3A_460 = arith.constant 48 : index
        %parallel_loop3A_461 = tpu.vector_load %arg14[%parallel_loop3A_459, %parallel_loop3A_460] {strides = array<i32>} : memref<64x128xf32, #tpu.memory_space<vmem>>, vector<1x16xf32>,
        %parallel_loop3A_462 = vector.shape_cast %parallel_loop3A_461 : vector<1x16xf32> to vector<16xf32>
        %parallel_loop3A_463 = arith.index_cast %parallel_loop3A_410 : i32 to index
        %parallel_loop3A_464 = arith.constant 48 : index
        %parallel_loop3A_465 = tpu.vector_load %arg9[%parallel_loop3A_463, %parallel_loop3A_464] {strides = array<i32>} : memref<264x128xf32, #tpu.memory_space<vmem>>, vector<1x16xf32>,
        %parallel_loop3A_466 = vector.shape_cast %parallel_loop3A_465 : vector<1x16xf32> to vector<16xf32>
        %parallel_loop3A_467 = arith.addf %parallel_loop3A_462, %parallel_loop3A_466 : vector<16xf32>
        %parallel_loop3A_468 = arith.mulf %parallel_loop3A_409, %get3A_230 : vector<16xf32>
        %parallel_loop3A_469 = arith.addf %parallel_loop3A_467, %parallel_loop3A_468 : vector<16xf32>
        %parallel_loop3A_470 = arith.index_cast %parallel_loop3A_404 : i32 to index
        %parallel_loop3A_471 = arith.constant 48 : index
        %parallel_loop3A_472 = tpu.vector_load %arg15[%parallel_loop3A_470, %parallel_loop3A_471] {strides = array<i32>} : memref<64x128xf32, #tpu.memory_space<vmem>>, vector<1x16xf32>,
        %parallel_loop3A_473 = vector.shape_cast %parallel_loop3A_472 : vector<1x16xf32> to vector<16xf32>
        %parallel_loop3A_474 = vector.shape_cast %parallel_loop3A_469 : vector<16xf32> to vector<1x16xf32>
        tpu.vector_store %arg15[%parallel_loop3A_470, %parallel_loop3A_471], %parallel_loop3A_474 {strides = array<i32>} : memref<64x128xf32, #tpu.memory_space<vmem>>, vector<1x16xf32>,
        %parallel_loop3A_475 = arith.index_cast %parallel_loop3A_404 : i32 to index
        %parallel_loop3A_476 = arith.constant 64 : index
        %parallel_loop3A_477 = tpu.vector_load %arg14[%parallel_loop3A_475, %parallel_loop3A_476] {strides = array<i32>} : memref<64x128xf32, #tpu.memory_space<vmem>>, vector<1x16xf32>,
        %parallel_loop3A_478 = vector.shape_cast %parallel_loop3A_477 : vector<1x16xf32> to vector<16xf32>
        %parallel_loop3A_479 = arith.index_cast %parallel_loop3A_410 : i32 to index
        %parallel_loop3A_480 = arith.constant 64 : index
        %parallel_loop3A_481 = tpu.vector_load %arg9[%parallel_loop3A_479, %parallel_loop3A_480] {strides = array<i32>} : memref<264x128xf32, #tpu.memory_space<vmem>>, vector<1x16xf32>,
        %parallel_loop3A_482 = vector.shape_cast %parallel_loop3A_481 : vector<1x16xf32> to vector<16xf32>
        %parallel_loop3A_483 = arith.addf %parallel_loop3A_478, %parallel_loop3A_482 : vector<16xf32>
        %parallel_loop3A_484 = arith.mulf %parallel_loop3A_409, %get3A_233 : vector<16xf32>
        %parallel_loop3A_485 = arith.addf %parallel_loop3A_483, %parallel_loop3A_484 : vector<16xf32>
        %parallel_loop3A_486 = arith.index_cast %parallel_loop3A_404 : i32 to index
        %parallel_loop3A_487 = arith.constant 64 : index
        %parallel_loop3A_488 = tpu.vector_load %arg15[%parallel_loop3A_486, %parallel_loop3A_487] {strides = array<i32>} : memref<64x128xf32, #tpu.memory_space<vmem>>, vector<1x16xf32>,
        %parallel_loop3A_489 = vector.shape_cast %parallel_loop3A_488 : vector<1x16xf32> to vector<16xf32>
        %parallel_loop3A_490 = vector.shape_cast %parallel_loop3A_485 : vector<16xf32> to vector<1x16xf32>
        tpu.vector_store %arg15[%parallel_loop3A_486, %parallel_loop3A_487], %parallel_loop3A_490 {strides = array<i32>} : memref<64x128xf32, #tpu.memory_space<vmem>>, vector<1x16xf32>,
        %parallel_loop3A_491 = arith.index_cast %parallel_loop3A_404 : i32 to index
        %parallel_loop3A_492 = arith.constant 80 : index
        %parallel_loop3A_493 = tpu.vector_load %arg14[%parallel_loop3A_491, %parallel_loop3A_492] {strides = array<i32>} : memref<64x128xf32, #tpu.memory_space<vmem>>, vector<1x16xf32>,
        %parallel_loop3A_494 = vector.shape_cast %parallel_loop3A_493 : vector<1x16xf32> to vector<16xf32>
        %parallel_loop3A_495 = arith.index_cast %parallel_loop3A_410 : i32 to index
        %parallel_loop3A_496 = arith.constant 80 : index
        %parallel_loop3A_497 = tpu.vector_load %arg9[%parallel_loop3A_495, %parallel_loop3A_496] {strides = array<i32>} : memref<264x128xf32, #tpu.memory_space<vmem>>, vector<1x16xf32>,
        %parallel_loop3A_498 = vector.shape_cast %parallel_loop3A_497 : vector<1x16xf32> to vector<16xf32>
        %parallel_loop3A_499 = arith.addf %parallel_loop3A_494, %parallel_loop3A_498 : vector<16xf32>
        %parallel_loop3A_500 = arith.mulf %parallel_loop3A_409, %get3A_236 : vector<16xf32>
        %parallel_loop3A_501 = arith.addf %parallel_loop3A_499, %parallel_loop3A_500 : vector<16xf32>
        %parallel_loop3A_502 = arith.index_cast %parallel_loop3A_404 : i32 to index
        %parallel_loop3A_503 = arith.constant 80 : index
        %parallel_loop3A_504 = tpu.vector_load %arg15[%parallel_loop3A_502, %parallel_loop3A_503] {strides = array<i32>} : memref<64x128xf32, #tpu.memory_space<vmem>>, vector<1x16xf32>,
        %parallel_loop3A_505 = vector.shape_cast %parallel_loop3A_504 : vector<1x16xf32> to vector<16xf32>
        %parallel_loop3A_506 = vector.shape_cast %parallel_loop3A_501 : vector<16xf32> to vector<1x16xf32>
        tpu.vector_store %arg15[%parallel_loop3A_502, %parallel_loop3A_503], %parallel_loop3A_506 {strides = array<i32>} : memref<64x128xf32, #tpu.memory_space<vmem>>, vector<1x16xf32>,
        %parallel_loop3A_507 = arith.index_cast %parallel_loop3A_404 : i32 to index
        %parallel_loop3A_508 = arith.constant 96 : index
        %parallel_loop3A_509 = tpu.vector_load %arg14[%parallel_loop3A_507, %parallel_loop3A_508] {strides = array<i32>} : memref<64x128xf32, #tpu.memory_space<vmem>>, vector<1x16xf32>,
        %parallel_loop3A_510 = vector.shape_cast %parallel_loop3A_509 : vector<1x16xf32> to vector<16xf32>
        %parallel_loop3A_511 = arith.index_cast %parallel_loop3A_410 : i32 to index
        %parallel_loop3A_512 = arith.constant 96 : index
        %parallel_loop3A_513 = tpu.vector_load %arg9[%parallel_loop3A_511, %parallel_loop3A_512] {strides = array<i32>} : memref<264x128xf32, #tpu.memory_space<vmem>>, vector<1x16xf32>,
        %parallel_loop3A_514 = vector.shape_cast %parallel_loop3A_513 : vector<1x16xf32> to vector<16xf32>
        %parallel_loop3A_515 = arith.addf %parallel_loop3A_510, %parallel_loop3A_514 : vector<16xf32>
        %parallel_loop3A_516 = arith.mulf %parallel_loop3A_409, %get3A_239 : vector<16xf32>
        %parallel_loop3A_517 = arith.addf %parallel_loop3A_515, %parallel_loop3A_516 : vector<16xf32>
        %parallel_loop3A_518 = arith.index_cast %parallel_loop3A_404 : i32 to index
        %parallel_loop3A_519 = arith.constant 96 : index
        %parallel_loop3A_520 = tpu.vector_load %arg15[%parallel_loop3A_518, %parallel_loop3A_519] {strides = array<i32>} : memref<64x128xf32, #tpu.memory_space<vmem>>, vector<1x16xf32>,
        %parallel_loop3A_521 = vector.shape_cast %parallel_loop3A_520 : vector<1x16xf32> to vector<16xf32>
        %parallel_loop3A_522 = vector.shape_cast %parallel_loop3A_517 : vector<16xf32> to vector<1x16xf32>
        tpu.vector_store %arg15[%parallel_loop3A_518, %parallel_loop3A_519], %parallel_loop3A_522 {strides = array<i32>} : memref<64x128xf32, #tpu.memory_space<vmem>>, vector<1x16xf32>,
        %parallel_loop3A_523 = arith.index_cast %parallel_loop3A_404 : i32 to index
        %parallel_loop3A_524 = arith.constant 112 : index
        %parallel_loop3A_525 = tpu.vector_load %arg14[%parallel_loop3A_523, %parallel_loop3A_524] {strides = array<i32>} : memref<64x128xf32, #tpu.memory_space<vmem>>, vector<1x16xf32>,
        %parallel_loop3A_526 = vector.shape_cast %parallel_loop3A_525 : vector<1x16xf32> to vector<16xf32>
        %parallel_loop3A_527 = arith.index_cast %parallel_loop3A_410 : i32 to index
        %parallel_loop3A_528 = arith.constant 112 : index
        %parallel_loop3A_529 = tpu.vector_load %arg9[%parallel_loop3A_527, %parallel_loop3A_528] {strides = array<i32>} : memref<264x128xf32, #tpu.memory_space<vmem>>, vector<1x16xf32>,
        %parallel_loop3A_530 = vector.shape_cast %parallel_loop3A_529 : vector<1x16xf32> to vector<16xf32>
        %parallel_loop3A_531 = arith.addf %parallel_loop3A_526, %parallel_loop3A_530 : vector<16xf32>
        %parallel_loop3A_532 = arith.mulf %parallel_loop3A_409, %get3A_242 : vector<16xf32>
        %parallel_loop3A_533 = arith.addf %parallel_loop3A_531, %parallel_loop3A_532 : vector<16xf32>
        %parallel_loop3A_534 = arith.index_cast %parallel_loop3A_404 : i32 to index
        %parallel_loop3A_535 = arith.constant 112 : index
        %parallel_loop3A_536 = tpu.vector_load %arg15[%parallel_loop3A_534, %parallel_loop3A_535] {strides = array<i32>} : memref<64x128xf32, #tpu.memory_space<vmem>>, vector<1x16xf32>,
        %parallel_loop3A_537 = vector.shape_cast %parallel_loop3A_536 : vector<1x16xf32> to vector<16xf32>
        %parallel_loop3A_538 = vector.shape_cast %parallel_loop3A_533 : vector<16xf32> to vector<1x16xf32>
        tpu.vector_store %arg15[%parallel_loop3A_534, %parallel_loop3A_535], %parallel_loop3A_538 {strides = array<i32>} : memref<64x128xf32, #tpu.memory_space<vmem>>, vector<1x16xf32>,
      } {sc.loop_unroll_factor = 4 : i64, sc.parallel_access}
      %lt3A_246 = arith.constant 24 : i32
      %lt3A_247 = arith.cmpi slt, %scan3A_118, %lt3A_246 : i32
      %convert_element_type3A_248 = arith.extui %lt3A_247 : i1 to i32
      %cond3A_249 = arith.constant 0 : i32
      %cond3A_250 = arith.cmpi ne, %convert_element_type3A_248, %cond3A_249 : i32
      scf.if %cond3A_250 {
        %add3A_404 = arith.constant 4 : i32
        %add3A_405 = arith.addi %add3A_188, %add3A_404 : i32
        %dma_start3A_406 = arith.constant 0 : i32
        %dma_start3A_407 = tpu.memref_slice %arg8[%add3A_405, %dma_start3A_406] : memref<100x64xi32, #tpu.memory_space<vmem>> -> memref<1x64xi32, #tpu.memory_space<vmem>>
        %dma_start3A_408 = tpu.memref_squeeze %dma_start3A_407 : memref<1x64xi32, #tpu.memory_space<vmem>> -> memref<64xi32, #tpu.memory_space<vmem>>
        %dma_start3A_409 = arith.constant 0 : i32
        %dma_start3A_410 = arith.constant 0 : i32
        %dma_start3A_411 = tpu.memref_slice %arg2[%dma_start3A_409, %dma_start3A_410] : memref<100000x128xf32, #tpu.memory_space<hbm>> -> memref<100000x128xf32, #tpu.memory_space<hbm>>
        tpu.enqueue_indirect_dma source(%dma_start3A_411 : memref<100000x128xf32, #tpu.memory_space<hbm>>) target(%arg14 : memref<64x128xf32, #tpu.memory_space<vmem>>) offsets(%dma_start3A_408 : memref<64xi32, #tpu.memory_space<vmem>>) semaphore(%arg24 : memref<!tpu.dma_semaphore, #tpu.memory_space<semaphore_mem>>)
        %dma_start3A_412 = arith.constant 0 : i32
        %dma_start3A_413 = arith.constant 0 : i32
        %dma_start3A_414 = tpu.memref_slice %arg5[%add3A, %dma_start3A_412, %dma_start3A_413] : memref<32x100x1024xf32, #tpu.memory_space<hbm>> -> memref<1x100x1024xf32, #tpu.memory_space<hbm>>
        %dma_start3A_415 = tpu.memref_squeeze %dma_start3A_414 : memref<1x100x1024xf32, #tpu.memory_space<hbm>> -> memref<100x1024xf32, #tpu.memory_space<hbm>>
        %dma_start3A_416 = arith.constant 0 : i32
        %dma_start3A_417 = tpu.memref_slice %dma_start3A_415[%add3A_405, %dma_start3A_416] : memref<100x1024xf32, #tpu.memory_space<hbm>> -> memref<1x1024xf32, #tpu.memory_space<hbm>>
        %dma_start3A_418 = tpu.memref_squeeze %dma_start3A_417 : memref<1x1024xf32, #tpu.memory_space<hbm>> -> memref<1024xf32, #tpu.memory_space<hbm>>
        %dma_start3A_419 = arith.constant 0 : i32
        %dma_start3A_420 = arith.constant 0 : i32
        %dma_start3A_421 = tpu.memref_slice %arg5[%add3A, %dma_start3A_419, %dma_start3A_420] : memref<32x100x1024xf32, #tpu.memory_space<hbm>> -> memref<1x100x1024xf32, #tpu.memory_space<hbm>>
        %dma_start3A_422 = tpu.memref_squeeze %dma_start3A_421 : memref<1x100x1024xf32, #tpu.memory_space<hbm>> -> memref<100x1024xf32, #tpu.memory_space<hbm>>
        %dma_start3A_423 = arith.constant 0 : i32
        %dma_start3A_424 = tpu.memref_slice %dma_start3A_422[%add3A_405, %dma_start3A_423] : memref<100x1024xf32, #tpu.memory_space<hbm>> -> memref<1x1024xf32, #tpu.memory_space<hbm>>
        %dma_start3A_425 = tpu.memref_squeeze %dma_start3A_424 : memref<1x1024xf32, #tpu.memory_space<hbm>> -> memref<1024xf32, #tpu.memory_space<hbm>>
        tpu.enqueue_dma source(%dma_start3A_425 : memref<1024xf32, #tpu.memory_space<hbm>>) target(%arg16 : memref<1024xf32, #tpu.memory_space<vmem>>) target_semaphore(%arg28 : memref<!tpu.dma_semaphore, #tpu.memory_space<semaphore_mem>>)
      } else {
      }
      %mul3A_251 = arith.constant 64 : i32
      %mul3A_252 = arith.muli %add3A_188, %mul3A_251 : i32
      %add3A_253 = arith.addi %mul3A_2, %mul3A_252 : i32
      %dma_start3A_254 = arith.constant 0 : i32
      %dma_start3A_255 = tpu.memref_slice %arg7[%add3A_253, %dma_start3A_254] : memref<204800x128xf32, #tpu.memory_space<hbm>> -> memref<64x128xf32, #tpu.memory_space<hbm>>
      %dma_start3A_256 = arith.constant 0 : i32
      %dma_start3A_257 = tpu.memref_slice %arg7[%add3A_253, %dma_start3A_256] : memref<204800x128xf32, #tpu.memory_space<hbm>> -> memref<64x128xf32, #tpu.memory_space<hbm>>
      tpu.enqueue_dma source(%arg15 : memref<64x128xf32, #tpu.memory_space<vmem>>) target(%dma_start3A_257 : memref<64x128xf32, #tpu.memory_space<hbm>>) target_semaphore(%arg32 : memref<!tpu.dma_semaphore, #tpu.memory_space<semaphore_mem>>)
      %mul3A_258 = arith.constant 4 : i32
      %mul3A_259 = arith.muli %mul3A_258, %scan3A_118 : i32
      %add3A_260 = arith.constant 2 : i32
      %add3A_261 = arith.addi %mul3A_259, %add3A_260 : i32
      %gt3A_262 = arith.constant 0 : i32
      %gt3A_263 = arith.cmpi sgt, %scan3A_118, %gt3A_262 : i32
      %convert_element_type3A_264 = arith.extui %gt3A_263 : i1 to i32
      %cond3A_265 = arith.constant 0 : i32
      %cond3A_266 = arith.cmpi ne, %convert_element_type3A_264, %cond3A_265 : i32
      scf.if %cond3A_266 {
        %sub3A = arith.constant 4 : i32
        %sub3A_404 = arith.subi %add3A_261, %sub3A : i32
        %mul3A_405 = arith.constant 64 : i32
        %mul3A_406 = arith.muli %sub3A_404, %mul3A_405 : i32
        %add3A_407 = arith.addi %mul3A_2, %mul3A_406 : i32
        %dma_wait3A_408 = arith.constant 0 : i32
        %dma_wait3A_409 = tpu.memref_slice %arg7[%add3A_407, %dma_wait3A_408] : memref<204800x128xf32, #tpu.memory_space<hbm>> -> memref<64x128xf32, #tpu.memory_space<hbm>>
        %dma_wait3A_410 = arith.constant 0 : i32
        %dma_wait3A_411 = tpu.memref_slice %arg7[%add3A_407, %dma_wait3A_410] : memref<204800x128xf32, #tpu.memory_space<hbm>> -> memref<64x128xf32, #tpu.memory_space<hbm>>
        tpu.wait_dma2 semaphore(%arg33 : memref<!tpu.dma_semaphore, #tpu.memory_space<semaphore_mem>>) src(%arg18 : memref<64x128xf32, #tpu.memory_space<vmem>>) dst(%dma_wait3A_411 : memref<64x128xf32, #tpu.memory_space<hbm>>)
      } else {
      }
      %dma_wait3A_267 = arith.constant 0 : i32
      %dma_wait3A_268 = arith.constant 0 : i32
      %dma_wait3A_269 = tpu.memref_slice %arg5[%add3A, %dma_wait3A_267, %dma_wait3A_268] : memref<32x100x1024xf32, #tpu.memory_space<hbm>> -> memref<1x100x1024xf32, #tpu.memory_space<hbm>>
      %dma_wait3A_270 = tpu.memref_squeeze %dma_wait3A_269 : memref<1x100x1024xf32, #tpu.memory_space<hbm>> -> memref<100x1024xf32, #tpu.memory_space<hbm>>
      %dma_wait3A_271 = arith.constant 0 : i32
      %dma_wait3A_272 = tpu.memref_slice %dma_wait3A_270[%add3A_261, %dma_wait3A_271] : memref<100x1024xf32, #tpu.memory_space<hbm>> -> memref<1x1024xf32, #tpu.memory_space<hbm>>
      %dma_wait3A_273 = tpu.memref_squeeze %dma_wait3A_272 : memref<1x1024xf32, #tpu.memory_space<hbm>> -> memref<1024xf32, #tpu.memory_space<hbm>>
      %dma_wait3A_274 = arith.constant 0 : i32
      %dma_wait3A_275 = arith.constant 0 : i32
      %dma_wait3A_276 = tpu.memref_slice %arg5[%add3A, %dma_wait3A_274, %dma_wait3A_275] : memref<32x100x1024xf32, #tpu.memory_space<hbm>> -> memref<1x100x1024xf32, #tpu.memory_space<hbm>>
      %dma_wait3A_277 = tpu.memref_squeeze %dma_wait3A_276 : memref<1x100x1024xf32, #tpu.memory_space<hbm>> -> memref<100x1024xf32, #tpu.memory_space<hbm>>
      %dma_wait3A_278 = arith.constant 0 : i32
      %dma_wait3A_279 = tpu.memref_slice %dma_wait3A_277[%add3A_261, %dma_wait3A_278] : memref<100x1024xf32, #tpu.memory_space<hbm>> -> memref<1x1024xf32, #tpu.memory_space<hbm>>
      %dma_wait3A_280 = tpu.memref_squeeze %dma_wait3A_279 : memref<1x1024xf32, #tpu.memory_space<hbm>> -> memref<1024xf32, #tpu.memory_space<hbm>>
      tpu.wait_dma2 semaphore(%arg29 : memref<!tpu.dma_semaphore, #tpu.memory_space<semaphore_mem>>) src(%dma_wait3A_280 : memref<1024xf32, #tpu.memory_space<hbm>>) dst(%arg19 : memref<1024xf32, #tpu.memory_space<vmem>>)
      %dma_wait3A_281 = arith.constant 0 : i32
      %dma_wait3A_282 = tpu.memref_slice %arg8[%add3A_261, %dma_wait3A_281] : memref<100x64xi32, #tpu.memory_space<vmem>> -> memref<1x64xi32, #tpu.memory_space<vmem>>
      %dma_wait3A_283 = tpu.memref_squeeze %dma_wait3A_282 : memref<1x64xi32, #tpu.memory_space<vmem>> -> memref<64xi32, #tpu.memory_space<vmem>>
      %dma_wait3A_284 = arith.constant 0 : i32
      %dma_wait3A_285 = arith.constant 0 : i32
      %dma_wait3A_286 = tpu.memref_slice %arg2[%dma_wait3A_284, %dma_wait3A_285] : memref<100000x128xf32, #tpu.memory_space<hbm>> -> memref<100000x128xf32, #tpu.memory_space<hbm>>
      tpu.wait_indirect_dma semaphore(%arg25 : memref<!tpu.dma_semaphore, #tpu.memory_space<semaphore_mem>>) src(%dma_wait3A_286 : memref<100000x128xf32, #tpu.memory_space<hbm>>) dst(%arg17 : memref<64x128xf32, #tpu.memory_space<vmem>>)
      %mul3A_287 = arith.constant 64 : i32
      %mul3A_288 = arith.muli %add3A_261, %mul3A_287 : i32
      %add3A_289 = arith.addi %mul3A_2, %mul3A_288 : i32
      %rem3A_290 = arith.constant 200 : i32
      %rem3A_291 = arith.remsi %add3A_289, %rem3A_290 : i32
      %get3A_292 = arith.constant 0 : index
      %get3A_293 = tpu.vector_load %arg10[%get3A_292] {strides = array<i32>} : memref<128xf32, #tpu.memory_space<vmem>>, vector<16xf32>,
      %get3A_294 = vector.shape_cast %get3A_293 : vector<16xf32> to vector<16xf32>
      %get3A_295 = arith.constant 16 : index
      %get3A_296 = tpu.vector_load %arg10[%get3A_295] {strides = array<i32>} : memref<128xf32, #tpu.memory_space<vmem>>, vector<16xf32>,
      %get3A_297 = vector.shape_cast %get3A_296 : vector<16xf32> to vector<16xf32>
      %get3A_298 = arith.constant 32 : index
      %get3A_299 = tpu.vector_load %arg10[%get3A_298] {strides = array<i32>} : memref<128xf32, #tpu.memory_space<vmem>>, vector<16xf32>,
      %get3A_300 = vector.shape_cast %get3A_299 : vector<16xf32> to vector<16xf32>
      %get3A_301 = arith.constant 48 : index
      %get3A_302 = tpu.vector_load %arg10[%get3A_301] {strides = array<i32>} : memref<128xf32, #tpu.memory_space<vmem>>, vector<16xf32>,
      %get3A_303 = vector.shape_cast %get3A_302 : vector<16xf32> to vector<16xf32>
      %get3A_304 = arith.constant 64 : index
      %get3A_305 = tpu.vector_load %arg10[%get3A_304] {strides = array<i32>} : memref<128xf32, #tpu.memory_space<vmem>>, vector<16xf32>,
      %get3A_306 = vector.shape_cast %get3A_305 : vector<16xf32> to vector<16xf32>
      %get3A_307 = arith.constant 80 : index
      %get3A_308 = tpu.vector_load %arg10[%get3A_307] {strides = array<i32>} : memref<128xf32, #tpu.memory_space<vmem>>, vector<16xf32>,
      %get3A_309 = vector.shape_cast %get3A_308 : vector<16xf32> to vector<16xf32>
      %get3A_310 = arith.constant 96 : index
      %get3A_311 = tpu.vector_load %arg10[%get3A_310] {strides = array<i32>} : memref<128xf32, #tpu.memory_space<vmem>>, vector<16xf32>,
      %get3A_312 = vector.shape_cast %get3A_311 : vector<16xf32> to vector<16xf32>
      %get3A_313 = arith.constant 112 : index
      %get3A_314 = tpu.vector_load %arg10[%get3A_313] {strides = array<i32>} : memref<128xf32, #tpu.memory_space<vmem>>, vector<16xf32>,
      %get3A_315 = vector.shape_cast %get3A_314 : vector<16xf32> to vector<16xf32>
      %parallel_loop3A_316 = arith.constant 0 : i32
      %parallel_loop3A_317 = arith.constant 64 : i32
      %parallel_loop3A_318 = arith.constant 1 : i32
      scf.for %parallel_loop3A_404 = %parallel_loop3A_316 to %parallel_loop3A_317 step %parallel_loop3A_318  : i32 {
        %parallel_loop3A_405 = arith.constant 16 : i32
        %parallel_loop3A_406 = arith.muli %parallel_loop3A_404, %parallel_loop3A_405 : i32
        %parallel_loop3A_407 = arith.index_cast %parallel_loop3A_406 : i32 to index
        %parallel_loop3A_408 = tpu.vector_load %arg19[%parallel_loop3A_407] {strides = array<i32>} : memref<1024xf32, #tpu.memory_space<vmem>>, vector<16xf32>,
        %parallel_loop3A_409 = vector.shape_cast %parallel_loop3A_408 : vector<16xf32> to vector<16xf32>
        %parallel_loop3A_410 = arith.addi %rem3A_291, %parallel_loop3A_404 : i32
        %parallel_loop3A_411 = arith.index_cast %parallel_loop3A_404 : i32 to index
        %parallel_loop3A_412 = arith.constant 0 : index
        %parallel_loop3A_413 = tpu.vector_load %arg17[%parallel_loop3A_411, %parallel_loop3A_412] {strides = array<i32>} : memref<64x128xf32, #tpu.memory_space<vmem>>, vector<1x16xf32>,
        %parallel_loop3A_414 = vector.shape_cast %parallel_loop3A_413 : vector<1x16xf32> to vector<16xf32>
        %parallel_loop3A_415 = arith.index_cast %parallel_loop3A_410 : i32 to index
        %parallel_loop3A_416 = arith.constant 0 : index
        %parallel_loop3A_417 = tpu.vector_load %arg9[%parallel_loop3A_415, %parallel_loop3A_416] {strides = array<i32>} : memref<264x128xf32, #tpu.memory_space<vmem>>, vector<1x16xf32>,
        %parallel_loop3A_418 = vector.shape_cast %parallel_loop3A_417 : vector<1x16xf32> to vector<16xf32>
        %parallel_loop3A_419 = arith.addf %parallel_loop3A_414, %parallel_loop3A_418 : vector<16xf32>
        %parallel_loop3A_420 = arith.mulf %parallel_loop3A_409, %get3A_294 : vector<16xf32>
        %parallel_loop3A_421 = arith.addf %parallel_loop3A_419, %parallel_loop3A_420 : vector<16xf32>
        %parallel_loop3A_422 = arith.index_cast %parallel_loop3A_404 : i32 to index
        %parallel_loop3A_423 = arith.constant 0 : index
        %parallel_loop3A_424 = tpu.vector_load %arg18[%parallel_loop3A_422, %parallel_loop3A_423] {strides = array<i32>} : memref<64x128xf32, #tpu.memory_space<vmem>>, vector<1x16xf32>,
        %parallel_loop3A_425 = vector.shape_cast %parallel_loop3A_424 : vector<1x16xf32> to vector<16xf32>
        %parallel_loop3A_426 = vector.shape_cast %parallel_loop3A_421 : vector<16xf32> to vector<1x16xf32>
        tpu.vector_store %arg18[%parallel_loop3A_422, %parallel_loop3A_423], %parallel_loop3A_426 {strides = array<i32>} : memref<64x128xf32, #tpu.memory_space<vmem>>, vector<1x16xf32>,
        %parallel_loop3A_427 = arith.index_cast %parallel_loop3A_404 : i32 to index
        %parallel_loop3A_428 = arith.constant 16 : index
        %parallel_loop3A_429 = tpu.vector_load %arg17[%parallel_loop3A_427, %parallel_loop3A_428] {strides = array<i32>} : memref<64x128xf32, #tpu.memory_space<vmem>>, vector<1x16xf32>,
        %parallel_loop3A_430 = vector.shape_cast %parallel_loop3A_429 : vector<1x16xf32> to vector<16xf32>
        %parallel_loop3A_431 = arith.index_cast %parallel_loop3A_410 : i32 to index
        %parallel_loop3A_432 = arith.constant 16 : index
        %parallel_loop3A_433 = tpu.vector_load %arg9[%parallel_loop3A_431, %parallel_loop3A_432] {strides = array<i32>} : memref<264x128xf32, #tpu.memory_space<vmem>>, vector<1x16xf32>,
        %parallel_loop3A_434 = vector.shape_cast %parallel_loop3A_433 : vector<1x16xf32> to vector<16xf32>
        %parallel_loop3A_435 = arith.addf %parallel_loop3A_430, %parallel_loop3A_434 : vector<16xf32>
        %parallel_loop3A_436 = arith.mulf %parallel_loop3A_409, %get3A_297 : vector<16xf32>
        %parallel_loop3A_437 = arith.addf %parallel_loop3A_435, %parallel_loop3A_436 : vector<16xf32>
        %parallel_loop3A_438 = arith.index_cast %parallel_loop3A_404 : i32 to index
        %parallel_loop3A_439 = arith.constant 16 : index
        %parallel_loop3A_440 = tpu.vector_load %arg18[%parallel_loop3A_438, %parallel_loop3A_439] {strides = array<i32>} : memref<64x128xf32, #tpu.memory_space<vmem>>, vector<1x16xf32>,
        %parallel_loop3A_441 = vector.shape_cast %parallel_loop3A_440 : vector<1x16xf32> to vector<16xf32>
        %parallel_loop3A_442 = vector.shape_cast %parallel_loop3A_437 : vector<16xf32> to vector<1x16xf32>
        tpu.vector_store %arg18[%parallel_loop3A_438, %parallel_loop3A_439], %parallel_loop3A_442 {strides = array<i32>} : memref<64x128xf32, #tpu.memory_space<vmem>>, vector<1x16xf32>,
        %parallel_loop3A_443 = arith.index_cast %parallel_loop3A_404 : i32 to index
        %parallel_loop3A_444 = arith.constant 32 : index
        %parallel_loop3A_445 = tpu.vector_load %arg17[%parallel_loop3A_443, %parallel_loop3A_444] {strides = array<i32>} : memref<64x128xf32, #tpu.memory_space<vmem>>, vector<1x16xf32>,
        %parallel_loop3A_446 = vector.shape_cast %parallel_loop3A_445 : vector<1x16xf32> to vector<16xf32>
        %parallel_loop3A_447 = arith.index_cast %parallel_loop3A_410 : i32 to index
        %parallel_loop3A_448 = arith.constant 32 : index
        %parallel_loop3A_449 = tpu.vector_load %arg9[%parallel_loop3A_447, %parallel_loop3A_448] {strides = array<i32>} : memref<264x128xf32, #tpu.memory_space<vmem>>, vector<1x16xf32>,
        %parallel_loop3A_450 = vector.shape_cast %parallel_loop3A_449 : vector<1x16xf32> to vector<16xf32>
        %parallel_loop3A_451 = arith.addf %parallel_loop3A_446, %parallel_loop3A_450 : vector<16xf32>
        %parallel_loop3A_452 = arith.mulf %parallel_loop3A_409, %get3A_300 : vector<16xf32>
        %parallel_loop3A_453 = arith.addf %parallel_loop3A_451, %parallel_loop3A_452 : vector<16xf32>
        %parallel_loop3A_454 = arith.index_cast %parallel_loop3A_404 : i32 to index
        %parallel_loop3A_455 = arith.constant 32 : index
        %parallel_loop3A_456 = tpu.vector_load %arg18[%parallel_loop3A_454, %parallel_loop3A_455] {strides = array<i32>} : memref<64x128xf32, #tpu.memory_space<vmem>>, vector<1x16xf32>,
        %parallel_loop3A_457 = vector.shape_cast %parallel_loop3A_456 : vector<1x16xf32> to vector<16xf32>
        %parallel_loop3A_458 = vector.shape_cast %parallel_loop3A_453 : vector<16xf32> to vector<1x16xf32>
        tpu.vector_store %arg18[%parallel_loop3A_454, %parallel_loop3A_455], %parallel_loop3A_458 {strides = array<i32>} : memref<64x128xf32, #tpu.memory_space<vmem>>, vector<1x16xf32>,
        %parallel_loop3A_459 = arith.index_cast %parallel_loop3A_404 : i32 to index
        %parallel_loop3A_460 = arith.constant 48 : index
        %parallel_loop3A_461 = tpu.vector_load %arg17[%parallel_loop3A_459, %parallel_loop3A_460] {strides = array<i32>} : memref<64x128xf32, #tpu.memory_space<vmem>>, vector<1x16xf32>,
        %parallel_loop3A_462 = vector.shape_cast %parallel_loop3A_461 : vector<1x16xf32> to vector<16xf32>
        %parallel_loop3A_463 = arith.index_cast %parallel_loop3A_410 : i32 to index
        %parallel_loop3A_464 = arith.constant 48 : index
        %parallel_loop3A_465 = tpu.vector_load %arg9[%parallel_loop3A_463, %parallel_loop3A_464] {strides = array<i32>} : memref<264x128xf32, #tpu.memory_space<vmem>>, vector<1x16xf32>,
        %parallel_loop3A_466 = vector.shape_cast %parallel_loop3A_465 : vector<1x16xf32> to vector<16xf32>
        %parallel_loop3A_467 = arith.addf %parallel_loop3A_462, %parallel_loop3A_466 : vector<16xf32>
        %parallel_loop3A_468 = arith.mulf %parallel_loop3A_409, %get3A_303 : vector<16xf32>
        %parallel_loop3A_469 = arith.addf %parallel_loop3A_467, %parallel_loop3A_468 : vector<16xf32>
        %parallel_loop3A_470 = arith.index_cast %parallel_loop3A_404 : i32 to index
        %parallel_loop3A_471 = arith.constant 48 : index
        %parallel_loop3A_472 = tpu.vector_load %arg18[%parallel_loop3A_470, %parallel_loop3A_471] {strides = array<i32>} : memref<64x128xf32, #tpu.memory_space<vmem>>, vector<1x16xf32>,
        %parallel_loop3A_473 = vector.shape_cast %parallel_loop3A_472 : vector<1x16xf32> to vector<16xf32>
        %parallel_loop3A_474 = vector.shape_cast %parallel_loop3A_469 : vector<16xf32> to vector<1x16xf32>
        tpu.vector_store %arg18[%parallel_loop3A_470, %parallel_loop3A_471], %parallel_loop3A_474 {strides = array<i32>} : memref<64x128xf32, #tpu.memory_space<vmem>>, vector<1x16xf32>,
        %parallel_loop3A_475 = arith.index_cast %parallel_loop3A_404 : i32 to index
        %parallel_loop3A_476 = arith.constant 64 : index
        %parallel_loop3A_477 = tpu.vector_load %arg17[%parallel_loop3A_475, %parallel_loop3A_476] {strides = array<i32>} : memref<64x128xf32, #tpu.memory_space<vmem>>, vector<1x16xf32>,
        %parallel_loop3A_478 = vector.shape_cast %parallel_loop3A_477 : vector<1x16xf32> to vector<16xf32>
        %parallel_loop3A_479 = arith.index_cast %parallel_loop3A_410 : i32 to index
        %parallel_loop3A_480 = arith.constant 64 : index
        %parallel_loop3A_481 = tpu.vector_load %arg9[%parallel_loop3A_479, %parallel_loop3A_480] {strides = array<i32>} : memref<264x128xf32, #tpu.memory_space<vmem>>, vector<1x16xf32>,
        %parallel_loop3A_482 = vector.shape_cast %parallel_loop3A_481 : vector<1x16xf32> to vector<16xf32>
        %parallel_loop3A_483 = arith.addf %parallel_loop3A_478, %parallel_loop3A_482 : vector<16xf32>
        %parallel_loop3A_484 = arith.mulf %parallel_loop3A_409, %get3A_306 : vector<16xf32>
        %parallel_loop3A_485 = arith.addf %parallel_loop3A_483, %parallel_loop3A_484 : vector<16xf32>
        %parallel_loop3A_486 = arith.index_cast %parallel_loop3A_404 : i32 to index
        %parallel_loop3A_487 = arith.constant 64 : index
        %parallel_loop3A_488 = tpu.vector_load %arg18[%parallel_loop3A_486, %parallel_loop3A_487] {strides = array<i32>} : memref<64x128xf32, #tpu.memory_space<vmem>>, vector<1x16xf32>,
        %parallel_loop3A_489 = vector.shape_cast %parallel_loop3A_488 : vector<1x16xf32> to vector<16xf32>
        %parallel_loop3A_490 = vector.shape_cast %parallel_loop3A_485 : vector<16xf32> to vector<1x16xf32>
        tpu.vector_store %arg18[%parallel_loop3A_486, %parallel_loop3A_487], %parallel_loop3A_490 {strides = array<i32>} : memref<64x128xf32, #tpu.memory_space<vmem>>, vector<1x16xf32>,
        %parallel_loop3A_491 = arith.index_cast %parallel_loop3A_404 : i32 to index
        %parallel_loop3A_492 = arith.constant 80 : index
        %parallel_loop3A_493 = tpu.vector_load %arg17[%parallel_loop3A_491, %parallel_loop3A_492] {strides = array<i32>} : memref<64x128xf32, #tpu.memory_space<vmem>>, vector<1x16xf32>,
        %parallel_loop3A_494 = vector.shape_cast %parallel_loop3A_493 : vector<1x16xf32> to vector<16xf32>
        %parallel_loop3A_495 = arith.index_cast %parallel_loop3A_410 : i32 to index
        %parallel_loop3A_496 = arith.constant 80 : index
        %parallel_loop3A_497 = tpu.vector_load %arg9[%parallel_loop3A_495, %parallel_loop3A_496] {strides = array<i32>} : memref<264x128xf32, #tpu.memory_space<vmem>>, vector<1x16xf32>,
        %parallel_loop3A_498 = vector.shape_cast %parallel_loop3A_497 : vector<1x16xf32> to vector<16xf32>
        %parallel_loop3A_499 = arith.addf %parallel_loop3A_494, %parallel_loop3A_498 : vector<16xf32>
        %parallel_loop3A_500 = arith.mulf %parallel_loop3A_409, %get3A_309 : vector<16xf32>
        %parallel_loop3A_501 = arith.addf %parallel_loop3A_499, %parallel_loop3A_500 : vector<16xf32>
        %parallel_loop3A_502 = arith.index_cast %parallel_loop3A_404 : i32 to index
        %parallel_loop3A_503 = arith.constant 80 : index
        %parallel_loop3A_504 = tpu.vector_load %arg18[%parallel_loop3A_502, %parallel_loop3A_503] {strides = array<i32>} : memref<64x128xf32, #tpu.memory_space<vmem>>, vector<1x16xf32>,
        %parallel_loop3A_505 = vector.shape_cast %parallel_loop3A_504 : vector<1x16xf32> to vector<16xf32>
        %parallel_loop3A_506 = vector.shape_cast %parallel_loop3A_501 : vector<16xf32> to vector<1x16xf32>
        tpu.vector_store %arg18[%parallel_loop3A_502, %parallel_loop3A_503], %parallel_loop3A_506 {strides = array<i32>} : memref<64x128xf32, #tpu.memory_space<vmem>>, vector<1x16xf32>,
        %parallel_loop3A_507 = arith.index_cast %parallel_loop3A_404 : i32 to index
        %parallel_loop3A_508 = arith.constant 96 : index
        %parallel_loop3A_509 = tpu.vector_load %arg17[%parallel_loop3A_507, %parallel_loop3A_508] {strides = array<i32>} : memref<64x128xf32, #tpu.memory_space<vmem>>, vector<1x16xf32>,
        %parallel_loop3A_510 = vector.shape_cast %parallel_loop3A_509 : vector<1x16xf32> to vector<16xf32>
        %parallel_loop3A_511 = arith.index_cast %parallel_loop3A_410 : i32 to index
        %parallel_loop3A_512 = arith.constant 96 : index
        %parallel_loop3A_513 = tpu.vector_load %arg9[%parallel_loop3A_511, %parallel_loop3A_512] {strides = array<i32>} : memref<264x128xf32, #tpu.memory_space<vmem>>, vector<1x16xf32>,
        %parallel_loop3A_514 = vector.shape_cast %parallel_loop3A_513 : vector<1x16xf32> to vector<16xf32>
        %parallel_loop3A_515 = arith.addf %parallel_loop3A_510, %parallel_loop3A_514 : vector<16xf32>
        %parallel_loop3A_516 = arith.mulf %parallel_loop3A_409, %get3A_312 : vector<16xf32>
        %parallel_loop3A_517 = arith.addf %parallel_loop3A_515, %parallel_loop3A_516 : vector<16xf32>
        %parallel_loop3A_518 = arith.index_cast %parallel_loop3A_404 : i32 to index
        %parallel_loop3A_519 = arith.constant 96 : index
        %parallel_loop3A_520 = tpu.vector_load %arg18[%parallel_loop3A_518, %parallel_loop3A_519] {strides = array<i32>} : memref<64x128xf32, #tpu.memory_space<vmem>>, vector<1x16xf32>,
        %parallel_loop3A_521 = vector.shape_cast %parallel_loop3A_520 : vector<1x16xf32> to vector<16xf32>
        %parallel_loop3A_522 = vector.shape_cast %parallel_loop3A_517 : vector<16xf32> to vector<1x16xf32>
        tpu.vector_store %arg18[%parallel_loop3A_518, %parallel_loop3A_519], %parallel_loop3A_522 {strides = array<i32>} : memref<64x128xf32, #tpu.memory_space<vmem>>, vector<1x16xf32>,
        %parallel_loop3A_523 = arith.index_cast %parallel_loop3A_404 : i32 to index
        %parallel_loop3A_524 = arith.constant 112 : index
        %parallel_loop3A_525 = tpu.vector_load %arg17[%parallel_loop3A_523, %parallel_loop3A_524] {strides = array<i32>} : memref<64x128xf32, #tpu.memory_space<vmem>>, vector<1x16xf32>,
        %parallel_loop3A_526 = vector.shape_cast %parallel_loop3A_525 : vector<1x16xf32> to vector<16xf32>
        %parallel_loop3A_527 = arith.index_cast %parallel_loop3A_410 : i32 to index
        %parallel_loop3A_528 = arith.constant 112 : index
        %parallel_loop3A_529 = tpu.vector_load %arg9[%parallel_loop3A_527, %parallel_loop3A_528] {strides = array<i32>} : memref<264x128xf32, #tpu.memory_space<vmem>>, vector<1x16xf32>,
        %parallel_loop3A_530 = vector.shape_cast %parallel_loop3A_529 : vector<1x16xf32> to vector<16xf32>
        %parallel_loop3A_531 = arith.addf %parallel_loop3A_526, %parallel_loop3A_530 : vector<16xf32>
        %parallel_loop3A_532 = arith.mulf %parallel_loop3A_409, %get3A_315 : vector<16xf32>
        %parallel_loop3A_533 = arith.addf %parallel_loop3A_531, %parallel_loop3A_532 : vector<16xf32>
        %parallel_loop3A_534 = arith.index_cast %parallel_loop3A_404 : i32 to index
        %parallel_loop3A_535 = arith.constant 112 : index
        %parallel_loop3A_536 = tpu.vector_load %arg18[%parallel_loop3A_534, %parallel_loop3A_535] {strides = array<i32>} : memref<64x128xf32, #tpu.memory_space<vmem>>, vector<1x16xf32>,
        %parallel_loop3A_537 = vector.shape_cast %parallel_loop3A_536 : vector<1x16xf32> to vector<16xf32>
        %parallel_loop3A_538 = vector.shape_cast %parallel_loop3A_533 : vector<16xf32> to vector<1x16xf32>
        tpu.vector_store %arg18[%parallel_loop3A_534, %parallel_loop3A_535], %parallel_loop3A_538 {strides = array<i32>} : memref<64x128xf32, #tpu.memory_space<vmem>>, vector<1x16xf32>,
      } {sc.loop_unroll_factor = 4 : i64, sc.parallel_access}
      %lt3A_319 = arith.constant 24 : i32
      %lt3A_320 = arith.cmpi slt, %scan3A_118, %lt3A_319 : i32
      %convert_element_type3A_321 = arith.extui %lt3A_320 : i1 to i32
      %cond3A_322 = arith.constant 0 : i32
      %cond3A_323 = arith.cmpi ne, %convert_element_type3A_321, %cond3A_322 : i32
      scf.if %cond3A_323 {
        %add3A_404 = arith.constant 4 : i32
        %add3A_405 = arith.addi %add3A_261, %add3A_404 : i32
        %dma_start3A_406 = arith.constant 0 : i32
        %dma_start3A_407 = tpu.memref_slice %arg8[%add3A_405, %dma_start3A_406] : memref<100x64xi32, #tpu.memory_space<vmem>> -> memref<1x64xi32, #tpu.memory_space<vmem>>
        %dma_start3A_408 = tpu.memref_squeeze %dma_start3A_407 : memref<1x64xi32, #tpu.memory_space<vmem>> -> memref<64xi32, #tpu.memory_space<vmem>>
        %dma_start3A_409 = arith.constant 0 : i32
        %dma_start3A_410 = arith.constant 0 : i32
        %dma_start3A_411 = tpu.memref_slice %arg2[%dma_start3A_409, %dma_start3A_410] : memref<100000x128xf32, #tpu.memory_space<hbm>> -> memref<100000x128xf32, #tpu.memory_space<hbm>>
        tpu.enqueue_indirect_dma source(%dma_start3A_411 : memref<100000x128xf32, #tpu.memory_space<hbm>>) target(%arg17 : memref<64x128xf32, #tpu.memory_space<vmem>>) offsets(%dma_start3A_408 : memref<64xi32, #tpu.memory_space<vmem>>) semaphore(%arg25 : memref<!tpu.dma_semaphore, #tpu.memory_space<semaphore_mem>>)
        %dma_start3A_412 = arith.constant 0 : i32
        %dma_start3A_413 = arith.constant 0 : i32
        %dma_start3A_414 = tpu.memref_slice %arg5[%add3A, %dma_start3A_412, %dma_start3A_413] : memref<32x100x1024xf32, #tpu.memory_space<hbm>> -> memref<1x100x1024xf32, #tpu.memory_space<hbm>>
        %dma_start3A_415 = tpu.memref_squeeze %dma_start3A_414 : memref<1x100x1024xf32, #tpu.memory_space<hbm>> -> memref<100x1024xf32, #tpu.memory_space<hbm>>
        %dma_start3A_416 = arith.constant 0 : i32
        %dma_start3A_417 = tpu.memref_slice %dma_start3A_415[%add3A_405, %dma_start3A_416] : memref<100x1024xf32, #tpu.memory_space<hbm>> -> memref<1x1024xf32, #tpu.memory_space<hbm>>
        %dma_start3A_418 = tpu.memref_squeeze %dma_start3A_417 : memref<1x1024xf32, #tpu.memory_space<hbm>> -> memref<1024xf32, #tpu.memory_space<hbm>>
        %dma_start3A_419 = arith.constant 0 : i32
        %dma_start3A_420 = arith.constant 0 : i32
        %dma_start3A_421 = tpu.memref_slice %arg5[%add3A, %dma_start3A_419, %dma_start3A_420] : memref<32x100x1024xf32, #tpu.memory_space<hbm>> -> memref<1x100x1024xf32, #tpu.memory_space<hbm>>
        %dma_start3A_422 = tpu.memref_squeeze %dma_start3A_421 : memref<1x100x1024xf32, #tpu.memory_space<hbm>> -> memref<100x1024xf32, #tpu.memory_space<hbm>>
        %dma_start3A_423 = arith.constant 0 : i32
        %dma_start3A_424 = tpu.memref_slice %dma_start3A_422[%add3A_405, %dma_start3A_423] : memref<100x1024xf32, #tpu.memory_space<hbm>> -> memref<1x1024xf32, #tpu.memory_space<hbm>>
        %dma_start3A_425 = tpu.memref_squeeze %dma_start3A_424 : memref<1x1024xf32, #tpu.memory_space<hbm>> -> memref<1024xf32, #tpu.memory_space<hbm>>
        tpu.enqueue_dma source(%dma_start3A_425 : memref<1024xf32, #tpu.memory_space<hbm>>) target(%arg19 : memref<1024xf32, #tpu.memory_space<vmem>>) target_semaphore(%arg29 : memref<!tpu.dma_semaphore, #tpu.memory_space<semaphore_mem>>)
      } else {
      }
      %mul3A_324 = arith.constant 64 : i32
      %mul3A_325 = arith.muli %add3A_261, %mul3A_324 : i32
      %add3A_326 = arith.addi %mul3A_2, %mul3A_325 : i32
      %dma_start3A_327 = arith.constant 0 : i32
      %dma_start3A_328 = tpu.memref_slice %arg7[%add3A_326, %dma_start3A_327] : memref<204800x128xf32, #tpu.memory_space<hbm>> -> memref<64x128xf32, #tpu.memory_space<hbm>>
      %dma_start3A_329 = arith.constant 0 : i32
      %dma_start3A_330 = tpu.memref_slice %arg7[%add3A_326, %dma_start3A_329] : memref<204800x128xf32, #tpu.memory_space<hbm>> -> memref<64x128xf32, #tpu.memory_space<hbm>>
      tpu.enqueue_dma source(%arg18 : memref<64x128xf32, #tpu.memory_space<vmem>>) target(%dma_start3A_330 : memref<64x128xf32, #tpu.memory_space<hbm>>) target_semaphore(%arg33 : memref<!tpu.dma_semaphore, #tpu.memory_space<semaphore_mem>>)
      %mul3A_331 = arith.constant 4 : i32
      %mul3A_332 = arith.muli %mul3A_331, %scan3A_118 : i32
      %add3A_333 = arith.constant 3 : i32
      %add3A_334 = arith.addi %mul3A_332, %add3A_333 : i32
      %gt3A_335 = arith.constant 0 : i32
      %gt3A_336 = arith.cmpi sgt, %scan3A_118, %gt3A_335 : i32
      %convert_element_type3A_337 = arith.extui %gt3A_336 : i1 to i32
      %cond3A_338 = arith.constant 0 : i32
      %cond3A_339 = arith.cmpi ne, %convert_element_type3A_337, %cond3A_338 : i32
      scf.if %cond3A_339 {
        %sub3A = arith.constant 4 : i32
        %sub3A_404 = arith.subi %add3A_334, %sub3A : i32
        %mul3A_405 = arith.constant 64 : i32
        %mul3A_406 = arith.muli %sub3A_404, %mul3A_405 : i32
        %add3A_407 = arith.addi %mul3A_2, %mul3A_406 : i32
        %dma_wait3A_408 = arith.constant 0 : i32
        %dma_wait3A_409 = tpu.memref_slice %arg7[%add3A_407, %dma_wait3A_408] : memref<204800x128xf32, #tpu.memory_space<hbm>> -> memref<64x128xf32, #tpu.memory_space<hbm>>
        %dma_wait3A_410 = arith.constant 0 : i32
        %dma_wait3A_411 = tpu.memref_slice %arg7[%add3A_407, %dma_wait3A_410] : memref<204800x128xf32, #tpu.memory_space<hbm>> -> memref<64x128xf32, #tpu.memory_space<hbm>>
        tpu.wait_dma2 semaphore(%arg34 : memref<!tpu.dma_semaphore, #tpu.memory_space<semaphore_mem>>) src(%arg21 : memref<64x128xf32, #tpu.memory_space<vmem>>) dst(%dma_wait3A_411 : memref<64x128xf32, #tpu.memory_space<hbm>>)
      } else {
      }
      %dma_wait3A_340 = arith.constant 0 : i32
      %dma_wait3A_341 = arith.constant 0 : i32
      %dma_wait3A_342 = tpu.memref_slice %arg5[%add3A, %dma_wait3A_340, %dma_wait3A_341] : memref<32x100x1024xf32, #tpu.memory_space<hbm>> -> memref<1x100x1024xf32, #tpu.memory_space<hbm>>
      %dma_wait3A_343 = tpu.memref_squeeze %dma_wait3A_342 : memref<1x100x1024xf32, #tpu.memory_space<hbm>> -> memref<100x1024xf32, #tpu.memory_space<hbm>>
      %dma_wait3A_344 = arith.constant 0 : i32
      %dma_wait3A_345 = tpu.memref_slice %dma_wait3A_343[%add3A_334, %dma_wait3A_344] : memref<100x1024xf32, #tpu.memory_space<hbm>> -> memref<1x1024xf32, #tpu.memory_space<hbm>>
      %dma_wait3A_346 = tpu.memref_squeeze %dma_wait3A_345 : memref<1x1024xf32, #tpu.memory_space<hbm>> -> memref<1024xf32, #tpu.memory_space<hbm>>
      %dma_wait3A_347 = arith.constant 0 : i32
      %dma_wait3A_348 = arith.constant 0 : i32
      %dma_wait3A_349 = tpu.memref_slice %arg5[%add3A, %dma_wait3A_347, %dma_wait3A_348] : memref<32x100x1024xf32, #tpu.memory_space<hbm>> -> memref<1x100x1024xf32, #tpu.memory_space<hbm>>
      %dma_wait3A_350 = tpu.memref_squeeze %dma_wait3A_349 : memref<1x100x1024xf32, #tpu.memory_space<hbm>> -> memref<100x1024xf32, #tpu.memory_space<hbm>>
      %dma_wait3A_351 = arith.constant 0 : i32
      %dma_wait3A_352 = tpu.memref_slice %dma_wait3A_350[%add3A_334, %dma_wait3A_351] : memref<100x1024xf32, #tpu.memory_space<hbm>> -> memref<1x1024xf32, #tpu.memory_space<hbm>>
      %dma_wait3A_353 = tpu.memref_squeeze %dma_wait3A_352 : memref<1x1024xf32, #tpu.memory_space<hbm>> -> memref<1024xf32, #tpu.memory_space<hbm>>
      tpu.wait_dma2 semaphore(%arg30 : memref<!tpu.dma_semaphore, #tpu.memory_space<semaphore_mem>>) src(%dma_wait3A_353 : memref<1024xf32, #tpu.memory_space<hbm>>) dst(%arg22 : memref<1024xf32, #tpu.memory_space<vmem>>)
      %dma_wait3A_354 = arith.constant 0 : i32
      %dma_wait3A_355 = tpu.memref_slice %arg8[%add3A_334, %dma_wait3A_354] : memref<100x64xi32, #tpu.memory_space<vmem>> -> memref<1x64xi32, #tpu.memory_space<vmem>>
      %dma_wait3A_356 = tpu.memref_squeeze %dma_wait3A_355 : memref<1x64xi32, #tpu.memory_space<vmem>> -> memref<64xi32, #tpu.memory_space<vmem>>
      %dma_wait3A_357 = arith.constant 0 : i32
      %dma_wait3A_358 = arith.constant 0 : i32
      %dma_wait3A_359 = tpu.memref_slice %arg2[%dma_wait3A_357, %dma_wait3A_358] : memref<100000x128xf32, #tpu.memory_space<hbm>> -> memref<100000x128xf32, #tpu.memory_space<hbm>>
      tpu.wait_indirect_dma semaphore(%arg26 : memref<!tpu.dma_semaphore, #tpu.memory_space<semaphore_mem>>) src(%dma_wait3A_359 : memref<100000x128xf32, #tpu.memory_space<hbm>>) dst(%arg20 : memref<64x128xf32, #tpu.memory_space<vmem>>)
      %mul3A_360 = arith.constant 64 : i32
      %mul3A_361 = arith.muli %add3A_334, %mul3A_360 : i32
      %add3A_362 = arith.addi %mul3A_2, %mul3A_361 : i32
      %rem3A_363 = arith.constant 200 : i32
      %rem3A_364 = arith.remsi %add3A_362, %rem3A_363 : i32
      %get3A_365 = arith.constant 0 : index
      %get3A_366 = tpu.vector_load %arg10[%get3A_365] {strides = array<i32>} : memref<128xf32, #tpu.memory_space<vmem>>, vector<16xf32>,
      %get3A_367 = vector.shape_cast %get3A_366 : vector<16xf32> to vector<16xf32>
      %get3A_368 = arith.constant 16 : index
      %get3A_369 = tpu.vector_load %arg10[%get3A_368] {strides = array<i32>} : memref<128xf32, #tpu.memory_space<vmem>>, vector<16xf32>,
      %get3A_370 = vector.shape_cast %get3A_369 : vector<16xf32> to vector<16xf32>
      %get3A_371 = arith.constant 32 : index
      %get3A_372 = tpu.vector_load %arg10[%get3A_371] {strides = array<i32>} : memref<128xf32, #tpu.memory_space<vmem>>, vector<16xf32>,
      %get3A_373 = vector.shape_cast %get3A_372 : vector<16xf32> to vector<16xf32>
      %get3A_374 = arith.constant 48 : index
      %get3A_375 = tpu.vector_load %arg10[%get3A_374] {strides = array<i32>} : memref<128xf32, #tpu.memory_space<vmem>>, vector<16xf32>,
      %get3A_376 = vector.shape_cast %get3A_375 : vector<16xf32> to vector<16xf32>
      %get3A_377 = arith.constant 64 : index
      %get3A_378 = tpu.vector_load %arg10[%get3A_377] {strides = array<i32>} : memref<128xf32, #tpu.memory_space<vmem>>, vector<16xf32>,
      %get3A_379 = vector.shape_cast %get3A_378 : vector<16xf32> to vector<16xf32>
      %get3A_380 = arith.constant 80 : index
      %get3A_381 = tpu.vector_load %arg10[%get3A_380] {strides = array<i32>} : memref<128xf32, #tpu.memory_space<vmem>>, vector<16xf32>,
      %get3A_382 = vector.shape_cast %get3A_381 : vector<16xf32> to vector<16xf32>
      %get3A_383 = arith.constant 96 : index
      %get3A_384 = tpu.vector_load %arg10[%get3A_383] {strides = array<i32>} : memref<128xf32, #tpu.memory_space<vmem>>, vector<16xf32>,
      %get3A_385 = vector.shape_cast %get3A_384 : vector<16xf32> to vector<16xf32>
      %get3A_386 = arith.constant 112 : index
      %get3A_387 = tpu.vector_load %arg10[%get3A_386] {strides = array<i32>} : memref<128xf32, #tpu.memory_space<vmem>>, vector<16xf32>,
      %get3A_388 = vector.shape_cast %get3A_387 : vector<16xf32> to vector<16xf32>
      %parallel_loop3A_389 = arith.constant 0 : i32
      %parallel_loop3A_390 = arith.constant 64 : i32
      %parallel_loop3A_391 = arith.constant 1 : i32
      scf.for %parallel_loop3A_404 = %parallel_loop3A_389 to %parallel_loop3A_390 step %parallel_loop3A_391  : i32 {
        %parallel_loop3A_405 = arith.constant 16 : i32
        %parallel_loop3A_406 = arith.muli %parallel_loop3A_404, %parallel_loop3A_405 : i32
        %parallel_loop3A_407 = arith.index_cast %parallel_loop3A_406 : i32 to index
        %parallel_loop3A_408 = tpu.vector_load %arg22[%parallel_loop3A_407] {strides = array<i32>} : memref<1024xf32, #tpu.memory_space<vmem>>, vector<16xf32>,
        %parallel_loop3A_409 = vector.shape_cast %parallel_loop3A_408 : vector<16xf32> to vector<16xf32>
        %parallel_loop3A_410 = arith.addi %rem3A_364, %parallel_loop3A_404 : i32
        %parallel_loop3A_411 = arith.index_cast %parallel_loop3A_404 : i32 to index
        %parallel_loop3A_412 = arith.constant 0 : index
        %parallel_loop3A_413 = tpu.vector_load %arg20[%parallel_loop3A_411, %parallel_loop3A_412] {strides = array<i32>} : memref<64x128xf32, #tpu.memory_space<vmem>>, vector<1x16xf32>,
        %parallel_loop3A_414 = vector.shape_cast %parallel_loop3A_413 : vector<1x16xf32> to vector<16xf32>
        %parallel_loop3A_415 = arith.index_cast %parallel_loop3A_410 : i32 to index
        %parallel_loop3A_416 = arith.constant 0 : index
        %parallel_loop3A_417 = tpu.vector_load %arg9[%parallel_loop3A_415, %parallel_loop3A_416] {strides = array<i32>} : memref<264x128xf32, #tpu.memory_space<vmem>>, vector<1x16xf32>,
        %parallel_loop3A_418 = vector.shape_cast %parallel_loop3A_417 : vector<1x16xf32> to vector<16xf32>
        %parallel_loop3A_419 = arith.addf %parallel_loop3A_414, %parallel_loop3A_418 : vector<16xf32>
        %parallel_loop3A_420 = arith.mulf %parallel_loop3A_409, %get3A_367 : vector<16xf32>
        %parallel_loop3A_421 = arith.addf %parallel_loop3A_419, %parallel_loop3A_420 : vector<16xf32>
        %parallel_loop3A_422 = arith.index_cast %parallel_loop3A_404 : i32 to index
        %parallel_loop3A_423 = arith.constant 0 : index
        %parallel_loop3A_424 = tpu.vector_load %arg21[%parallel_loop3A_422, %parallel_loop3A_423] {strides = array<i32>} : memref<64x128xf32, #tpu.memory_space<vmem>>, vector<1x16xf32>,
        %parallel_loop3A_425 = vector.shape_cast %parallel_loop3A_424 : vector<1x16xf32> to vector<16xf32>
        %parallel_loop3A_426 = vector.shape_cast %parallel_loop3A_421 : vector<16xf32> to vector<1x16xf32>
        tpu.vector_store %arg21[%parallel_loop3A_422, %parallel_loop3A_423], %parallel_loop3A_426 {strides = array<i32>} : memref<64x128xf32, #tpu.memory_space<vmem>>, vector<1x16xf32>,
        %parallel_loop3A_427 = arith.index_cast %parallel_loop3A_404 : i32 to index
        %parallel_loop3A_428 = arith.constant 16 : index
        %parallel_loop3A_429 = tpu.vector_load %arg20[%parallel_loop3A_427, %parallel_loop3A_428] {strides = array<i32>} : memref<64x128xf32, #tpu.memory_space<vmem>>, vector<1x16xf32>,
        %parallel_loop3A_430 = vector.shape_cast %parallel_loop3A_429 : vector<1x16xf32> to vector<16xf32>
        %parallel_loop3A_431 = arith.index_cast %parallel_loop3A_410 : i32 to index
        %parallel_loop3A_432 = arith.constant 16 : index
        %parallel_loop3A_433 = tpu.vector_load %arg9[%parallel_loop3A_431, %parallel_loop3A_432] {strides = array<i32>} : memref<264x128xf32, #tpu.memory_space<vmem>>, vector<1x16xf32>,
        %parallel_loop3A_434 = vector.shape_cast %parallel_loop3A_433 : vector<1x16xf32> to vector<16xf32>
        %parallel_loop3A_435 = arith.addf %parallel_loop3A_430, %parallel_loop3A_434 : vector<16xf32>
        %parallel_loop3A_436 = arith.mulf %parallel_loop3A_409, %get3A_370 : vector<16xf32>
        %parallel_loop3A_437 = arith.addf %parallel_loop3A_435, %parallel_loop3A_436 : vector<16xf32>
        %parallel_loop3A_438 = arith.index_cast %parallel_loop3A_404 : i32 to index
        %parallel_loop3A_439 = arith.constant 16 : index
        %parallel_loop3A_440 = tpu.vector_load %arg21[%parallel_loop3A_438, %parallel_loop3A_439] {strides = array<i32>} : memref<64x128xf32, #tpu.memory_space<vmem>>, vector<1x16xf32>,
        %parallel_loop3A_441 = vector.shape_cast %parallel_loop3A_440 : vector<1x16xf32> to vector<16xf32>
        %parallel_loop3A_442 = vector.shape_cast %parallel_loop3A_437 : vector<16xf32> to vector<1x16xf32>
        tpu.vector_store %arg21[%parallel_loop3A_438, %parallel_loop3A_439], %parallel_loop3A_442 {strides = array<i32>} : memref<64x128xf32, #tpu.memory_space<vmem>>, vector<1x16xf32>,
        %parallel_loop3A_443 = arith.index_cast %parallel_loop3A_404 : i32 to index
        %parallel_loop3A_444 = arith.constant 32 : index
        %parallel_loop3A_445 = tpu.vector_load %arg20[%parallel_loop3A_443, %parallel_loop3A_444] {strides = array<i32>} : memref<64x128xf32, #tpu.memory_space<vmem>>, vector<1x16xf32>,
        %parallel_loop3A_446 = vector.shape_cast %parallel_loop3A_445 : vector<1x16xf32> to vector<16xf32>
        %parallel_loop3A_447 = arith.index_cast %parallel_loop3A_410 : i32 to index
        %parallel_loop3A_448 = arith.constant 32 : index
        %parallel_loop3A_449 = tpu.vector_load %arg9[%parallel_loop3A_447, %parallel_loop3A_448] {strides = array<i32>} : memref<264x128xf32, #tpu.memory_space<vmem>>, vector<1x16xf32>,
        %parallel_loop3A_450 = vector.shape_cast %parallel_loop3A_449 : vector<1x16xf32> to vector<16xf32>
        %parallel_loop3A_451 = arith.addf %parallel_loop3A_446, %parallel_loop3A_450 : vector<16xf32>
        %parallel_loop3A_452 = arith.mulf %parallel_loop3A_409, %get3A_373 : vector<16xf32>
        %parallel_loop3A_453 = arith.addf %parallel_loop3A_451, %parallel_loop3A_452 : vector<16xf32>
        %parallel_loop3A_454 = arith.index_cast %parallel_loop3A_404 : i32 to index
        %parallel_loop3A_455 = arith.constant 32 : index
        %parallel_loop3A_456 = tpu.vector_load %arg21[%parallel_loop3A_454, %parallel_loop3A_455] {strides = array<i32>} : memref<64x128xf32, #tpu.memory_space<vmem>>, vector<1x16xf32>,
        %parallel_loop3A_457 = vector.shape_cast %parallel_loop3A_456 : vector<1x16xf32> to vector<16xf32>
        %parallel_loop3A_458 = vector.shape_cast %parallel_loop3A_453 : vector<16xf32> to vector<1x16xf32>
        tpu.vector_store %arg21[%parallel_loop3A_454, %parallel_loop3A_455], %parallel_loop3A_458 {strides = array<i32>} : memref<64x128xf32, #tpu.memory_space<vmem>>, vector<1x16xf32>,
        %parallel_loop3A_459 = arith.index_cast %parallel_loop3A_404 : i32 to index
        %parallel_loop3A_460 = arith.constant 48 : index
        %parallel_loop3A_461 = tpu.vector_load %arg20[%parallel_loop3A_459, %parallel_loop3A_460] {strides = array<i32>} : memref<64x128xf32, #tpu.memory_space<vmem>>, vector<1x16xf32>,
        %parallel_loop3A_462 = vector.shape_cast %parallel_loop3A_461 : vector<1x16xf32> to vector<16xf32>
        %parallel_loop3A_463 = arith.index_cast %parallel_loop3A_410 : i32 to index
        %parallel_loop3A_464 = arith.constant 48 : index
        %parallel_loop3A_465 = tpu.vector_load %arg9[%parallel_loop3A_463, %parallel_loop3A_464] {strides = array<i32>} : memref<264x128xf32, #tpu.memory_space<vmem>>, vector<1x16xf32>,
        %parallel_loop3A_466 = vector.shape_cast %parallel_loop3A_465 : vector<1x16xf32> to vector<16xf32>
        %parallel_loop3A_467 = arith.addf %parallel_loop3A_462, %parallel_loop3A_466 : vector<16xf32>
        %parallel_loop3A_468 = arith.mulf %parallel_loop3A_409, %get3A_376 : vector<16xf32>
        %parallel_loop3A_469 = arith.addf %parallel_loop3A_467, %parallel_loop3A_468 : vector<16xf32>
        %parallel_loop3A_470 = arith.index_cast %parallel_loop3A_404 : i32 to index
        %parallel_loop3A_471 = arith.constant 48 : index
        %parallel_loop3A_472 = tpu.vector_load %arg21[%parallel_loop3A_470, %parallel_loop3A_471] {strides = array<i32>} : memref<64x128xf32, #tpu.memory_space<vmem>>, vector<1x16xf32>,
        %parallel_loop3A_473 = vector.shape_cast %parallel_loop3A_472 : vector<1x16xf32> to vector<16xf32>
        %parallel_loop3A_474 = vector.shape_cast %parallel_loop3A_469 : vector<16xf32> to vector<1x16xf32>
        tpu.vector_store %arg21[%parallel_loop3A_470, %parallel_loop3A_471], %parallel_loop3A_474 {strides = array<i32>} : memref<64x128xf32, #tpu.memory_space<vmem>>, vector<1x16xf32>,
        %parallel_loop3A_475 = arith.index_cast %parallel_loop3A_404 : i32 to index
        %parallel_loop3A_476 = arith.constant 64 : index
        %parallel_loop3A_477 = tpu.vector_load %arg20[%parallel_loop3A_475, %parallel_loop3A_476] {strides = array<i32>} : memref<64x128xf32, #tpu.memory_space<vmem>>, vector<1x16xf32>,
        %parallel_loop3A_478 = vector.shape_cast %parallel_loop3A_477 : vector<1x16xf32> to vector<16xf32>
        %parallel_loop3A_479 = arith.index_cast %parallel_loop3A_410 : i32 to index
        %parallel_loop3A_480 = arith.constant 64 : index
        %parallel_loop3A_481 = tpu.vector_load %arg9[%parallel_loop3A_479, %parallel_loop3A_480] {strides = array<i32>} : memref<264x128xf32, #tpu.memory_space<vmem>>, vector<1x16xf32>,
        %parallel_loop3A_482 = vector.shape_cast %parallel_loop3A_481 : vector<1x16xf32> to vector<16xf32>
        %parallel_loop3A_483 = arith.addf %parallel_loop3A_478, %parallel_loop3A_482 : vector<16xf32>
        %parallel_loop3A_484 = arith.mulf %parallel_loop3A_409, %get3A_379 : vector<16xf32>
        %parallel_loop3A_485 = arith.addf %parallel_loop3A_483, %parallel_loop3A_484 : vector<16xf32>
        %parallel_loop3A_486 = arith.index_cast %parallel_loop3A_404 : i32 to index
        %parallel_loop3A_487 = arith.constant 64 : index
        %parallel_loop3A_488 = tpu.vector_load %arg21[%parallel_loop3A_486, %parallel_loop3A_487] {strides = array<i32>} : memref<64x128xf32, #tpu.memory_space<vmem>>, vector<1x16xf32>,
        %parallel_loop3A_489 = vector.shape_cast %parallel_loop3A_488 : vector<1x16xf32> to vector<16xf32>
        %parallel_loop3A_490 = vector.shape_cast %parallel_loop3A_485 : vector<16xf32> to vector<1x16xf32>
        tpu.vector_store %arg21[%parallel_loop3A_486, %parallel_loop3A_487], %parallel_loop3A_490 {strides = array<i32>} : memref<64x128xf32, #tpu.memory_space<vmem>>, vector<1x16xf32>,
        %parallel_loop3A_491 = arith.index_cast %parallel_loop3A_404 : i32 to index
        %parallel_loop3A_492 = arith.constant 80 : index
        %parallel_loop3A_493 = tpu.vector_load %arg20[%parallel_loop3A_491, %parallel_loop3A_492] {strides = array<i32>} : memref<64x128xf32, #tpu.memory_space<vmem>>, vector<1x16xf32>,
        %parallel_loop3A_494 = vector.shape_cast %parallel_loop3A_493 : vector<1x16xf32> to vector<16xf32>
        %parallel_loop3A_495 = arith.index_cast %parallel_loop3A_410 : i32 to index
        %parallel_loop3A_496 = arith.constant 80 : index
        %parallel_loop3A_497 = tpu.vector_load %arg9[%parallel_loop3A_495, %parallel_loop3A_496] {strides = array<i32>} : memref<264x128xf32, #tpu.memory_space<vmem>>, vector<1x16xf32>,
        %parallel_loop3A_498 = vector.shape_cast %parallel_loop3A_497 : vector<1x16xf32> to vector<16xf32>
        %parallel_loop3A_499 = arith.addf %parallel_loop3A_494, %parallel_loop3A_498 : vector<16xf32>
        %parallel_loop3A_500 = arith.mulf %parallel_loop3A_409, %get3A_382 : vector<16xf32>
        %parallel_loop3A_501 = arith.addf %parallel_loop3A_499, %parallel_loop3A_500 : vector<16xf32>
        %parallel_loop3A_502 = arith.index_cast %parallel_loop3A_404 : i32 to index
        %parallel_loop3A_503 = arith.constant 80 : index
        %parallel_loop3A_504 = tpu.vector_load %arg21[%parallel_loop3A_502, %parallel_loop3A_503] {strides = array<i32>} : memref<64x128xf32, #tpu.memory_space<vmem>>, vector<1x16xf32>,
        %parallel_loop3A_505 = vector.shape_cast %parallel_loop3A_504 : vector<1x16xf32> to vector<16xf32>
        %parallel_loop3A_506 = vector.shape_cast %parallel_loop3A_501 : vector<16xf32> to vector<1x16xf32>
        tpu.vector_store %arg21[%parallel_loop3A_502, %parallel_loop3A_503], %parallel_loop3A_506 {strides = array<i32>} : memref<64x128xf32, #tpu.memory_space<vmem>>, vector<1x16xf32>,
        %parallel_loop3A_507 = arith.index_cast %parallel_loop3A_404 : i32 to index
        %parallel_loop3A_508 = arith.constant 96 : index
        %parallel_loop3A_509 = tpu.vector_load %arg20[%parallel_loop3A_507, %parallel_loop3A_508] {strides = array<i32>} : memref<64x128xf32, #tpu.memory_space<vmem>>, vector<1x16xf32>,
        %parallel_loop3A_510 = vector.shape_cast %parallel_loop3A_509 : vector<1x16xf32> to vector<16xf32>
        %parallel_loop3A_511 = arith.index_cast %parallel_loop3A_410 : i32 to index
        %parallel_loop3A_512 = arith.constant 96 : index
        %parallel_loop3A_513 = tpu.vector_load %arg9[%parallel_loop3A_511, %parallel_loop3A_512] {strides = array<i32>} : memref<264x128xf32, #tpu.memory_space<vmem>>, vector<1x16xf32>,
        %parallel_loop3A_514 = vector.shape_cast %parallel_loop3A_513 : vector<1x16xf32> to vector<16xf32>
        %parallel_loop3A_515 = arith.addf %parallel_loop3A_510, %parallel_loop3A_514 : vector<16xf32>
        %parallel_loop3A_516 = arith.mulf %parallel_loop3A_409, %get3A_385 : vector<16xf32>
        %parallel_loop3A_517 = arith.addf %parallel_loop3A_515, %parallel_loop3A_516 : vector<16xf32>
        %parallel_loop3A_518 = arith.index_cast %parallel_loop3A_404 : i32 to index
        %parallel_loop3A_519 = arith.constant 96 : index
        %parallel_loop3A_520 = tpu.vector_load %arg21[%parallel_loop3A_518, %parallel_loop3A_519] {strides = array<i32>} : memref<64x128xf32, #tpu.memory_space<vmem>>, vector<1x16xf32>,
        %parallel_loop3A_521 = vector.shape_cast %parallel_loop3A_520 : vector<1x16xf32> to vector<16xf32>
        %parallel_loop3A_522 = vector.shape_cast %parallel_loop3A_517 : vector<16xf32> to vector<1x16xf32>
        tpu.vector_store %arg21[%parallel_loop3A_518, %parallel_loop3A_519], %parallel_loop3A_522 {strides = array<i32>} : memref<64x128xf32, #tpu.memory_space<vmem>>, vector<1x16xf32>,
        %parallel_loop3A_523 = arith.index_cast %parallel_loop3A_404 : i32 to index
        %parallel_loop3A_524 = arith.constant 112 : index
        %parallel_loop3A_525 = tpu.vector_load %arg20[%parallel_loop3A_523, %parallel_loop3A_524] {strides = array<i32>} : memref<64x128xf32, #tpu.memory_space<vmem>>, vector<1x16xf32>,
        %parallel_loop3A_526 = vector.shape_cast %parallel_loop3A_525 : vector<1x16xf32> to vector<16xf32>
        %parallel_loop3A_527 = arith.index_cast %parallel_loop3A_410 : i32 to index
        %parallel_loop3A_528 = arith.constant 112 : index
        %parallel_loop3A_529 = tpu.vector_load %arg9[%parallel_loop3A_527, %parallel_loop3A_528] {strides = array<i32>} : memref<264x128xf32, #tpu.memory_space<vmem>>, vector<1x16xf32>,
        %parallel_loop3A_530 = vector.shape_cast %parallel_loop3A_529 : vector<1x16xf32> to vector<16xf32>
        %parallel_loop3A_531 = arith.addf %parallel_loop3A_526, %parallel_loop3A_530 : vector<16xf32>
        %parallel_loop3A_532 = arith.mulf %parallel_loop3A_409, %get3A_388 : vector<16xf32>
        %parallel_loop3A_533 = arith.addf %parallel_loop3A_531, %parallel_loop3A_532 : vector<16xf32>
        %parallel_loop3A_534 = arith.index_cast %parallel_loop3A_404 : i32 to index
        %parallel_loop3A_535 = arith.constant 112 : index
        %parallel_loop3A_536 = tpu.vector_load %arg21[%parallel_loop3A_534, %parallel_loop3A_535] {strides = array<i32>} : memref<64x128xf32, #tpu.memory_space<vmem>>, vector<1x16xf32>,
        %parallel_loop3A_537 = vector.shape_cast %parallel_loop3A_536 : vector<1x16xf32> to vector<16xf32>
        %parallel_loop3A_538 = vector.shape_cast %parallel_loop3A_533 : vector<16xf32> to vector<1x16xf32>
        tpu.vector_store %arg21[%parallel_loop3A_534, %parallel_loop3A_535], %parallel_loop3A_538 {strides = array<i32>} : memref<64x128xf32, #tpu.memory_space<vmem>>, vector<1x16xf32>,
      } {sc.loop_unroll_factor = 4 : i64, sc.parallel_access}
      %lt3A_392 = arith.constant 24 : i32
      %lt3A_393 = arith.cmpi slt, %scan3A_118, %lt3A_392 : i32
      %convert_element_type3A_394 = arith.extui %lt3A_393 : i1 to i32
      %cond3A_395 = arith.constant 0 : i32
      %cond3A_396 = arith.cmpi ne, %convert_element_type3A_394, %cond3A_395 : i32
      scf.if %cond3A_396 {
        %add3A_404 = arith.constant 4 : i32
        %add3A_405 = arith.addi %add3A_334, %add3A_404 : i32
        %dma_start3A_406 = arith.constant 0 : i32
        %dma_start3A_407 = tpu.memref_slice %arg8[%add3A_405, %dma_start3A_406] : memref<100x64xi32, #tpu.memory_space<vmem>> -> memref<1x64xi32, #tpu.memory_space<vmem>>
        %dma_start3A_408 = tpu.memref_squeeze %dma_start3A_407 : memref<1x64xi32, #tpu.memory_space<vmem>> -> memref<64xi32, #tpu.memory_space<vmem>>
        %dma_start3A_409 = arith.constant 0 : i32
        %dma_start3A_410 = arith.constant 0 : i32
        %dma_start3A_411 = tpu.memref_slice %arg2[%dma_start3A_409, %dma_start3A_410] : memref<100000x128xf32, #tpu.memory_space<hbm>> -> memref<100000x128xf32, #tpu.memory_space<hbm>>
        tpu.enqueue_indirect_dma source(%dma_start3A_411 : memref<100000x128xf32, #tpu.memory_space<hbm>>) target(%arg20 : memref<64x128xf32, #tpu.memory_space<vmem>>) offsets(%dma_start3A_408 : memref<64xi32, #tpu.memory_space<vmem>>) semaphore(%arg26 : memref<!tpu.dma_semaphore, #tpu.memory_space<semaphore_mem>>)
        %dma_start3A_412 = arith.constant 0 : i32
        %dma_start3A_413 = arith.constant 0 : i32
        %dma_start3A_414 = tpu.memref_slice %arg5[%add3A, %dma_start3A_412, %dma_start3A_413] : memref<32x100x1024xf32, #tpu.memory_space<hbm>> -> memref<1x100x1024xf32, #tpu.memory_space<hbm>>
        %dma_start3A_415 = tpu.memref_squeeze %dma_start3A_414 : memref<1x100x1024xf32, #tpu.memory_space<hbm>> -> memref<100x1024xf32, #tpu.memory_space<hbm>>
        %dma_start3A_416 = arith.constant 0 : i32
        %dma_start3A_417 = tpu.memref_slice %dma_start3A_415[%add3A_405, %dma_start3A_416] : memref<100x1024xf32, #tpu.memory_space<hbm>> -> memref<1x1024xf32, #tpu.memory_space<hbm>>
        %dma_start3A_418 = tpu.memref_squeeze %dma_start3A_417 : memref<1x1024xf32, #tpu.memory_space<hbm>> -> memref<1024xf32, #tpu.memory_space<hbm>>
        %dma_start3A_419 = arith.constant 0 : i32
        %dma_start3A_420 = arith.constant 0 : i32
        %dma_start3A_421 = tpu.memref_slice %arg5[%add3A, %dma_start3A_419, %dma_start3A_420] : memref<32x100x1024xf32, #tpu.memory_space<hbm>> -> memref<1x100x1024xf32, #tpu.memory_space<hbm>>
        %dma_start3A_422 = tpu.memref_squeeze %dma_start3A_421 : memref<1x100x1024xf32, #tpu.memory_space<hbm>> -> memref<100x1024xf32, #tpu.memory_space<hbm>>
        %dma_start3A_423 = arith.constant 0 : i32
        %dma_start3A_424 = tpu.memref_slice %dma_start3A_422[%add3A_405, %dma_start3A_423] : memref<100x1024xf32, #tpu.memory_space<hbm>> -> memref<1x1024xf32, #tpu.memory_space<hbm>>
        %dma_start3A_425 = tpu.memref_squeeze %dma_start3A_424 : memref<1x1024xf32, #tpu.memory_space<hbm>> -> memref<1024xf32, #tpu.memory_space<hbm>>
        tpu.enqueue_dma source(%dma_start3A_425 : memref<1024xf32, #tpu.memory_space<hbm>>) target(%arg22 : memref<1024xf32, #tpu.memory_space<vmem>>) target_semaphore(%arg30 : memref<!tpu.dma_semaphore, #tpu.memory_space<semaphore_mem>>)
      } else {
      }
      %mul3A_397 = arith.constant 64 : i32
      %mul3A_398 = arith.muli %add3A_334, %mul3A_397 : i32
      %add3A_399 = arith.addi %mul3A_2, %mul3A_398 : i32
      %dma_start3A_400 = arith.constant 0 : i32
      %dma_start3A_401 = tpu.memref_slice %arg7[%add3A_399, %dma_start3A_400] : memref<204800x128xf32, #tpu.memory_space<hbm>> -> memref<64x128xf32, #tpu.memory_space<hbm>>
      %dma_start3A_402 = arith.constant 0 : i32
      %dma_start3A_403 = tpu.memref_slice %arg7[%add3A_399, %dma_start3A_402] : memref<204800x128xf32, #tpu.memory_space<hbm>> -> memref<64x128xf32, #tpu.memory_space<hbm>>
      tpu.enqueue_dma source(%arg21 : memref<64x128xf32, #tpu.memory_space<vmem>>) target(%dma_start3A_403 : memref<64x128xf32, #tpu.memory_space<hbm>>) target_semaphore(%arg34 : memref<!tpu.dma_semaphore, #tpu.memory_space<semaphore_mem>>)
    }
    %scan3A_94 = arith.constant 25 : i32
    %add3A_95 = arith.constant 6144 : i32
    %add3A_96 = arith.addi %mul3A_2, %add3A_95 : i32
    %dma_wait3A = arith.constant 0 : i32
    %dma_wait3A_97 = tpu.memref_slice %arg7[%add3A_96, %dma_wait3A] : memref<204800x128xf32, #tpu.memory_space<hbm>> -> memref<64x128xf32, #tpu.memory_space<hbm>>
    %dma_wait3A_98 = arith.constant 0 : i32
    %dma_wait3A_99 = tpu.memref_slice %arg7[%add3A_96, %dma_wait3A_98] : memref<204800x128xf32, #tpu.memory_space<hbm>> -> memref<64x128xf32, #tpu.memory_space<hbm>>
    tpu.wait_dma2 semaphore(%arg31 : memref<!tpu.dma_semaphore, #tpu.memory_space<semaphore_mem>>) src(%arg12 : memref<64x128xf32, #tpu.memory_space<vmem>>) dst(%dma_wait3A_99 : memref<64x128xf32, #tpu.memory_space<hbm>>)
    %add3A_100 = arith.constant 6208 : i32
    %add3A_101 = arith.addi %mul3A_2, %add3A_100 : i32
    %dma_wait3A_102 = arith.constant 0 : i32
    %dma_wait3A_103 = tpu.memref_slice %arg7[%add3A_101, %dma_wait3A_102] : memref<204800x128xf32, #tpu.memory_space<hbm>> -> memref<64x128xf32, #tpu.memory_space<hbm>>
    %dma_wait3A_104 = arith.constant 0 : i32
    %dma_wait3A_105 = tpu.memref_slice %arg7[%add3A_101, %dma_wait3A_104] : memref<204800x128xf32, #tpu.memory_space<hbm>> -> memref<64x128xf32, #tpu.memory_space<hbm>>
    tpu.wait_dma2 semaphore(%arg32 : memref<!tpu.dma_semaphore, #tpu.memory_space<semaphore_mem>>) src(%arg15 : memref<64x128xf32, #tpu.memory_space<vmem>>) dst(%dma_wait3A_105 : memref<64x128xf32, #tpu.memory_space<hbm>>)
    %add3A_106 = arith.constant 6272 : i32
    %add3A_107 = arith.addi %mul3A_2, %add3A_106 : i32
    %dma_wait3A_108 = arith.constant 0 : i32
    %dma_wait3A_109 = tpu.memref_slice %arg7[%add3A_107, %dma_wait3A_108] : memref<204800x128xf32, #tpu.memory_space<hbm>> -> memref<64x128xf32, #tpu.memory_space<hbm>>
    %dma_wait3A_110 = arith.constant 0 : i32
    %dma_wait3A_111 = tpu.memref_slice %arg7[%add3A_107, %dma_wait3A_110] : memref<204800x128xf32, #tpu.memory_space<hbm>> -> memref<64x128xf32, #tpu.memory_space<hbm>>
    tpu.wait_dma2 semaphore(%arg33 : memref<!tpu.dma_semaphore, #tpu.memory_space<semaphore_mem>>) src(%arg18 : memref<64x128xf32, #tpu.memory_space<vmem>>) dst(%dma_wait3A_111 : memref<64x128xf32, #tpu.memory_space<hbm>>)
    %add3A_112 = arith.constant 6336 : i32
    %add3A_113 = arith.addi %mul3A_2, %add3A_112 : i32
    %dma_wait3A_114 = arith.constant 0 : i32
    %dma_wait3A_115 = tpu.memref_slice %arg7[%add3A_113, %dma_wait3A_114] : memref<204800x128xf32, #tpu.memory_space<hbm>> -> memref<64x128xf32, #tpu.memory_space<hbm>>
    %dma_wait3A_116 = arith.constant 0 : i32
    %dma_wait3A_117 = tpu.memref_slice %arg7[%add3A_113, %dma_wait3A_116] : memref<204800x128xf32, #tpu.memory_space<hbm>> -> memref<64x128xf32, #tpu.memory_space<hbm>>
    tpu.wait_dma2 semaphore(%arg34 : memref<!tpu.dma_semaphore, #tpu.memory_space<semaphore_mem>>) src(%arg21 : memref<64x128xf32, #tpu.memory_space<vmem>>) dst(%dma_wait3A_117 : memref<64x128xf32, #tpu.memory_space<hbm>>)
    return
  }
}

</mosaic_0001>

<sc_bundles>
// kernel: kernel.3.cloned.1.call-start
scs
__scs_entry_jumppad:
0x0: {  	(pc) =	sbr.rel $0x88, $3  }
0x1: {  	(tag) =	ssettag $0x0;
	lr =	simm.s32 $0x1  }
0x2: {  	[smem:$0x3F9C] =	sst lr;
	_ =	strace $0xD0000000  }
0x3: {  	_ = 	snop  }
0x4: {  	_ = 	snop  }
0x5: {  	_ = 	snop  }
0x6: {  	_ = 	snop  }
0x7: {  	_ = 	snop  }
__scs_overlays_trampoline_lowered:
0x8: {  	[smem:$0x3FAB] =	sst s0  }
0x9: {  	[smem:$0x3FAC] =	sst s1  }
0xa: {  	[smem:$0x3FAD] =	sst s2  }
0xb: {  	[smem:$0x3FAE] =	sst s3  }
0xc: {  	[smem:$0x3FAF] =	sst s4  }
0xd: {  	[smem:$0x3FB0] =	sst s5  }
0xe: {  	[smem:$0x3FB1] =	sst s6  }
0xf: {  	[smem:$0x3FB2] =	sst s7  }
0x10: {  	[smem:$0x3FB3] =	sst s8  }
0x11: {  	[smem:$0x3FB4] =	sst s9;
	s0 =	simm.s32 @!p0 $0x0  }
0x12: {  	s1 =	sld [smem:$0x3F9A];
	s0 =	simm.s32 @p0 $0x1  }
0x13: {  	[smem:$0x3FB5] =	sst s0;
	s0 =	simm.s32 @!p1 $0x0  }
0x14: {  	s2 =	sld [smem:$0x3F99];
	s0 =	simm.s32 @p1 $0x1  }
0x15: {  	[smem:$0x3FB6] =	sst s0;
	s0 =	simm.s32 @!p2 $0x0  }
0x16: {  	s3 =	sld [smem:$0x3FDB];
	s0 =	simm.s32 @p2 $0x1  }
0x17: {  	s4 =	simm.s32 $0x1BF5;
	[smem:$0x3FB8] =	sst s0  }
0x18: {  	s0 =	sld [smem:$0x3F9B];
	_ =	swait.ge [sflag:s4], $0x0  }
0x19: {  	s7 =	sld [smem:$0x3F9C]  }
0x1a: {  	s8 =	sadd.s32 $0xFFFFE003, lr  }
0x1b: {  	s9 =	sadd.s32 $0xFFFFFEF7, lr;
	s5 =	simm.s32 $0xFFFFFFFF;
	p2 =	slt.u32 s8, $0xFFFFF086  }
0x1c: {  	p1 =	slt.u32 s9, $0xF7A;
	s5 =	simm.s32 @!p2 $0x0  }
0x1d: {  	s5 =	simm.s32 @p1 $0x1;
	p0 =	seq.s32 s7, s2  }
0x1e: {  	s7 =	smul.u32 @!p0 $0xF7A, s2;
	p2 =	seq.s32 @!p0 s5, $0x0  }
0x1f: {  	s9 =	smul.u32 $0xF7A, s1;
	s8 =	simm.s32 @!p0 $0x1BF5;
	p2 =	por !p2, p0  }
0x20: {  	[sflag:s8] =	ssyncset.s32 @!p0 $0xFFFFF086;
	s6 =	sadd.s32 @!p0 s3, s7;
	s7 =	simm.s32 @!p0 $0x108  }
0x21: {  	s3 =	sadd.s32 s3, s9;
	s6 =	sadd.s32 @!p0 $0x88, s6;
	s7 =	simm.s32 @p2 $0x1082  }
0x22: {  	[simem:s7], [sflag:s8] =	dma.local @!p0 [hbm:s6], $0xF7A  }
0x23: {  	s9 =	sor.u32 $0xD0000000, s2;
	s6 =	simm.s32 $0x108;
	_ =	swait.ge @!p0 [sflag:s8], $0x0  }
0x24: {  	s3 =	sadd.s32 $0x88, s3;
	s6 =	simm.s32 @!p1 $0x1082;
	[sflag:s4] =	ssyncset.s32 $0xFFFFF086  }
0x25: {  	[simem:s6], [sflag:s4] =	dma.local [hbm:s3], $0xF7A  }
0x26: {  	[smem:$0x3F9C] =	sst s1;
	(tag) =	ssettag s2;
	_ =	strace s9  }
0x27: {  	s1 =	sld [smem:$0x3FAC]  }
0x28: {  	s2 =	sld [smem:$0x3FAD]  }
0x29: {  	s4 =	sld [smem:$0x3FAF]  }
0x2a: {  	p0 =	seq.s32 s5, $0x0;
	s5 =	sld [smem:$0x3FB0]  }
0x2b: {  	s6 =	sld [smem:$0x3FB1]  }
0x2c: {  	s7 =	sld [smem:$0x3FB2]  }
0x2d: {  	s3 =	simm.s32 $0x108;
	s8 =	sld [smem:$0x3FB3]  }
0x2e: {  	s3 =	simm.s32 @!p0 $0x1082;
	s9 =	sld [smem:$0x3FB4]  }
0x2f: {  	lr =	sadd.s32 s0, s3;
	s0 =	sld [smem:$0x3FAB]  }
0x30: {  	s3 =	sld [smem:$0x3FAE]  }
0x31: {  	[smem:$0x3FB7] =	sst s10  }
0x32: {  	s10 =	sld [smem:$0x3FB5];
	_ =	sdelay $0x3  }
0x33: {  	p0 =	seq.s32 s10, $0x1;
	s10 =	sld [smem:$0x3FB7];
	_ =	sdelay $0x3  }
0x34: {  	[smem:$0x3FB7] =	sst s10  }
0x35: {  	s10 =	sld [smem:$0x3FB6];
	_ =	sdelay $0x3  }
0x36: {  	p1 =	seq.s32 s10, $0x1;
	s10 =	sld [smem:$0x3FB7];
	_ =	sdelay $0x3  }
0x37: {  	[smem:$0x3FB7] =	sst s10  }
0x38: {  	s10 =	sld [smem:$0x3FB8]  }
0x39: {  	_ = 	snop;
	(pc) =	sbr.ind lr, $3  }
0x3a: {  	_ = 	snop  }
0x3b: {  	_ = 	snop  }
0x3c: {  	p2 =	seq.s32 s10, $0x1;
	s10 =	sld [smem:$0x3FB7]  }
0x3d: {  	_ =	shalt  }
0x3e: {  	_ =	shalt  }
0x3f: {  	_ =	shalt  }
0x40: {  	_ =	shalt  }
0x41: {  	_ =	shalt  }
0x42: {  	_ =	shalt  }
0x43: {  	_ =	shalt  }
0x44: {  	_ =	shalt  }
0x45: {  	_ =	shalt  }
0x46: {  	_ =	shalt  }
0x47: {  	_ =	shalt  }
0x48: {  	_ =	shalt  }
0x49: {  	_ =	shalt  }
0x4a: {  	_ =	shalt  }
0x4b: {  	_ =	shalt  }
0x4c: {  	_ =	shalt  }
0x4d: {  	_ =	shalt  }
0x4e: {  	_ =	shalt  }
0x4f: {  	_ =	shalt  }
0x50: {  	_ =	shalt  }
0x51: {  	_ =	shalt  }
0x52: {  	_ =	shalt  }
0x53: {  	_ =	shalt  }
0x54: {  	_ =	shalt  }
0x55: {  	_ =	shalt  }
0x56: {  	_ =	shalt  }
0x57: {  	_ =	shalt  }
0x58: {  	_ =	shalt  }
0x59: {  	_ =	shalt  }
0x5a: {  	_ =	shalt  }
0x5b: {  	_ =	shalt  }
0x5c: {  	_ =	shalt  }
0x5d: {  	_ =	shalt  }
0x5e: {  	_ =	shalt  }
0x5f: {  	_ =	shalt  }
0x60: {  	_ =	shalt  }
0x61: {  	_ =	shalt  }
0x62: {  	_ =	shalt  }
0x63: {  	_ =	shalt  }
0x64: {  	_ =	shalt  }
0x65: {  	_ =	shalt  }
0x66: {  	_ =	shalt  }
0x67: {  	_ =	shalt  }
0x68: {  	_ =	shalt  }
0x69: {  	_ =	shalt  }
0x6a: {  	_ =	shalt  }
0x6b: {  	_ =	shalt  }
0x6c: {  	_ =	shalt  }
0x6d: {  	_ =	shalt  }
0x6e: {  	_ =	shalt  }
0x6f: {  	_ =	shalt  }
0x70: {  	_ =	shalt  }
0x71: {  	_ =	shalt  }
0x72: {  	_ =	shalt  }
0x73: {  	_ =	shalt  }
0x74: {  	_ =	shalt  }
0x75: {  	_ =	shalt  }
0x76: {  	_ =	shalt  }
0x77: {  	_ =	shalt  }
0x78: {  	_ =	shalt  }
0x79: {  	_ =	shalt  }
0x7a: {  	_ =	shalt  }
0x7b: {  	_ =	shalt  }
0x7c: {  	_ =	shalt  }
0x7d: {  	_ =	shalt  }
0x7e: {  	_ =	shalt  }
0x7f: {  	_ =	shalt  }
0x80: {  	_ =	shalt  }
0x81: {  	_ =	shalt  }
0x82: {  	_ =	shalt  }
0x83: {  	_ =	shalt  }
0x84: {  	_ =	shalt  }
0x85: {  	_ =	shalt  }
0x86: {  	_ =	shalt  }
0x87: {  	_ =	shalt  }
.Lfunc_end0:
.L_simem_size_0:
called_computation_lowered:
.L_overlay_start_0:
0x88: {  	s2 =	sld [smem:$0x3FD9]  }
0x89: {  	s3 =	sld [smem:$0x3FFE];
	_ =	sdelay $0x1  }
0x8a: {  	s1 =	srdreg.scid  }
0x8b: {  	s0 =	sand.u32 $0x1, s1  }
0x8c: {  	s17 =	sshll.u32 s0, $0xA;
	s2 =	sadd.s32 s3, s2  }
0x8d: {  	s2 =	sadd.s32 s2, s17  }
0x8e: {  	[smem:$0x3FC3] =	sst s2  }
0x8f: {  	_ = 	snop  }
0x90: {  	s2 =	sld [smem:$0x3FC7]  }
0x91: {  	s18 =	sld [smem:$0x3FD0];
	(tm) =	ssettm $0x1  }
0x92: {  	s4 =	sld [smem:$0x3FFB];
	_ =	sdelay $0x3  }
0x93: {  	_ =	strace s4  }
0x94: {  	s4 =	sld [smem:$0x3FFC];
	_ =	sdelay $0x3  }
0x95: {  	_ =	strace s4  }
0x96: {  	s4 =	sld [smem:$0x3FFD];
	_ =	sdelay $0x3  }
0x97: {  	_ =	strace s4  }
0x98: {  	_ =	strace $0x8FFFFFFF  }
0x99: {  	s19 =	sld [smem:$0x3FDB];
	_ =	sdelay $0x1  }
0x9a: {  	s5 =	simm.s32 $_scs_section_size  }
0x9b: {  	s6 =	simm.s32 $_size__tile_overlayer_lowered;
	s7 =	simm.s32 $_tile_overlayer_lowered  }
0x9c: {  	s22 =	simm.s32 $0x1BFF;
	s21 =	sshll.u32 s7, $0x1;
	s4 =	sadd.s32 s5, s19  }
0x9d: {  	s8 =	simm.s32 $0x0;
	s20 =	sshll.u32 s6, $0x1;
	s6 =	sadd.s32 s21, s4  }
0x9e: {  	[timem:s8], [sflag:s22] =	dma.local [hbm:s6], s20  }
0x9f: {  	_ =	swait.ge [sflag:s22], s20  }
0xa0: {  	s5 =	ssub.s32 $0x0, s20;
	[sflag:s22] =	ssyncset.done $0x0  }
0xa1: {  	[sflag:s22] =	ssyncadd.s32 s5;
	_ =	sdelay $0x1  }
0xa2: {  	s23 =	simm.s32 $0x1B8B  }
0xa3: {  	_ =	swait.ge [sflag:s23], $0x1  }
0xa4: {  	[sflag:s23] =	ssyncset.done $0x0  }
0xa5: {  	s25 =	simm.s32 $0x1B8E;
	s24 =	sld [smem:$0x3FFE];
	[sflag:s23] =	ssyncadd.s32 $0xFFFFFFFF  }
0xa6: {  	s26 =	simm.s32 $execute0_lowered;
	[smem:$0x3FD2] =	sst s25  }
0xa7: {  	s6 =	sshll.u32 s26, $0x1;
	_ =	strace $0x80000046;
	[dreg:$0x1] =	wrdreg $0xFFFFFFFF  }
0xa8: {  	s28 =	simm.s32 $_size_execute0_lowered;
	s4 =	sadd.s32 s4, s6;
	[dreg:$0x0] =	wrdreg $0x0  }
0xa9: {  	s6 =	sshll.u32 s28, $0x1;
	[dreg:$0x2] =	wrdreg s4  }
0xaa: {  	[dreg:$0x3] =	wrdreg s6  }
0xab: {  	[dreg:$0x4] =	wrdreg $0xC0  }
0xac: {  	_ =	task [dreg:s8], $0x5FFFF  }
0xad: {  	[dreg:$0x1] =	wrdreg $0xFFFFFFFF  }
0xae: {  	[dreg:$0x0] =	wrdreg $0x60  }
0xaf: {  	[dreg:$0x2] =	wrdreg s2  }
0xb0: {  	[dreg:$0x3] =	wrdreg s24  }
0xb1: {  	[dreg:$0x4] =	wrdreg s18  }
0xb2: {  	[dreg:$0x5] =	wrdreg $0x9  }
0xb3: {  	_ =	task.clear_ibuf [dreg:s8], $0x6FFFF;
	_ =	strace $0x90000046  }
0xb4: {  	s29 =	simm.s32 $0x9;
	_ =	strace $0x80000048  }
0xb5: {  	_ =	swait.ge [sflag:s29], $0x1  }
0xb6: {  	[sflag:s29] =	ssyncadd.s32 $0xFFFFFFFF  }
0xb7: {  	_ =	strace $0x90000048  }
0xb8: {  	_ =	sfence  }
0xb9: {  	s30 =	sld [smem:$0x0];
	_ =	sdelay $0x2  }
0xba: {  	s31 =	sshll.u32 s1, $0xD;
	s1 =	sshrl.u32 s1, $0x2  }
0xbb: {  	s3 =	sand.u32 $0x4000, s31;
	s1 =	sadd.s32 s1, s30  }
0xbc: {  	s0 =	sor.u32 s3, s0;
	s1 =	sshll.u32 s1, $0x11  }
0xbd: {  	s0 =	sor.u32 s1, s0  }
0xbe: {  	s0 =	sadd.s32 $0x8F2B, s0  }
0xbf: {  	[sflag:s0] =	ssyncadd.remote.s32 $0x1  }
0xc0: {  	_ =	sfence.sel $0xFFFF  }
0xc1: {  	[dreg:$0x0] =	wrdreg $0xFFFFFFFF;
	(pc) =	sbr.abs _section_cstart, $3  }
0xc2: {  	[dreg:$0x1] =	wrdreg $0xFFFFFFFF  }
0xc3: {  	_ =	task.clear_ibuf [dreg:s8], $0x2FFFF;
	_ =	strace $0x9FFFFFFF  }
0xc4: {  	(tm) =	ssettm $0x7FFFFFFF  }
0xc5: {  	_ =	shalt  }
tec
execute0_lowered:
.L_overlay_start_1:
0x0: {  	(tag) =	ssettag $0x1  }
0x1: {  	s1 =	rddreg [dreg:$0x0]  }
0x2: {  	s0 =	rddreg [dreg:$0x1];
	s2 =	srdreg.scid  }
0x3: {  	s12 =	stileid.u32;
	s3 =	rddreg [dreg:$0x2];
	s4 =	simm.s32 $0x0  }
0x4: {  	s28 =	simm.s32 $0x7;
	s29 =	simm.s32 $0x3;
	s9 =	smul.u32 $0x640000, s12  }
0x5: {  	s31 =	simm.s32 $0x8;
	s2 =	sand.u32 $0x1, s2;
	s23 =	smul.u32 $0x3200, s12  }
0x6: {  	s5 =	sshll.u32 s12, $0x1;
	[smem:$0x7FF] =	sst s4;
	s11 =	smul.u32 $0x320000, s2  }
0x7: {  	s5 =	sor.u32 s2, s5;
	s21 =	ssub.s32 $0x2, s2;
	s2 =	smul.u32 $0x1900, s2  }
0x8: {  	s7 =	sadd.s32 $0x75600, s0;
	s8 =	sadd.s32 $0x400, s0;
	s6 =	smul.u32 $0x3400, s5  }
0x9: {  	_ =	strace $0x80000047;
	[dreg:$0x4] =	wrdreg s7;
	s20 =	smul.u32 $0x680, s5  }
0xa: {  	[dreg:$0x5] =	wrdreg s8;
	s10 =	sshrl.u32 s21, $0x1;
	s7 =	smul.u32 $0x1900, s5  }
0xb: {  	s8 =	ssub.s32 s21, s10;
	s22 =	sadd.s32 s11, s9;
	s2 =	sadd.s32 s2, s23  }
0xc: {  	s6 =	sadd.s32 s6, s0;
	s8 =	smax.u32 s8, $0x1;
	[dreg:$0x9] =	wrdreg s2  }
0xd: {  	s0 =	sadd.s32 s20, s0;
	s25 =	sor.u32 $0x40, s2;
	[dreg:$0x7] =	wrdreg s8  }
0xe: {  	s24 =	sor.u32 $0x7C0, s22;
	s26 =	sor.u32 $0x80, s2;
	[dreg:$0xb] =	wrdreg s25  }
0xf: {  	s30 =	sor.u32 $0xC0, s2;
	s0 =	sadd.s32 $0x600, s0;
	[dreg:$0xc] =	wrdreg s26  }
0x10: {  	s9 =	sadd.s32 $0xD600, s6;
	s6 =	sshrl.u32 s24, $0x2;
	[dreg:$0xd] =	wrdreg s30  }
0x11: {  	[dreg:$0x6] =	wrdreg s0;
	s0 =	sshrl.u32 s22, $0x2;
	s6 =	sor.u32 $0x3400, s6  }
0x12: {  	s2 =	simm.s32 $0x4;
	[dreg:$0x8] =	wrdreg s6;
	s0 =	sor.u32 $0x3400, s0  }
0x13: {  	s25 =	simm.s32 $0x2;
	s6 =	simm.s32 $0x0;
	[dreg:$0xa] =	wrdreg s0  }
.LBB2_1:
0x14: {  	[dreg:$0xe] =	wrdreg s6  }
0x15: {  	s0 =	rddreg [dreg:$0x4];
	s5 =	simm.s32 $0x3400;
	s8 =	simm.s32 $0xD  }
0x16: {  	[tilespmem:s5], [sflag:$0xD] =	stream.linear.gather [hbm4b:s0+s4], $0x8400, $0x38;
	[tilespmem:$0x1C880] =	vst v63  }
0x17: {  	_ =	swait.ge [sflag:s8], $0x8400  }
0x18: {  	[sflag:s8] =	ssyncset.done $0x0  }
0x19: {  	s11 =	simm.s32 $0xB800;
	s10 =	rddreg [dreg:$0x5];
	[sflag:s8] =	ssyncadd.s32 $0xFFFF7C00  }
0x1a: {  	[tilespmem:s11], [sflag:$0xD] =	stream.linear.gather [hbm4b:s10+s4], $0x80, $0x38;
	[tilespmem:$0x1C880] =	vst v63  }
0x1b: {  	_ =	swait.ge [sflag:s8], $0x80  }
0x1c: {  	[sflag:s8] =	ssyncset.done $0x0  }
0x1d: {  	s12 =	rddreg [dreg:$0x6];
	[sflag:s8] =	ssyncadd.s32 $0xFFFFFF80  }
0x1e: {  	[tilespmem:s4], [sflag:$0xD] =	stream.linear.gather [hbm4b:s12+s4], $0x3200, $0x38;
	[tilespmem:$0x1C880] =	vst v63  }
0x1f: {  	_ =	swait.ge [sflag:s8], $0x3200  }
0x20: {  	[sflag:s8] =	ssyncset.done $0x0  }
0x21: {  	s13 =	simm.s32 $0x40;
	s14 =	simm.s32 $0xB880;
	[sflag:s8] =	ssyncadd.s32 $0xFFFFCE00  }
0x22: {  	[tilespmem:s14], [sflag:$0x1] =	stream.indirect.gather [hbm4b:s1+s13], $0x80, s4, s13, $0xb8;
	[tilespmem:$0x1C880] =	vst v63  }
0x23: {  	s15 =	simm.s32 $0x80;
	s16 =	simm.s32 $0xF880;
	s8 =	simm.s32 $0x400  }
0x24: {  	[tilespmem:s16], [sflag:$0x5] =	stream.strided.gather [hbm4b:s9+s15], $0x400, s8, s15, $0x38;
	[tilespmem:$0x1C880] =	vst v63  }
0x25: {  	s17 =	simm.s32 $0xFC80  }
0x26: {  	[tilespmem:s17], [sflag:$0x2] =	stream.indirect.gather [hbm4b:s1+s13], $0x80, s15, s13, $0xb8;
	[tilespmem:$0x1C880] =	vst v63  }
0x27: {  	s18 =	sadd.s32 $0x10, s9;
	s10 =	simm.s32 $0x13C80;
	s12 =	rddreg [dreg:$0x9]  }
0x28: {  	[tilespmem:s10], [sflag:$0x6] =	stream.strided.gather [hbm4b:s18+s15], $0x400, s8, s15, $0x38;
	[tilespmem:$0x1C880] =	vst v63  }
0x29: {  	s19 =	simm.s32 $0x100;
	s20 =	simm.s32 $0x14080;
	s5 =	rddreg [dreg:$0x8]  }
0x2a: {  	[tilespmem:s20], [sflag:$0x3] =	stream.indirect.gather [hbm4b:s1+s13], $0x80, s19, s13, $0xb8;
	[tilespmem:$0x1C880] =	vst v63  }
0x2b: {  	s21 =	sadd.s32 $0x20, s9;
	s22 =	simm.s32 $0x18080;
	s14 =	rddreg [dreg:$0xb]  }
0x2c: {  	[tilespmem:s22], [sflag:$0x7] =	stream.strided.gather [hbm4b:s21+s15], $0x400, s8, s15, $0x38;
	[tilespmem:$0x1C880] =	vst v63  }
0x2d: {  	s23 =	simm.s32 $0x180;
	s24 =	simm.s32 $0x18480;
	s16 =	rddreg [dreg:$0xd]  }
0x2e: {  	[tilespmem:s24], [sflag:$0x4] =	stream.indirect.gather [hbm4b:s1+s13], $0x80, s23, s13, $0xb8;
	[tilespmem:$0x1C880] =	vst v63  }
0x2f: {  	s26 =	sadd.s32 $0x30, s9;
	s30 =	simm.s32 $0x1C480;
	s13 =	rddreg [dreg:$0xa]  }
0x30: {  	[tilespmem:s30], [sflag:$0x8] =	stream.strided.gather [hbm4b:s26+s15], $0x400, s8, s15, $0x38;
	[tilespmem:$0x1C880] =	vst v63  }
0x31: {  	s6 =	simm.s32 $0x0;
	s15 =	rddreg [dreg:$0xc]  }
.LBB2_2:
0x32: {  	p0 =	seq.s32 s6, $0x0  }
0x33: {  	s0 =	simm.s32 @!p0 $0x9  }
0x34: {  	_ =	swait.ge @!p0 [sflag:s0], $0x2000  }
0x35: {  	[sflag:s0] =	ssyncset.done @!p0 $0x0  }
0x36: {  	s11 =	simm.s32 $0x5;
	[sflag:s0] =	ssyncadd.s32 @!p0 $0xFFFFE000  }
0x37: {  	_ =	swait.ge [sflag:s11], $0x400  }
0x38: {  	[sflag:s11] =	ssyncset.done $0x0  }
0x39: {  	s8 =	simm.s32 $0x1;
	[sflag:s11] =	ssyncadd.s32 $0xFFFFFC00  }
0x3a: {  	s17 =	smulhi.u32 $0x51EB851F, s12;
	_ =	swait.ge [sflag:s8], $0x2000  }
0x3b: {  	[sflag:s8] =	ssyncset.done $0x0  }
0x3c: {  	s0 =	sshrl.u32 s17, $0x6;
	[sflag:s8] =	ssyncadd.s32 $0xFFFFE000  }
0x3d: {  	s0 =	smul.u32 $0xFFFE7000, s0;
	v2 =	vld [tilespmem:$0xB800]  }
0x3e: {  	s18 =	simm.s32 $0xF8A0;
	v3 =	vld [tilespmem:$0xB810]  }
0x3f: {  	s17 =	simm.s32 $0xB980;
	s0 =	sshra.s32 s0, $0x2;
	v10 =	vld [tilespmem:s18+$0x10]  }
0x40: {  	s0 =	sadd.s32 s0, s5;
	v8 =	vld [tilespmem:s17+$0x80]  }
0x41: {  	v9 =	vld [tilespmem:s0+$0xFFFFFF90]  }
0x42: {  	v4 =	vld [tilespmem:$0xB820]  }
0x43: {  	v5 =	vld [tilespmem:$0xB830]  }
0x44: {  	v6 =	vld [tilespmem:$0xB840]  }
0x45: {  	v7 =	vld [tilespmem:$0xB850]  }
0x46: {  	v1 =	vld [tilespmem:$0xB860];
	v8 =	vadd.f32 v9, v8;
	v11 =	vmul.f32 v10, v2  }
0x47: {  	v12 =	vld [tilespmem:s17+$0xFFFFFF80]  }
0x48: {  	v9 =	vld [tilespmem:s18+$0xFFFFFFF0];
	v8 =	vadd.f32 v8, v11  }
0x49: {  	s22 =	simm.s32 $0xD980;
	v11 =	vld [tilespmem:s0+$0xFFFFFE90]  }
0x4a: {  	v0 =	vld [tilespmem:$0xB870];
	[tilespmem:s22+$0x80] =	vst v8  }
0x4b: {  	v8 =	vld [tilespmem:s17+$0x90]  }
0x4c: {  	v13 =	vld [tilespmem:s0+$0xFFFFFFA0]  }
0x4d: {  	v14 =	vld [tilespmem:s17+$0xFFFFFF00]  }
0x4e: {  	v15 =	vld [tilespmem:s0+$0xFFFFFE10];
	v16 =	vmul.f32 v9, v2;
	v12 =	vadd.f32 v11, v12  }
0x4f: {  	v17 =	vld [tilespmem:s17+$0x0]  }
0x50: {  	v16 =	vadd.f32 v12, v16;
	v12 =	vld [tilespmem:s18+$0xFFFFFFE0]  }
0x51: {  	v18 =	vld [tilespmem:s0+$0xFFFFFF10];
	v8 =	vadd.f32 v13, v8;
	v13 =	vmul.f32 v10, v3  }
0x52: {  	v11 =	vld [tilespmem:s18+$0x0];
	[tilespmem:s22+$0xFFFFFF80] =	vst v16  }
0x53: {  	v16 =	vld [tilespmem:s17+$0xFFFFFF90];
	v8 =	vadd.f32 v8, v13  }
0x54: {  	v13 =	vld [tilespmem:s0+$0xFFFFFEA0]  }
0x55: {  	v14 =	vadd.f32 v15, v14;
	v15 =	vmul.f32 v12, v2;
	[tilespmem:s22+$0x90] =	vst v8  }
0x56: {  	v8 =	vld [tilespmem:s17+$0xA0]  }
0x57: {  	v17 =	vadd.f32 v18, v17;
	v19 =	vmul.f32 v11, v2;
	v14 =	vadd.f32 v14, v15;
	v15 =	vld [tilespmem:s0+$0xFFFFFFB0];
	_ =	sdelay $0x1  }
0x58: {  	v18 =	vmul.f32 v9, v3;
	v17 =	vadd.f32 v17, v19;
	v13 =	vadd.f32 v13, v16;
	[tilespmem:s22+$0xFFFFFF00] =	vst v14  }
0x59: {  	v14 =	vld [tilespmem:s17+$0xFFFFFF10]  }
0x5a: {  	[tilespmem:s22+$0x0] =	vst v17;
	v13 =	vadd.f32 v13, v18;
	v16 =	vld [tilespmem:s0+$0xFFFFFE20]  }
0x5b: {  	v17 =	vld [tilespmem:s17+$0x10];
	v8 =	vadd.f32 v15, v8;
	v15 =	vmul.f32 v10, v4  }
0x5c: {  	[tilespmem:s22+$0xFFFFFF90] =	vst v13;
	v13 =	vld [tilespmem:s0+$0xFFFFFF20]  }
0x5d: {  	v18 =	vld [tilespmem:s17+$0xFFFFFFA0];
	v8 =	vadd.f32 v8, v15  }
0x5e: {  	v15 =	vld [tilespmem:s0+$0xFFFFFEB0]  }
0x5f: {  	v19 =	vmul.f32 v12, v3;
	v14 =	vadd.f32 v16, v14;
	[tilespmem:s22+$0xA0] =	vst v8  }
0x60: {  	v8 =	vld [tilespmem:s17+$0xB0]  }
0x61: {  	v16 =	vmul.f32 v11, v3;
	v14 =	vadd.f32 v14, v19;
	v13 =	vadd.f32 v13, v17;
	v17 =	vld [tilespmem:s0+$0xFFFFFFC0];
	_ =	sdelay $0x1  }
0x62: {  	v19 =	vmul.f32 v9, v4;
	[tilespmem:s22+$0xFFFFFF10] =	vst v14;
	v14 =	vadd.f32 v15, v18;
	v13 =	vadd.f32 v13, v16  }
0x63: {  	v15 =	vld [tilespmem:s17+$0xFFFFFF20]  }
0x64: {  	v16 =	vld [tilespmem:s0+$0xFFFFFE30];
	v14 =	vadd.f32 v14, v19;
	[tilespmem:s22+$0x10] =	vst v13  }
0x65: {  	v13 =	vld [tilespmem:s17+$0x20];
	v8 =	vadd.f32 v17, v8;
	v17 =	vmul.f32 v10, v5  }
0x66: {  	[tilespmem:s22+$0xFFFFFFA0] =	vst v14;
	v14 =	vld [tilespmem:s0+$0xFFFFFF30]  }
0x67: {  	v18 =	vld [tilespmem:s17+$0xFFFFFFB0];
	v8 =	vadd.f32 v8, v17  }
0x68: {  	v17 =	vld [tilespmem:s0+$0xFFFFFEC0]  }
0x69: {  	v19 =	vmul.f32 v12, v4;
	v15 =	vadd.f32 v16, v15;
	[tilespmem:s22+$0xB0] =	vst v8  }
0x6a: {  	v8 =	vld [tilespmem:s17+$0xC0]  }
0x6b: {  	v16 =	vmul.f32 v11, v4;
	v15 =	vadd.f32 v15, v19;
	v13 =	vadd.f32 v14, v13;
	v14 =	vld [tilespmem:s0+$0xFFFFFFD0];
	_ =	sdelay $0x1  }
0x6c: {  	s11 =	simm.s32 $0xBB80;
	v19 =	vmul.f32 v9, v5;
	[tilespmem:s22+$0xFFFFFF20] =	vst v15;
	v15 =	vadd.f32 v17, v18;
	v13 =	vadd.f32 v13, v16  }
0x6d: {  	v22 =	vld [tilespmem:s11+$0x80]  }
0x6e: {  	v16 =	vld [tilespmem:s17+$0xFFFFFF30];
	v15 =	vadd.f32 v15, v19;
	[tilespmem:s22+$0x20] =	vst v13  }
0x6f: {  	v13 =	vld [tilespmem:s17+$0x30];
	v8 =	vadd.f32 v14, v8;
	v14 =	vmul.f32 v10, v6  }
0x70: {  	[tilespmem:s22+$0xFFFFFFB0] =	vst v15;
	v15 =	vld [tilespmem:s0+$0xFFFFFF40]  }
0x71: {  	s21 =	sadd.s32 $0x200, s0;
	v17 =	vld [tilespmem:s0+$0xFFFFFE40];
	v8 =	vadd.f32 v8, v14  }
0x72: {  	v23 =	vld [tilespmem:s21+$0xFFFFFF90]  }
0x73: {  	v24 =	vld [tilespmem:s11+$0xFFFFFF00];
	[tilespmem:s22+$0xC0] =	vst v8  }
0x74: {  	v8 =	vld [tilespmem:s17+$0xD0]  }
0x75: {  	v13 =	vadd.f32 v15, v13;
	v15 =	vld [tilespmem:s0+$0xFFFFFFE0]  }
0x76: {  	v25 =	vld [tilespmem:s21+$0xFFFFFE10];
	v19 =	vmul.f32 v12, v5;
	v16 =	vadd.f32 v17, v16  }
0x77: {  	v18 =	vld [tilespmem:s17+$0xFFFFFFC0]  }
0x78: {  	v14 =	vld [tilespmem:s0+$0xFFFFFED0];
	v17 =	vmul.f32 v11, v5;
	v16 =	vadd.f32 v16, v19  }
0x79: {  	v26 =	vld [tilespmem:s11+$0xFFFFFF80]  }
0x7a: {  	v27 =	vld [tilespmem:s21+$0xFFFFFE90];
	[tilespmem:s22+$0xFFFFFF30] =	vst v16;
	v13 =	vadd.f32 v13, v17;
	v8 =	vadd.f32 v15, v8;
	v15 =	vmul.f32 v10, v7  }
0x7b: {  	v16 =	vld [tilespmem:s17+$0xFFFFFF40]  }
0x7c: {  	v20 =	vld [tilespmem:s0+$0xFFFFFE50];
	[tilespmem:s22+$0x30] =	vst v13;
	v15 =	vadd.f32 v8, v15  }
0x7d: {  	s19 =	simm.s32 $0xF8E0;
	v19 =	vmul.f32 v9, v6;
	v14 =	vadd.f32 v14, v18;
	v13 =	vld [tilespmem:s17+$0x40]  }
0x7e: {  	v8 =	vld [tilespmem:s19+$0x10];
	[tilespmem:s22+$0xD0] =	vst v15  }
0x7f: {  	v14 =	vadd.f32 v14, v19;
	v15 =	vld [tilespmem:s17+$0xE0]  }
0x80: {  	v18 =	vld [tilespmem:s0+$0xFFFFFFF0]  }
0x81: {  	[tilespmem:s22+$0xFFFFFFC0] =	vst v14;
	v14 =	vld [tilespmem:s0+$0xFFFFFF50]  }
0x82: {  	v28 =	vld [tilespmem:s11+$0x0]  }
0x83: {  	v22 =	vadd.f32 v23, v22;
	v17 =	vld [tilespmem:s19+$0xFFFFFFF0];
	v23 =	vmul.f32 v8, v2  }
0x84: {  	v19 =	vld [tilespmem:s17+$0xFFFFFFD0]  }
0x85: {  	v21 =	vld [tilespmem:s0+$0xFFFFFEE0];
	v22 =	vadd.f32 v22, v23;
	v15 =	vadd.f32 v18, v15;
	v18 =	vmul.f32 v10, v1  }
0x86: {  	s18 =	simm.s32 $0xDB80;
	v16 =	vadd.f32 v20, v16;
	v13 =	vadd.f32 v14, v13;
	v14 =	vld [tilespmem:s19+$0xFFFFFFE0];
	v23 =	vmul.f32 v12, v6  }
0x87: {  	v29 =	vmul.f32 v11, v6;
	[tilespmem:s18+$0x80] =	vst v22;
	v18 =	vadd.f32 v15, v18;
	v15 =	vld [tilespmem:s19+$0x0]  }
0x88: {  	v26 =	vadd.f32 v27, v26;
	v22 =	vmul.f32 v17, v2;
	v16 =	vadd.f32 v16, v23;
	v27 =	vld [tilespmem:s11+$0x90]  }
0x89: {  	v13 =	vadd.f32 v13, v29;
	v23 =	vld [tilespmem:s21+$0xFFFFFFA0]  }
0x8a: {  	v22 =	vadd.f32 v26, v22;
	v26 =	vld [tilespmem:s21+$0xFFFFFF10];
	[tilespmem:s22+$0xFFFFFF40] =	vst v16  }
0x8b: {  	[tilespmem:s22+$0x40] =	vst v13;
	v16 =	vld [tilespmem:s17+$0xFFFFFF50]  }
0x8c: {  	[tilespmem:s22+$0xE0] =	vst v18;
	v13 =	vld [tilespmem:s0+$0xFFFFFE60]  }
0x8d: {  	v18 =	vld [tilespmem:s17+$0xF0]  }
0x8e: {  	v19 =	vadd.f32 v21, v19;
	v20 =	vld [tilespmem:s0+$0x0];
	[tilespmem:s18+$0xFFFFFF80] =	vst v22;
	v22 =	vmul.f32 v9, v7  }
0x8f: {  	v21 =	vld [tilespmem:s11+$0xFFFFFF90];
	v23 =	vadd.f32 v23, v27;
	v27 =	vmul.f32 v8, v3  }
0x90: {  	v29 =	vld [tilespmem:s21+$0xFFFFFEA0];
	v19 =	vadd.f32 v19, v22  }
0x91: {  	v22 =	vadd.f32 v25, v24;
	v24 =	vmul.f32 v14, v2;
	v25 =	vld [tilespmem:s17+$0x50];
	v23 =	vadd.f32 v23, v27  }
0x92: {  	[tilespmem:s22+$0xFFFFFFD0] =	vst v19;
	v19 =	vld [tilespmem:s0+$0xFFFFFF60]  }
0x93: {  	v26 =	vadd.f32 v26, v28;
	v27 =	vmul.f32 v15, v2;
	v22 =	vadd.f32 v22, v24;
	[tilespmem:s18+$0x90] =	vst v23;
	v23 =	vld [tilespmem:s17+$0xFFFFFFE0]  }
0x94: {  	v24 =	vld [tilespmem:s11+$0xA0]  }
0x95: {  	v28 =	vmul.f32 v17, v3;
	v26 =	vadd.f32 v26, v27;
	v21 =	vadd.f32 v29, v21;
	[tilespmem:s18+$0xFFFFFF00] =	vst v22;
	v22 =	vld [tilespmem:s21+$0xFFFFFFB0]  }
0x96: {  	v27 =	vld [tilespmem:s11+$0xFFFFFF10]  }
0x97: {  	v13 =	vadd.f32 v13, v16;
	v29 =	vmul.f32 v12, v7;
	[tilespmem:s18+$0x0] =	vst v26;
	v16 =	vadd.f32 v21, v28;
	v21 =	vld [tilespmem:s21+$0xFFFFFE20]  }
0x98: {  	v26 =	vld [tilespmem:s11+$0x10]  }
0x99: {  	v13 =	vadd.f32 v13, v29;
	[tilespmem:s18+$0xFFFFFF90] =	vst v16;
	v16 =	vld [tilespmem:s21+$0xFFFFFF20]  }
0x9a: {  	v28 =	vld [tilespmem:s11+$0xFFFFFFA0];
	v22 =	vadd.f32 v22, v24;
	v24 =	vmul.f32 v8, v4  }
0x9b: {  	[tilespmem:s22+$0xFFFFFF50] =	vst v13;
	v13 =	vld [tilespmem:s21+$0xFFFFFEB0]  }
0x9c: {  	v29 =	vmul.f32 v14, v3;
	v21 =	vadd.f32 v21, v27;
	v27 =	vld [tilespmem:s0+$0xFFFFFE70];
	v22 =	vadd.f32 v22, v24  }
0x9d: {  	v24 =	vld [tilespmem:s17+$0xFFFFFF60]  }
0x9e: {  	v30 =	vmul.f32 v15, v3;
	v21 =	vadd.f32 v21, v29;
	v16 =	vadd.f32 v16, v26;
	[tilespmem:s18+$0xA0] =	vst v22;
	v22 =	vld [tilespmem:s0+$0xFFFFFEF0]  }
0x9f: {  	v26 =	vld [tilespmem:s11+$0xB0]  }
0xa0: {  	v29 =	vmul.f32 v17, v4;
	v13 =	vadd.f32 v13, v28;
	[tilespmem:s18+$0xFFFFFF10] =	vst v21;
	v16 =	vadd.f32 v16, v30;
	v21 =	vld [tilespmem:s21+$0xFFFFFFC0]  }
0xa1: {  	v28 =	vld [tilespmem:s11+$0xFFFFFF20]  }
0xa2: {  	v19 =	vadd.f32 v19, v25;
	v30 =	vmul.f32 v11, v7;
	v25 =	vld [tilespmem:s21+$0xFFFFFE30];
	v13 =	vadd.f32 v13, v29;
	[tilespmem:s18+$0x10] =	vst v16  }
0xa3: {  	v16 =	vld [tilespmem:s11+$0x20]  }
0xa4: {  	v29 =	vmul.f32 v12, v1;
	v19 =	vadd.f32 v19, v30;
	v24 =	vadd.f32 v27, v24;
	[tilespmem:s18+$0xFFFFFFA0] =	vst v13;
	v13 =	vld [tilespmem:s21+$0xFFFFFF30]  }
0xa5: {  	v27 =	vld [tilespmem:s11+$0xFFFFFFB0];
	v21 =	vadd.f32 v21, v26;
	v26 =	vmul.f32 v8, v5  }
0xa6: {  	[tilespmem:s22+$0x50] =	vst v19;
	v19 =	vadd.f32 v24, v29;
	v24 =	vld [tilespmem:s21+$0xFFFFFEC0]  }
0xa7: {  	v29 =	vmul.f32 v14, v4;
	v25 =	vadd.f32 v25, v28;
	v28 =	vld [tilespmem:s0+$0xFFFFFF70];
	v21 =	vadd.f32 v21, v26  }
0xa8: {  	[tilespmem:s22+$0xFFFFFF60] =	vst v19;
	v26 =	vld [tilespmem:s17+$0x60]  }
0xa9: {  	v19 =	vmul.f32 v15, v4;
	v25 =	vadd.f32 v25, v29;
	v13 =	vadd.f32 v13, v16;
	[tilespmem:s18+$0xB0] =	vst v21;
	v21 =	vld [tilespmem:s17+$0xFFFFFF70]  }
0xaa: {  	v16 =	vld [tilespmem:s11+$0xC0]  }
0xab: {  	v29 =	vmul.f32 v17, v5;
	v24 =	vadd.f32 v24, v27;
	[tilespmem:s18+$0xFFFFFF20] =	vst v25;
	v13 =	vadd.f32 v13, v19;
	v19 =	vld [tilespmem:s21+$0xFFFFFFD0]  }
0xac: {  	v25 =	vld [tilespmem:s11+$0xFFFFFF30]  }
0xad: {  	v27 =	vld [tilespmem:s21+$0xFFFFFE40];
	v24 =	vadd.f32 v24, v29;
	[tilespmem:s18+$0x20] =	vst v13  }
0xae: {  	v22 =	vadd.f32 v22, v23;
	v13 =	vmul.f32 v9, v1;
	v23 =	vld [tilespmem:s11+$0x30]  }
0xaf: {  	[tilespmem:s18+$0xFFFFFFB0] =	vst v24;
	v24 =	vld [tilespmem:s21+$0xFFFFFF40]  }
0xb0: {  	v13 =	vadd.f32 v22, v13;
	v22 =	vld [tilespmem:s11+$0xFFFFFFC0];
	v16 =	vadd.f32 v19, v16;
	v19 =	vmul.f32 v8, v6  }
0xb1: {  	v32 =	vmul.f32 v14, v5;
	v30 =	vmul.f32 v11, v1;
	v31 =	vld [tilespmem:s21+$0xFFFFFED0]  }
0xb2: {  	v29 =	vmul.f32 v9, v0;
	[tilespmem:s22+$0xFFFFFFE0] =	vst v13;
	v13 =	vadd.f32 v27, v25;
	v25 =	vld [tilespmem:s0+$0xFFFFFE80];
	v16 =	vadd.f32 v16, v19  }
0xb3: {  	v9 =	vmul.f32 v11, v0;
	v11 =	vmul.f32 v15, v5;
	v33 =	vld [tilespmem:s17+$0xFFFFFFF0]  }
0xb4: {  	s10 =	smulhi.u32 $0x51EB851F, s15;
	v27 =	vmul.f32 v12, v0;
	v12 =	vadd.f32 v13, v32;
	v13 =	vadd.f32 v24, v23;
	v24 =	vld [tilespmem:s0+$0xFFFFFF00];
	[tilespmem:s18+$0xC0] =	vst v16  }
0xb5: {  	s20 =	smulhi.u32 $0x51EB851F, s16;
	v18 =	vadd.f32 v20, v18;
	v20 =	vmul.f32 v10, v0;
	v63 =	vld [tilespmem:s11+$0xD0]  }
0xb6: {  	s10 =	sshrl.u32 s10, $0x6;
	v23 =	vmul.f32 v17, v6;
	[tilespmem:s18+$0xFFFFFF30] =	vst v12;
	v12 =	vadd.f32 v31, v22;
	v22 =	vadd.f32 v13, v11;
	v31 =	vld [tilespmem:s21+$0xFFFFFFE0]  }
0xb7: {  	s8 =	sshrl.u32 s20, $0x6;
	s20 =	smul.u32 $0xFFFE7000, s10;
	v10 =	vmul.f32 v17, v0;
	v26 =	vadd.f32 v28, v26;
	v19 =	vmul.f32 v15, v6;
	v34 =	vld [tilespmem:s11+$0xFFFFFF40]  }
0xb8: {  	s19 =	smulhi.u32 $0x51EB851F, s14;
	v16 =	vmul.f32 v17, v7;
	v13 =	vmul.f32 v15, v7;
	v28 =	vld [tilespmem:s21+$0xFFFFFE50];
	v35 =	vadd.f32 v12, v23;
	[tilespmem:s18+$0x30] =	vst v22  }
0xb9: {  	s8 =	smul.u32 $0xFFFE7000, s8;
	v11 =	vmul.f32 v17, v1;
	v21 =	vadd.f32 v25, v21;
	v22 =	vadd.f32 v26, v30;
	v23 =	vld [tilespmem:s11+$0x40]  }
0xba: {  	s24 =	sshra.s32 s20, $0x2;
	s20 =	sshll.u32 s6, $0x8;
	s23 =	sshrl.u32 s19, $0x6;
	v17 =	vadd.f32 v18, v20;
	v18 =	vmul.f32 v15, v0;
	v26 =	vadd.f32 v24, v33;
	v25 =	vld [tilespmem:s21+$0xFFFFFF50];
	[tilespmem:s18+$0xFFFFFFC0] =	vst v35  }
0xbb: {  	s8 =	sshra.s32 s8, $0x2;
	s30 =	sadd.s32 s7, s20;
	s19 =	smul.u32 $0xFFFE7000, s23;
	v21 =	vadd.f32 v21, v27;
	v27 =	vmul.f32 v8, v7;
	[tilespmem:s22+$0x60] =	vst v22;
	v24 =	vld [tilespmem:s11+$0xFFFFFFD0];
	v22 =	vadd.f32 v31, v63  }
0xbc: {  	s10 =	sadd.s32 s8, s13;
	s8 =	sshll.u32 s6, $0x2;
	s23 =	sadd.s32 s24, s13;
	v20 =	vmul.f32 v14, v6;
	v12 =	vmul.f32 v15, v1;
	[tilespmem:s22+$0xF0] =	vst v17;
	v29 =	vadd.f32 v26, v29;
	v26 =	vld [tilespmem:s21+$0xFFFFFEE0]  }
0xbd: {  	s24 =	simm.s32 $0xF920;
	s26 =	sshra.s32 s19, $0x2;
	s19 =	simm.s32 $0x4;
	v17 =	vmul.f32 v14, v7;
	[tilespmem:s22+$0xFFFFFF70] =	vst v21;
	v21 =	vld [tilespmem:s17+$0x70];
	v28 =	vadd.f32 v28, v34;
	v27 =	vadd.f32 v22, v27  }
0xbe: {  	s26 =	sadd.s32 s26, s13;
	v15 =	vmul.f32 v14, v1;
	v14 =	vmul.f32 v14, v0;
	s17 =	smov.u32 s21;
	[tilespmem:s22+$0xFFFFFFF0] =	vst v29;
	v22 =	vld [tilespmem:s0+$0xFFFFFF80];
	s0 =	simm.s32 $0xBB80  }
.LBB2_3:
0xbf: {  	v29 =	vld [tilespmem:s24+$0x10];
	v20 =	vadd.f32 v28, v20;
	v23 =	vadd.f32 v25, v23;
	[tilespmem:s18+$0xD0] =	vst v27  }
0xc0: {  	v25 =	vld [tilespmem:s11+$0xE0]  }
0xc1: {  	s11 =	sadd.s32 $0x200, s11;
	[tilespmem:s18+$0xFFFFFF40] =	vst v20;
	v20 =	vadd.f32 v26, v24;
	v19 =	vadd.f32 v23, v19;
	v23 =	vld [tilespmem:s21+$0xFFFFFFF0]  }
0xc2: {  	s21 =	sadd.s32 $0x200, s21;
	v24 =	vld [tilespmem:s11+$0x80]  }
0xc3: {  	v26 =	vld [tilespmem:s21+$0xFFFFFF90];
	v16 =	vadd.f32 v20, v16;
	[tilespmem:s18+$0x40] =	vst v19;
	v19 =	vadd.f32 v22, v21  }
0xc4: {  	v20 =	vld [tilespmem:s11+$0xFFFFFF00]  }
0xc5: {  	v21 =	vld [tilespmem:s21+$0xFFFFFE10];
	[tilespmem:s18+$0xFFFFFFD0] =	vst v16;
	v16 =	vadd.f32 v19, v9;
	v9 =	vmov v18  }
0xc6: {  	v22 =	vmul.f32 v8, v1;
	v18 =	vld [tilespmem:s24+$0xFFFFFFF0];
	v19 =	vadd.f32 v23, v25  }
0xc7: {  	v23 =	vld [tilespmem:s11+$0xFFFFFF80];
	[tilespmem:s22+$0x70] =	vst v16;
	s22 =	smov.u32 s18  }
0xc8: {  	v25 =	vmul.f32 v29, v2;
	v16 =	vld [tilespmem:s21+$0xFFFFFE90];
	v24 =	vadd.f32 v26, v24;
	v19 =	vadd.f32 v19, v22  }
0xc9: {  	v28 =	vld [tilespmem:s24+$0x0]  }
0xca: {  	s19 =	sadd.s32 $0x4, s19;
	v20 =	vadd.f32 v21, v20;
	v30 =	vld [tilespmem:s11+$0x0];
	v21 =	vadd.f32 v24, v25;
	[tilespmem:s18+$0xE0] =	vst v19  }
0xcb: {  	p1 =	slt.u32 s19, $0x3C;
	s18 =	sadd.s32 $0x200, s18;
	v19 =	vmul.f32 v18, v2;
	v31 =	vmul.f32 v18, v3;
	v22 =	vld [tilespmem:s0+$0xF0]  }
0xcc: {  	v32 =	vmul.f32 v18, v4;
	v24 =	vmul.f32 v18, v5;
	[tilespmem:s18+$0x80] =	vst v21;
	v25 =	vld [tilespmem:s17+$0x0]  }
0xcd: {  	v21 =	vmul.f32 v18, v6;
	v23 =	vadd.f32 v16, v23;
	v16 =	vmul.f32 v18, v7;
	v33 =	vld [tilespmem:s11+$0x90]  }
0xce: {  	v34 =	vmul.f32 v28, v2;
	v35 =	vmul.f32 v28, v3;
	v36 =	vld [tilespmem:s21+$0xFFFFFFA0]  }
0xcf: {  	v26 =	vmul.f32 v28, v4;
	v27 =	vadd.f32 v23, v19;
	v37 =	vld [tilespmem:s21+$0xFFFFFF10];
	v23 =	vmul.f32 v28, v5  }
0xd0: {  	v39 =	vmul.f32 v28, v7;
	v19 =	vmul.f32 v28, v6;
	v38 =	vld [tilespmem:s24+$0xFFFFFFE0]  }
0xd1: {  	v42 =	vmul.f32 v8, v0;
	v40 =	vmul.f32 v18, v1;
	[tilespmem:s18+$0xFFFFFF80] =	vst v27;
	v41 =	vld [tilespmem:s0+$0xFFFFFF50];
	v25 =	vadd.f32 v25, v22  }
0xd2: {  	v8 =	vmov v29;
	v22 =	vmul.f32 v18, v0;
	v27 =	vmul.f32 v28, v1;
	v43 =	vld [tilespmem:s11+$0xFFFFFF90]  }
0xd3: {  	v29 =	vld [tilespmem:s21+$0xFFFFFEA0];
	v33 =	vadd.f32 v36, v33;
	v36 =	vmul.f32 v8, v3;
	v25 =	vadd.f32 v25, v42  }
0xd4: {  	v18 =	vmul.f32 v28, v0;
	v30 =	vadd.f32 v37, v30;
	v37 =	vld [tilespmem:s17+$0xFFFFFE60]  }
0xd5: {  	v42 =	vmul.f32 v38, v2;
	v44 =	vmul.f32 v38, v3;
	v33 =	vadd.f32 v33, v36;
	v36 =	vld [tilespmem:s0+$0x50];
	[tilespmem:s22+$0xF0] =	vst v25  }
0xd6: {  	v45 =	vmul.f32 v38, v4;
	v28 =	vmul.f32 v38, v5;
	v30 =	vadd.f32 v30, v34;
	v34 =	vld [tilespmem:s17+$0xFFFFFF60]  }
0xd7: {  	v46 =	vmul.f32 v38, v7;
	v42 =	vadd.f32 v20, v42;
	v20 =	vmul.f32 v38, v6;
	[tilespmem:s18+$0x90] =	vst v33;
	v33 =	vld [tilespmem:s0+$0xFFFFFFE0]  }
0xd8: {  	v47 =	vmul.f32 v38, v1;
	v25 =	vmul.f32 v38, v0;
	v29 =	vadd.f32 v29, v43;
	[tilespmem:s18+$0x0] =	vst v30;
	v30 =	vld [tilespmem:s11+$0xA0]  }
0xd9: {  	[tilespmem:s18+$0xFFFFFF00] =	vst v42;
	v38 =	vld [tilespmem:s21+$0xFFFFFFB0];
	v37 =	vadd.f32 v37, v41  }
0xda: {  	v41 =	vld [tilespmem:s11+$0xFFFFFF10];
	v29 =	vadd.f32 v29, v31  }
0xdb: {  	v31 =	vld [tilespmem:s21+$0xFFFFFE20];
	v37 =	vadd.f32 v37, v17;
	v34 =	vadd.f32 v34, v36;
	v17 =	vmov v46  }
0xdc: {  	[tilespmem:s18+$0xFFFFFF90] =	vst v29;
	v29 =	vld [tilespmem:s11+$0x10]  }
0xdd: {  	v36 =	vld [tilespmem:s21+$0xFFFFFF20];
	[tilespmem:s22+$0xFFFFFF50] =	vst v37;
	v34 =	vadd.f32 v34, v13;
	v13 =	vmov v39  }
0xde: {  	v37 =	vld [tilespmem:s11+$0xFFFFFFA0];
	v30 =	vadd.f32 v38, v30;
	v38 =	vmul.f32 v8, v4  }
0xdf: {  	v39 =	vld [tilespmem:s21+$0xFFFFFEB0];
	[tilespmem:s22+$0x50] =	vst v34  }
0xe0: {  	v31 =	vadd.f32 v31, v41;
	v30 =	vadd.f32 v30, v38;
	v34 =	vld [tilespmem:s0+$0xFFFFFF60]  }
0xe1: {  	v38 =	vld [tilespmem:s17+$0xFFFFFE70]  }
0xe2: {  	v31 =	vadd.f32 v31, v44;
	v29 =	vadd.f32 v36, v29;
	[tilespmem:s18+$0xA0] =	vst v30;
	v30 =	vld [tilespmem:s17+$0xFFFFFEF0]  }
0xe3: {  	v36 =	vld [tilespmem:s11+$0xB0]  }
0xe4: {  	[tilespmem:s18+$0xFFFFFF10] =	vst v31;
	v31 =	vadd.f32 v39, v37;
	v29 =	vadd.f32 v29, v35;
	v35 =	vld [tilespmem:s21+$0xFFFFFFC0]  }
0xe5: {  	v37 =	vld [tilespmem:s11+$0xFFFFFF20]  }
0xe6: {  	v39 =	vld [tilespmem:s21+$0xFFFFFE30];
	v31 =	vadd.f32 v31, v32;
	[tilespmem:s18+$0x10] =	vst v29;
	v29 =	vadd.f32 v38, v34  }
0xe7: {  	v32 =	vld [tilespmem:s11+$0x20];
	v30 =	vadd.f32 v30, v33  }
0xe8: {  	[tilespmem:s18+$0xFFFFFFA0] =	vst v31;
	v31 =	vld [tilespmem:s21+$0xFFFFFF30];
	v29 =	vadd.f32 v29, v15;
	v15 =	vmov v47  }
0xe9: {  	v33 =	vld [tilespmem:s11+$0xFFFFFFB0];
	v34 =	vadd.f32 v35, v36;
	v35 =	vmul.f32 v8, v5;
	v30 =	vadd.f32 v30, v11;
	v11 =	vmovc v40  }
0xea: {  	v36 =	vld [tilespmem:s21+$0xFFFFFEC0];
	[tilespmem:s22+$0xFFFFFF60] =	vst v29  }
0xeb: {  	v29 =	vadd.f32 v39, v37;
	v34 =	vadd.f32 v34, v35;
	[tilespmem:s22+$0xFFFFFFE0] =	vst v30;
	v30 =	vld [tilespmem:s0+$0x60]  }
0xec: {  	v35 =	vld [tilespmem:s17+$0xFFFFFF70]  }
0xed: {  	v29 =	vadd.f32 v29, v45;
	v31 =	vadd.f32 v31, v32;
	[tilespmem:s18+$0xB0] =	vst v34;
	v32 =	vld [tilespmem:s0+$0xFFFFFF70]  }
0xee: {  	v34 =	vld [tilespmem:s11+$0xC0]  }
0xef: {  	[tilespmem:s18+$0xFFFFFF20] =	vst v29;
	v29 =	vadd.f32 v36, v33;
	v26 =	vadd.f32 v31, v26;
	v31 =	vld [tilespmem:s21+$0xFFFFFFD0]  }
0xf0: {  	v33 =	vld [tilespmem:s11+$0xFFFFFF30]  }
0xf1: {  	v36 =	vld [tilespmem:s21+$0xFFFFFE40];
	v24 =	vadd.f32 v29, v24;
	[tilespmem:s18+$0x20] =	vst v26;
	v26 =	vadd.f32 v35, v30  }
0xf2: {  	v29 =	vld [tilespmem:s11+$0x30]  }
0xf3: {  	[tilespmem:s18+$0xFFFFFFB0] =	vst v24;
	v24 =	vld [tilespmem:s21+$0xFFFFFF40];
	v26 =	vadd.f32 v26, v12;
	v12 =	vmov v27  }
0xf4: {  	v27 =	vld [tilespmem:s11+$0xFFFFFFC0];
	v30 =	vadd.f32 v31, v34;
	v31 =	vmul.f32 v8, v6  }
0xf5: {  	v34 =	vld [tilespmem:s21+$0xFFFFFED0];
	[tilespmem:s22+$0x60] =	vst v26  }
0xf6: {  	v26 =	vadd.f32 v36, v33;
	v30 =	vadd.f32 v30, v31;
	v31 =	vld [tilespmem:s17+$0xFFFFFE80]  }
0xf7: {  	v33 =	vld [tilespmem:s0+$0xFFFFFFF0]  }
0xf8: {  	v26 =	vadd.f32 v26, v28;
	v24 =	vadd.f32 v24, v29;
	[tilespmem:s18+$0xC0] =	vst v30;
	v28 =	vld [tilespmem:s17+$0xFFFFFF00]  }
0xf9: {  	v29 =	vld [tilespmem:s11+$0xD0]  }
0xfa: {  	[tilespmem:s18+$0xFFFFFF30] =	vst v26;
	v26 =	vadd.f32 v34, v27;
	v23 =	vadd.f32 v24, v23;
	v27 =	vld [tilespmem:s21+$0xFFFFFFE0]  }
0xfb: {  	v30 =	vld [tilespmem:s11+$0xFFFFFF40];
	v24 =	vadd.f32 v31, v32  }
0xfc: {  	v31 =	vld [tilespmem:s21+$0xFFFFFE50];
	v21 =	vadd.f32 v26, v21;
	[tilespmem:s18+$0x30] =	vst v23  }
0xfd: {  	v23 =	vld [tilespmem:s11+$0x40];
	v26 =	vadd.f32 v24, v14;
	v28 =	vadd.f32 v28, v33;
	v14 =	vmov v25  }
.Ltmp0:
0xfe: {  	[tilespmem:s18+$0xFFFFFFC0] =	vst v21;
	v25 =	vld [tilespmem:s21+$0xFFFFFF50];
	(pc) =	sbr.rel @p1 .LBB2_3-.Ltmp0, $4  }
0xff: {  	v24 =	vld [tilespmem:s11+$0xFFFFFFD0];
	v21 =	vadd.f32 v27, v29;
	v27 =	vmul.f32 v8, v7;
	[tilespmem:s22+$0xFFFFFF70] =	vst v26;
	v29 =	vadd.f32 v28, v10  }
0x100: {  	v10 =	vmov v22;
	v26 =	vld [tilespmem:s21+$0xFFFFFEE0]  }
0x101: {  	v28 =	vadd.f32 v31, v30;
	v27 =	vadd.f32 v21, v27;
	[tilespmem:s22+$0xFFFFFFF0] =	vst v29;
	v21 =	vld [tilespmem:s0+$0x70];
	s0 =	smov.u32 s11  }
0x102: {  	s24 =	sadd.s32 $0x40, s24;
	v22 =	vld [tilespmem:s17+$0xFFFFFF80];
	s17 =	smov.u32 s21  }
0x103: {  	v2 =	vadd.f32 v28, v20;
	_ =	sdelay $0x1  }
0x104: {  	v3 =	vadd.f32 v25, v23;
	[tilespmem:s18+$0xFFFFFF40] =	vst v2  }
0x105: {  	v2 =	vld [tilespmem:s0+$0xFFFFFF50]  }
0x106: {  	v3 =	vadd.f32 v3, v19;
	v4 =	vld [tilespmem:s17+$0xFFFFFE60];
	_ =	sdelay $0x1  }
0x107: {  	[tilespmem:s18+$0x40] =	vst v3  }
0x108: {  	v3 =	vld [tilespmem:s0+$0x50]  }
0x109: {  	v5 =	vld [tilespmem:s17+$0xFFFFFF60]  }
0x10a: {  	v2 =	vadd.f32 v4, v2;
	_ =	sdelay $0x1  }
0x10b: {  	[tilespmem:s18+$0xD0] =	vst v27;
	v4 =	vadd.f32 v26, v24;
	v2 =	vadd.f32 v2, v17  }
0x10c: {  	v6 =	vld [tilespmem:s11+$0xE0]  }
0x10d: {  	v7 =	vld [tilespmem:s21+$0xFFFFFFF0];
	v4 =	vadd.f32 v4, v16;
	v3 =	vadd.f32 v5, v3;
	[tilespmem:s18+$0xFFFFFF50] =	vst v2  }
0x10e: {  	v2 =	vld [tilespmem:s0+$0xFFFFFF60]  }
0x10f: {  	[tilespmem:s18+$0xFFFFFFD0] =	vst v4;
	v3 =	vadd.f32 v3, v13;
	v4 =	vld [tilespmem:s17+$0xFFFFFE70]  }
0x110: {  	v5 =	vld [tilespmem:s0+$0xFFFFFFE0]  }
0x111: {  	[tilespmem:s18+$0x50] =	vst v3;
	v3 =	vld [tilespmem:s17+$0xFFFFFEF0]  }
0x112: {  	v1 =	vmul.f32 v8, v1;
	v6 =	vadd.f32 v7, v6;
	v7 =	vld [tilespmem:s0+$0x60]  }
0x113: {  	v13 =	vld [tilespmem:s17+$0xFFFFFF70]  }
0x114: {  	v1 =	vadd.f32 v6, v1;
	v2 =	vadd.f32 v4, v2;
	_ =	sdelay $0x1  }
0x115: {  	[tilespmem:s18+$0xE0] =	vst v1;
	v1 =	vadd.f32 v3, v5;
	v2 =	vadd.f32 v2, v15  }
0x116: {  	v4 =	vld [tilespmem:s17+$0x0]  }
0x117: {  	v3 =	vld [tilespmem:s0+$0xF0];
	v1 =	vadd.f32 v1, v11;
	[tilespmem:s18+$0xFFFFFF60] =	vst v2;
	v2 =	vadd.f32 v13, v7  }
0x118: {  	v5 =	vld [tilespmem:s0+$0xFFFFFF70]  }
0x119: {  	[tilespmem:s18+$0xFFFFFFE0] =	vst v1;
	v1 =	vadd.f32 v2, v12;
	v2 =	vld [tilespmem:s17+$0xFFFFFE80]  }
0x11a: {  	v6 =	vld [tilespmem:s0+$0xFFFFFFF0]  }
0x11b: {  	[tilespmem:s18+$0x60] =	vst v1;
	v1 =	vld [tilespmem:s17+$0xFFFFFF00]  }
0x11c: {  	v7 =	vld [tilespmem:s0+$0x70]  }
0x11d: {  	v11 =	vld [tilespmem:s17+$0xFFFFFF80]  }
0x11e: {  	v12 =	vadd.f32 v22, v21  }
0x11f: {  	v0 =	vmul.f32 v8, v0;
	v3 =	vadd.f32 v4, v3  }
0x120: {  	v4 =	vadd.f32 v12, v9;
	v2 =	vadd.f32 v2, v5  }
0x121: {  	p1 =	seq.s32 s6, $0x18;
	v0 =	vadd.f32 v3, v0;
	v1 =	vadd.f32 v1, v6  }
0x122: {  	s0 =	sadd.s32 @!p1 $0x4, s8;
	[tilespmem:s22+$0x70] =	vst v4;
	v2 =	vadd.f32 v2, v14;
	v3 =	vadd.f32 v11, v7  }
0x123: {  	[tilespmem:s18+$0xF0] =	vst v0;
	s11 =	sshll.u32 @!p1 s0, $0x7;
	s0 =	sshll.u32 @!p1 s0, $0x4;
	v0 =	vadd.f32 v1, v10  }
0x124: {  	s19 =	simm.s32 @!p1 $0xB880;
	s0 =	sand.u32 @!p1 $0x40, s0;
	[tilespmem:s18+$0xFFFFFF70] =	vst v2;
	v1 =	vadd.f32 v3, v18  }
0x125: {  	s17 =	sand.u32 @!p1 $0x3FFFFF80, s11;
	s11 =	sand.u32 @!p1 $0x7C00, s11;
	s0 =	sadd.s32 @!p1 s9, s0;
	[tilespmem:s18+$0xFFFFFFF0] =	vst v0  }
0x126: {  	s21 =	sshll.u32 s30, $0x4;
	s0 =	sadd.s32 @!p1 s11, s0;
	[tilespmem:s18+$0x70] =	vst v1;
	s18 =	simm.s32 @!p1 $0x40  }
0x127: {  	[tilespmem:s19], [sflag:$0x1] =	stream.indirect.gather @!p1 [hbm4b:s1+s18], $0x80, s17, s18, $0xb8;
	[tilespmem:$0x1C880] =	vst v63  }
0x128: {  	s11 =	simm.s32 @!p1 $0x80;
	s17 =	simm.s32 @!p1 $0x400;
	s18 =	simm.s32 @!p1 $0xF880  }
0x129: {  	[tilespmem:s18], [sflag:$0x5] =	stream.strided.gather @!p1 [hbm4b:s0+s11], $0x400, s17, s11, $0x38;
	[tilespmem:$0x1C880] =	vst v63  }
0x12a: {  	s22 =	simm.s32 $0xD880;
	s0 =	sadd.s32 s3, s21  }
0x12b: {  	[hbm4b:s0+s4] =	stream.linear.scatter [tilespmem:s22], [sflag:$0x9], $0x2000, $0x38;
	[tilespmem:$0x1C880] =	vst v63  }
0x12c: {  	s0 =	simm.s32 @!p0 $0xA  }
0x12d: {  	_ =	swait.ge @!p0 [sflag:s0], $0x2000  }
0x12e: {  	[sflag:s0] =	ssyncset.done @!p0 $0x0  }
0x12f: {  	s24 =	simm.s32 $0x6;
	[sflag:s0] =	ssyncadd.s32 @!p0 $0xFFFFE000  }
0x130: {  	_ =	swait.ge [sflag:s24], $0x400  }
0x131: {  	[sflag:s24] =	ssyncset.done $0x0  }
0x132: {  	[sflag:s24] =	ssyncadd.s32 $0xFFFFFC00  }
0x133: {  	_ =	swait.ge [sflag:s25], $0x2000  }
0x134: {  	v0 =	vmov s26;
	[sflag:s25] =	ssyncset.done $0x0  }
0x135: {  	[sflag:s25] =	ssyncadd.s32 $0xFFFFE000  }
0x136: {  	v3 =	vld [tilespmem:$0xB800]  }
0x137: {  	s26 =	simm.s32 $0x13CA0;
	v4 =	vld [tilespmem:$0xB810]  }
0x138: {  	s22 =	simm.s32 $0x0;
	v19 =	vld [tilespmem:s26+$0x10]  }
0x139: {  	v1 =	vld.idx.msk [tilespmem:v0+s22+$0x2180 ss:$0x1], $0xffff  }
0x13a: {  	v9 =	vld [tilespmem:s22+$0xFE00]  }
0x13b: {  	v5 =	vld [tilespmem:$0xB820]  }
0x13c: {  	v6 =	vld [tilespmem:$0xB830]  }
0x13d: {  	v7 =	vld [tilespmem:$0xB840]  }
0x13e: {  	v8 =	vld [tilespmem:$0xB850]  }
0x13f: {  	v2 =	vld [tilespmem:$0xB860]  }
0x140: {  	v11 =	vld.idx.msk [tilespmem:v0+s22+$0x2080 ss:$0x1], $0xffff  }
0x141: {  	v14 =	vld [tilespmem:s26+$0xFFFFFFF0]  }
0x142: {  	v12 =	vld [tilespmem:s22+$0xFE10]  }
0x143: {  	v13 =	vld.idx.msk [tilespmem:v0+s22+$0x2000 ss:$0x1], $0xffff  }
0x144: {  	v15 =	vld.idx.msk [tilespmem:v0+s22+$0x2100 ss:$0x1], $0xffff;
	v9 =	vadd.f32 v1, v9;
	v10 =	vmul.f32 v19, v3  }
0x145: {  	v16 =	vld [tilespmem:s22+$0xFC80]  }
0x146: {  	v18 =	vld [tilespmem:s22+$0xFD80];
	v9 =	vadd.f32 v9, v10  }
0x147: {  	v1 =	vld [tilespmem:$0xB870]  }
0x148: {  	v10 =	vld [tilespmem:s22+$0xFD00];
	[tilespmem:s22+$0x11E00] =	vst v9  }
0x149: {  	v9 =	vld.idx.msk [tilespmem:v0+s22+$0x2190 ss:$0x1], $0xffff  }
0x14a: {  	v17 =	vld [tilespmem:s26+$0x0]  }
0x14b: {  	v21 =	vld [tilespmem:s22+$0xFE20]  }
0x14c: {  	v23 =	vld [tilespmem:s22+$0xFCA0]  }
0x14d: {  	v24 =	vld [tilespmem:s22+$0xFDA0];
	v10 =	vadd.f32 v11, v10;
	v11 =	vmul.f32 v14, v3  }
0x14e: {  	v9 =	vadd.f32 v9, v12;
	v12 =	vld [tilespmem:s26+$0xFFFFFFE0]  }
0x14f: {  	v25 =	vld [tilespmem:s22+$0xFE30];
	v20 =	vmul.f32 v19, v4;
	v10 =	vadd.f32 v10, v11  }
0x150: {  	v27 =	vld [tilespmem:s22+$0xFDB0]  }
0x151: {  	v15 =	vadd.f32 v15, v18;
	v22 =	vmul.f32 v17, v3;
	v11 =	vld [tilespmem:s22+$0xFD10];
	[tilespmem:s22+$0x11D00] =	vst v10;
	v9 =	vadd.f32 v9, v20  }
0x152: {  	v10 =	vld.idx.msk [tilespmem:v0+s22+$0x2090 ss:$0x1], $0xffff  }
0x153: {  	v28 =	vld [tilespmem:s22+$0xFD40];
	v13 =	vadd.f32 v13, v16;
	v15 =	vadd.f32 v15, v22;
	[tilespmem:s22+$0x11E10] =	vst v9;
	v16 =	vmul.f32 v12, v3  }
0x154: {  	v9 =	vld.idx.msk [tilespmem:v0+s22+$0x21A0 ss:$0x1], $0xffff  }
0x155: {  	v18 =	vld [tilespmem:s22+$0xFD90];
	[tilespmem:s22+$0x11D80] =	vst v15;
	v13 =	vadd.f32 v13, v16  }
0x156: {  	v15 =	vld.idx.msk [tilespmem:v0+s22+$0x2110 ss:$0x1], $0xffff  }
0x157: {  	v22 =	vmul.f32 v14, v4;
	v20 =	vld [tilespmem:s22+$0xFC90];
	v10 =	vadd.f32 v10, v11;
	[tilespmem:s22+$0x11C80] =	vst v13  }
0x158: {  	s18 =	simm.s32 $0x200;
	v11 =	vld.idx.msk [tilespmem:v0+s22+$0x2010 ss:$0x1], $0xffff  }
0x159: {  	v32 =	vld.idx.msk [tilespmem:v0+s18+$0x2000 ss:$0x1], $0xffff;
	v13 =	vmul.f32 v19, v5;
	v10 =	vadd.f32 v10, v22;
	v9 =	vadd.f32 v9, v21  }
0x15a: {  	v33 =	vld.idx.msk [tilespmem:v0+s18+$0x2080 ss:$0x1], $0xffff  }
0x15b: {  	v16 =	vld [tilespmem:s22+$0xFD20];
	[tilespmem:s22+$0x11D10] =	vst v10;
	v9 =	vadd.f32 v9, v13  }
0x15c: {  	v26 =	vmul.f32 v17, v4;
	v18 =	vadd.f32 v15, v18;
	v10 =	vld.idx.msk [tilespmem:v0+s22+$0x20A0 ss:$0x1], $0xffff  }
0x15d: {  	v34 =	vld.idx.msk [tilespmem:v0+s18+$0x2100 ss:$0x1], $0xffff;
	[tilespmem:s22+$0x11E20] =	vst v9;
	v9 =	vmul.f32 v12, v4;
	v11 =	vadd.f32 v11, v20  }
0x15e: {  	v35 =	vld [tilespmem:s18+$0xFC80];
	v18 =	vadd.f32 v18, v26  }
0x15f: {  	v20 =	vld.idx.msk [tilespmem:v0+s22+$0x21B0 ss:$0x1], $0xffff;
	v9 =	vadd.f32 v11, v9  }
0x160: {  	v36 =	vld [tilespmem:s18+$0xFD00];
	[tilespmem:s22+$0x11D90] =	vst v18  }
0x161: {  	v37 =	vld [tilespmem:s18+$0xFD80];
	v11 =	vmul.f32 v14, v5;
	[tilespmem:s22+$0x11C90] =	vst v9;
	v9 =	vadd.f32 v10, v16  }
0x162: {  	v18 =	vld.idx.msk [tilespmem:v0+s22+$0x2120 ss:$0x1], $0xffff  }
0x163: {  	v10 =	vld.idx.msk [tilespmem:v0+s22+$0x2020 ss:$0x1], $0xffff;
	v9 =	vadd.f32 v9, v11  }
0x164: {  	v38 =	vld [tilespmem:s22+$0xFE70];
	v16 =	vmul.f32 v19, v6;
	v11 =	vadd.f32 v20, v25  }
0x165: {  	v21 =	vld [tilespmem:s22+$0xFD30];
	[tilespmem:s22+$0x11D20] =	vst v9  }
0x166: {  	v9 =	vadd.f32 v11, v16;
	v11 =	vld.idx.msk [tilespmem:v0+s22+$0x20B0 ss:$0x1], $0xffff  }
0x167: {  	v40 =	vld [tilespmem:s18+$0xFE10]  }
0x168: {  	v18 =	vadd.f32 v18, v24;
	v24 =	vld [tilespmem:s22+$0xFE40];
	[tilespmem:s22+$0x11E30] =	vst v9;
	v9 =	vmul.f32 v12, v5;
	v10 =	vadd.f32 v10, v23  }
0x169: {  	v20 =	vld.idx.msk [tilespmem:v0+s22+$0x21C0 ss:$0x1], $0xffff  }
0x16a: {  	v41 =	vld [tilespmem:s18+$0xFC90];
	v23 =	vmul.f32 v17, v5;
	v9 =	vadd.f32 v10, v9  }
0x16b: {  	v53 =	vld [tilespmem:s18+$0xFD10];
	v10 =	vmul.f32 v14, v6;
	v11 =	vadd.f32 v11, v21  }
0x16c: {  	v22 =	vld [tilespmem:s22+$0xFCB0];
	v23 =	vadd.f32 v18, v23;
	[tilespmem:s22+$0x11CA0] =	vst v9  }
0x16d: {  	v9 =	vld.idx.msk [tilespmem:v0+s22+$0x2030 ss:$0x1], $0xffff;
	v10 =	vadd.f32 v11, v10  }
0x16e: {  	v54 =	vld [tilespmem:s18+$0xFD90];
	[tilespmem:s22+$0x11DA0] =	vst v23;
	v21 =	vmul.f32 v19, v7;
	v20 =	vadd.f32 v20, v24  }
0x16f: {  	v11 =	vld.idx.msk [tilespmem:v0+s22+$0x2130 ss:$0x1], $0xffff;
	[tilespmem:s22+$0x11D30] =	vst v10  }
0x170: {  	v21 =	vadd.f32 v20, v21;
	v10 =	vld.idx.msk [tilespmem:v0+s22+$0x20C0 ss:$0x1], $0xffff  }
0x171: {  	v43 =	vld [tilespmem:s18+$0xFCA0]  }
0x172: {  	v58 =	vld [tilespmem:s18+$0xFD20];
	v23 =	vmul.f32 v12, v6;
	v9 =	vadd.f32 v9, v22;
	[tilespmem:s22+$0x11E40] =	vst v21  }
0x173: {  	v25 =	vld.idx.msk [tilespmem:v0+s22+$0x21D0 ss:$0x1], $0xffff  }
0x174: {  	v21 =	vmul.f32 v17, v6;
	v11 =	vadd.f32 v11, v27;
	v9 =	vadd.f32 v9, v23;
	v23 =	vld [tilespmem:s22+$0xFE50]  }
0x175: {  	v60 =	vld [tilespmem:s18+$0xFE20];
	v27 =	vmul.f32 v14, v7;
	v10 =	vadd.f32 v10, v28  }
0x176: {  	v44 =	vld [tilespmem:s18+$0xFCB0];
	v11 =	vadd.f32 v11, v21  }
0x177: {  	v32 =	vadd.f32 v32, v35;
	v35 =	vld [tilespmem:s18+$0xFDA0];
	[tilespmem:s22+$0x11CB0] =	vst v9;
	v9 =	vadd.f32 v10, v27  }
0x178: {  	v15 =	vld [tilespmem:s22+$0xFCC0];
	[tilespmem:s22+$0x11DB0] =	vst v11  }
0x179: {  	v26 =	vld [tilespmem:s22+$0xFD50];
	v11 =	vmul.f32 v19, v8;
	[tilespmem:s22+$0x11D40] =	vst v9;
	v9 =	vadd.f32 v25, v23  }
0x17a: {  	v28 =	vld [tilespmem:s18+$0xFE00]  }
0x17b: {  	v27 =	vld.idx.msk [tilespmem:v0+s18+$0x2180 ss:$0x1], $0xffff;
	v23 =	vadd.f32 v9, v11  }
0x17c: {  	s30 =	simm.s32 $0x13CE0;
	v25 =	vld [tilespmem:s22+$0xFE60]  }
0x17d: {  	v9 =	vld [tilespmem:s30+$0x10];
	[tilespmem:s22+$0x11E50] =	vst v23  }
0x17e: {  	v23 =	vld.idx.msk [tilespmem:v0+s22+$0x21E0 ss:$0x1], $0xffff  }
0x17f: {  	v13 =	vld [tilespmem:s22+$0xFDC0]  }
0x180: {  	v16 =	vld [tilespmem:s22+$0xFCD0]  }
0x181: {  	v18 =	vld [tilespmem:s22+$0xFDD0]  }
0x182: {  	v24 =	vld [tilespmem:s22+$0xFD60];
	v27 =	vadd.f32 v27, v28  }
0x183: {  	v20 =	vld [tilespmem:s22+$0xFCE0];
	v28 =	vmul.f32 v9, v3;
	v23 =	vadd.f32 v23, v25;
	v25 =	vmul.f32 v19, v2  }
0x184: {  	v22 =	vld [tilespmem:s22+$0xFDE0]  }
0x185: {  	v28 =	vadd.f32 v27, v28;
	v23 =	vadd.f32 v23, v25;
	v25 =	vld [tilespmem:s30+$0xFFFFFFF0]  }
0x186: {  	v21 =	vld [tilespmem:s22+$0xFD70]  }
0x187: {  	v30 =	vld.idx.msk [tilespmem:v0+s22+$0x2140 ss:$0x1], $0xffff;
	[tilespmem:s18+$0x11E00] =	vst v28  }
0x188: {  	v39 =	vld.idx.msk [tilespmem:v0+s18+$0x2190 ss:$0x1], $0xffff  }
0x189: {  	v29 =	vld.idx.msk [tilespmem:v0+s22+$0x2040 ss:$0x1], $0xffff  }
0x18a: {  	v33 =	vadd.f32 v33, v36;
	[tilespmem:s22+$0x11E60] =	vst v23;
	v23 =	vld [tilespmem:s30+$0xFFFFFFE0];
	v52 =	vmul.f32 v25, v3  }
0x18b: {  	v28 =	vld [tilespmem:s30+$0x0]  }
0x18c: {  	v51 =	vmul.f32 v17, v7;
	v31 =	vld.idx.msk [tilespmem:v0+s22+$0x20D0 ss:$0x1], $0xffff;
	v13 =	vadd.f32 v30, v13;
	v33 =	vadd.f32 v33, v52  }
0x18d: {  	v10 =	vld [tilespmem:s22+$0xFCF0];
	v55 =	vmul.f32 v9, v4;
	v39 =	vadd.f32 v39, v40  }
0x18e: {  	v11 =	vld [tilespmem:s22+$0xFDF0];
	v13 =	vadd.f32 v13, v51;
	[tilespmem:s18+$0x11D00] =	vst v33  }
0x18f: {  	v34 =	vadd.f32 v34, v37;
	v56 =	vmul.f32 v23, v3;
	v39 =	vadd.f32 v39, v55;
	v42 =	vld.idx.msk [tilespmem:v0+s18+$0x2090 ss:$0x1], $0xffff  }
0x190: {  	v46 =	vmul.f32 v12, v7;
	v15 =	vadd.f32 v29, v15;
	[tilespmem:s22+$0x11DC0] =	vst v13;
	v13 =	vld [tilespmem:s18+$0xFCD0];
	v57 =	vmul.f32 v28, v3  }
0x191: {  	v26 =	vadd.f32 v31, v26;
	v31 =	vld.idx.msk [tilespmem:v0+s22+$0x2150 ss:$0x1], $0xffff;
	v32 =	vadd.f32 v32, v56;
	[tilespmem:s18+$0x11E10] =	vst v39  }
0x192: {  	v34 =	vadd.f32 v34, v57;
	v59 =	vld.idx.msk [tilespmem:v0+s18+$0x21A0 ss:$0x1], $0xffff  }
0x193: {  	v15 =	vadd.f32 v15, v46;
	v27 =	vld.idx.msk [tilespmem:v0+s22+$0x21F0 ss:$0x1], $0xffff;
	[tilespmem:s18+$0x11C80] =	vst v32  }
0x194: {  	v61 =	vmul.f32 v25, v4;
	[tilespmem:s18+$0x11D80] =	vst v34;
	v62 =	vld.idx.msk [tilespmem:v0+s18+$0x2010 ss:$0x1], $0xffff;
	v36 =	vadd.f32 v42, v53  }
0x195: {  	[tilespmem:s22+$0x11CC0] =	vst v15;
	v63 =	vld.idx.msk [tilespmem:v0+s18+$0x2110 ss:$0x1], $0xffff  }
0x196: {  	v55 =	vld.idx.msk [tilespmem:v0+s22+$0x2050 ss:$0x1], $0xffff;
	v36 =	vadd.f32 v36, v61  }
0x197: {  	v45 =	vmul.f32 v9, v5;
	v39 =	vld [tilespmem:s18+$0xFD30];
	v37 =	vadd.f32 v59, v60  }
0x198: {  	v32 =	vld [tilespmem:s18+$0xFCC0];
	[tilespmem:s18+$0x11D10] =	vst v36  }
0x199: {  	v48 =	vmul.f32 v23, v4;
	v34 =	vadd.f32 v62, v41;
	v37 =	vadd.f32 v37, v45;
	v47 =	vld.idx.msk [tilespmem:v0+s18+$0x20A0 ss:$0x1], $0xffff  }
0x19a: {  	v33 =	vadd.f32 v63, v54;
	v63 =	vld [tilespmem:s18+$0xFE40]  }
0x19b: {  	v29 =	vmul.f32 v28, v4;
	v41 =	vld [tilespmem:s18+$0xFD40];
	v30 =	vadd.f32 v34, v48;
	[tilespmem:s18+$0x11E20] =	vst v37  }
0x19c: {  	v52 =	vld.idx.msk [tilespmem:v0+s18+$0x21B0 ss:$0x1], $0xffff  }
0x19d: {  	v16 =	vadd.f32 v55, v16;
	v60 =	vmul.f32 v12, v8;
	v29 =	vadd.f32 v33, v29;
	[tilespmem:s18+$0x11C90] =	vst v30;
	v30 =	vld [tilespmem:s18+$0xFE30]  }
0x19e: {  	v53 =	vmul.f32 v25, v5;
	v45 =	vld [tilespmem:s18+$0xFDC0];
	v40 =	vadd.f32 v47, v58  }
0x19f: {  	v16 =	vadd.f32 v16, v60;
	[tilespmem:s18+$0x11D90] =	vst v29;
	v54 =	vld.idx.msk [tilespmem:v0+s18+$0x2020 ss:$0x1], $0xffff  }
0x1a0: {  	v56 =	vmul.f32 v14, v8;
	v15 =	vld.idx.msk [tilespmem:v0+s18+$0x2120 ss:$0x1], $0xffff;
	v29 =	vadd.f32 v40, v53  }
0x1a1: {  	v36 =	vld [tilespmem:s18+$0xFDB0];
	[tilespmem:s22+$0x11CD0] =	vst v16  }
0x1a2: {  	v57 =	vmul.f32 v9, v6;
	v26 =	vadd.f32 v26, v56;
	v16 =	vld [tilespmem:s18+$0xFCE0];
	v30 =	vadd.f32 v52, v30;
	[tilespmem:s18+$0x11D20] =	vst v29  }
0x1a3: {  	v49 =	vmul.f32 v17, v2;
	v18 =	vadd.f32 v31, v18;
	v61 =	vmul.f32 v17, v8;
	v58 =	vld.idx.msk [tilespmem:v0+s18+$0x20B0 ss:$0x1], $0xffff  }
0x1a4: {  	[tilespmem:s22+$0x11D50] =	vst v26;
	v59 =	vmul.f32 v23, v5;
	v34 =	vld [tilespmem:s18+$0xFCF0];
	v37 =	vadd.f32 v54, v43;
	v30 =	vadd.f32 v30, v57  }
0x1a5: {  	v26 =	vmul.f32 v28, v5;
	v18 =	vadd.f32 v18, v61;
	v48 =	vld.idx.msk [tilespmem:v0+s22+$0x2060 ss:$0x1], $0xffff;
	v35 =	vadd.f32 v15, v35  }
0x1a6: {  	v51 =	vmul.f32 v14, v1;
	v37 =	vadd.f32 v37, v59;
	[tilespmem:s18+$0x11E30] =	vst v30;
	v30 =	vld.idx.msk [tilespmem:v0+s22+$0x20E0 ss:$0x1], $0xffff  }
0x1a7: {  	v31 =	vmul.f32 v25, v6;
	[tilespmem:s22+$0x11DD0] =	vst v18;
	v26 =	vadd.f32 v35, v26;
	v62 =	vld.idx.msk [tilespmem:v0+s18+$0x21C0 ss:$0x1], $0xffff  }
0x1a8: {  	v18 =	vmul.f32 v14, v2;
	v14 =	vmul.f32 v17, v1;
	v17 =	vld [tilespmem:s18+$0xFD60];
	[tilespmem:s18+$0x11CA0] =	vst v37;
	v39 =	vadd.f32 v58, v39  }
0x1a9: {  	v19 =	vmul.f32 v19, v1;
	v27 =	vadd.f32 v27, v38;
	[tilespmem:s18+$0x11DA0] =	vst v26;
	v46 =	vld.idx.msk [tilespmem:v0+s18+$0x2030 ss:$0x1], $0xffff  }
0x1aa: {  	v26 =	vld.idx.msk [tilespmem:v0+s18+$0x2130 ss:$0x1], $0xffff;
	v31 =	vadd.f32 v39, v31  }
0x1ab: {  	v50 =	vmul.f32 v9, v7;
	v19 =	vadd.f32 v27, v19;
	v15 =	vld [tilespmem:s18+$0xFDD0];
	v24 =	vadd.f32 v30, v24  }
0x1ac: {  	v27 =	vmul.f32 v23, v1;
	v30 =	vld.idx.msk [tilespmem:v0+s22+$0x2160 ss:$0x1], $0xffff;
	[tilespmem:s18+$0x11D30] =	vst v31;
	v31 =	vadd.f32 v62, v63  }
0x1ad: {  	[tilespmem:s22+$0x11E70] =	vst v19;
	v47 =	vmul.f32 v12, v2;
	v20 =	vadd.f32 v48, v20;
	v29 =	vld [tilespmem:s18+$0xFD50];
	v24 =	vadd.f32 v24, v18  }
0x1ae: {  	v53 =	vmul.f32 v23, v6;
	v33 =	vadd.f32 v46, v44;
	v52 =	vld.idx.msk [tilespmem:v0+s18+$0x20C0 ss:$0x1], $0xffff;
	v31 =	vadd.f32 v31, v50  }
0x1af: {  	v54 =	vmul.f32 v28, v6;
	v20 =	vadd.f32 v20, v47;
	v26 =	vadd.f32 v26, v36;
	v58 =	vld [tilespmem:s18+$0xFE50];
	[tilespmem:s22+$0x11D60] =	vst v24  }
0x1b0: {  	v19 =	vmul.f32 v25, v1;
	v24 =	vadd.f32 v33, v53;
	v55 =	vld.idx.msk [tilespmem:v0+s22+$0x20F0 ss:$0x1], $0xffff;
	[tilespmem:s18+$0x11E40] =	vst v31  }
0x1b1: {  	[tilespmem:s22+$0x11CE0] =	vst v20;
	v22 =	vadd.f32 v30, v22;
	v31 =	vadd.f32 v26, v54;
	v56 =	vld.idx.msk [tilespmem:v0+s18+$0x21D0 ss:$0x1], $0xffff  }
0x1b2: {  	v12 =	vmul.f32 v12, v1;
	v57 =	vmul.f32 v25, v7;
	v35 =	vld.idx.msk [tilespmem:v0+s22+$0x2070 ss:$0x1], $0xffff;
	[tilespmem:s18+$0x11CB0] =	vst v24  }
0x1b3: {  	v59 =	vld.idx.msk [tilespmem:v0+s18+$0x2040 ss:$0x1], $0xffff;
	v60 =	vadd.f32 v22, v49;
	v24 =	vadd.f32 v52, v41;
	[tilespmem:s18+$0x11DB0] =	vst v31  }
0x1b4: {  	v20 =	vmul.f32 v23, v2;
	v63 =	vmul.f32 v9, v8;
	v61 =	vld.idx.msk [tilespmem:v0+s18+$0x2140 ss:$0x1], $0xffff  }
0x1b5: {  	v18 =	vld [tilespmem:s18+$0xFDE0];
	v30 =	vmul.f32 v28, v7;
	[tilespmem:s22+$0x11DE0] =	vst v60;
	v33 =	vadd.f32 v55, v21;
	v41 =	vadd.f32 v24, v57  }
0x1b6: {  	v22 =	vmul.f32 v23, v8;
	v26 =	vmul.f32 v25, v8;
	v37 =	vld.idx.msk [tilespmem:v0+s22+$0x2170 ss:$0x1], $0xffff;
	v62 =	vadd.f32 v56, v58  }
0x1b7: {  	v31 =	vmul.f32 v23, v7;
	v21 =	vmul.f32 v25, v2;
	v25 =	vld [tilespmem:s18+$0xFD70];
	v42 =	vadd.f32 v33, v51;
	[tilespmem:s18+$0x11D40] =	vst v41  }
0x1b8: {  	s20 =	sadd.s32 s20, s7;
	s19 =	simm.s32 $0x13D20;
	v23 =	vmul.f32 v28, v2;
	v36 =	vadd.f32 v59, v32;
	v38 =	vld.idx.msk [tilespmem:v0+s18+$0x20D0 ss:$0x1], $0xffff;
	v33 =	vadd.f32 v62, v63  }
0x1b9: {  	s11 =	sadd.s32 $0x40, s20;
	s17 =	simm.s32 $0x4;
	s0 =	simm.s32 $0x800;
	v24 =	vmul.f32 v28, v8;
	v28 =	vmul.f32 v28, v1;
	v32 =	vld [tilespmem:s18+$0xFDF0];
	[tilespmem:s22+$0x11D70] =	vst v42;
	v39 =	vadd.f32 v61, v45  }
.LBB2_5:
0x1ba: {  	v40 =	vld [tilespmem:s19+$0x10];
	v31 =	vadd.f32 v36, v31;
	[tilespmem:s18+$0x11E50] =	vst v33;
	v33 =	vadd.f32 v35, v10  }
0x1bb: {  	s0 =	sadd.s32 $0x800, s0;
	v36 =	vadd.f32 v37, v11;
	v30 =	vadd.f32 v39, v30;
	v35 =	vld.idx.msk [tilespmem:v0+s18+$0x21E0 ss:$0x1], $0xffff;
	v10 =	vmov v34  }
0x1bc: {  	s17 =	sadd.s32 $0x4, s17;
	s21 =	sshra.s32 s0, $0x2;
	[tilespmem:s18+$0x11CC0] =	vst v31;
	v31 =	vld [tilespmem:s18+$0xFE60];
	v33 =	vadd.f32 v33, v12;
	v12 =	vmov v27  }
0x1bd: {  	p2 =	slt.u32 s17, $0x3C;
	v29 =	vadd.f32 v38, v29;
	v27 =	vld.idx.msk [tilespmem:v0+s21+$0x2180 ss:$0x1], $0xffff;
	[tilespmem:s18+$0x11DC0] =	vst v30;
	v30 =	vadd.f32 v36, v14;
	v14 =	vmov v28  }
0x1be: {  	v28 =	vld [tilespmem:s21+$0xFE00];
	[tilespmem:s22+$0x11CF0] =	vst v33;
	v11 =	vmov v32  }
0x1bf: {  	v26 =	vadd.f32 v29, v26;
	v32 =	vld.idx.msk [tilespmem:v0+s21+$0x2000 ss:$0x1], $0xffff;
	[tilespmem:s22+$0x11DF0] =	vst v30;
	s22 =	smov.u32 s18;
	s18 =	smov.u32 s21  }
0x1c0: {  	v29 =	vld.idx.msk [tilespmem:v0+s18+$0x2080 ss:$0x1], $0xffff  }
0x1c1: {  	v30 =	vld.idx.msk [tilespmem:v0+s18+$0x2100 ss:$0x1], $0xffff;
	[tilespmem:s22+$0x11D50] =	vst v26;
	v26 =	vadd.f32 v35, v31;
	v31 =	vmul.f32 v9, v2  }
0x1c2: {  	v33 =	vld [tilespmem:s18+$0xFC80]  }
0x1c3: {  	v34 =	vld [tilespmem:s18+$0xFD00];
	v27 =	vadd.f32 v27, v28;
	v28 =	vmul.f32 v40, v3;
	v26 =	vadd.f32 v26, v31  }
0x1c4: {  	v31 =	vld [tilespmem:s18+$0xFD80]  }
0x1c5: {  	v36 =	vld [tilespmem:s19+$0xFFFFFFF0];
	v27 =	vadd.f32 v27, v28;
	[tilespmem:s22+$0x11E60] =	vst v26  }
0x1c6: {  	v26 =	vld.idx.msk [tilespmem:v0+s22+$0x21F0 ss:$0x1], $0xffff  }
0x1c7: {  	v28 =	vadd.f32 v32, v33;
	[tilespmem:s18+$0x11E00] =	vst v27;
	v27 =	vld [tilespmem:s22+$0xFE70]  }
0x1c8: {  	v29 =	vadd.f32 v29, v34;
	v33 =	vld.idx.msk [tilespmem:v0+s18+$0x2190 ss:$0x1], $0xffff  }
0x1c9: {  	v30 =	vadd.f32 v30, v31;
	v31 =	vld [tilespmem:s18+$0xFE10]  }
0x1ca: {  	v32 =	vmul.f32 v36, v3;
	v38 =	vmul.f32 v36, v4;
	v39 =	vld [tilespmem:s19+$0x0]  }
0x1cb: {  	v42 =	vmul.f32 v36, v5;
	v34 =	vmul.f32 v36, v6;
	v41 =	vld [tilespmem:s19+$0xFFFFFFE0]  }
0x1cc: {  	v35 =	vmul.f32 v9, v1;
	v9 =	vmovc v40;
	v43 =	vld [tilespmem:s18+$0xFC90];
	v29 =	vadd.f32 v29, v32;
	v27 =	vadd.f32 v26, v27  }
0x1cd: {  	v32 =	vmul.f32 v36, v7;
	v26 =	vmul.f32 v36, v8;
	v40 =	vld [tilespmem:s18+$0xFD10]  }
0x1ce: {  	[tilespmem:s18+$0x11D00] =	vst v29;
	v29 =	vld [tilespmem:s18+$0xFD90];
	v31 =	vadd.f32 v33, v31;
	v33 =	vmul.f32 v9, v4;
	v27 =	vadd.f32 v27, v35  }
0x1cf: {  	v44 =	vld.idx.msk [tilespmem:v0+s18+$0x2090 ss:$0x1], $0xffff;
	v35 =	vmul.f32 v39, v3;
	v45 =	vmul.f32 v39, v4  }
0x1d0: {  	v37 =	vmul.f32 v41, v3;
	v46 =	vmul.f32 v41, v4;
	v47 =	vld [tilespmem:s18+$0xFCA0];
	v31 =	vadd.f32 v31, v33;
	[tilespmem:s22+$0x11E70] =	vst v27  }
0x1d1: {  	v50 =	vmul.f32 v39, v5;
	v48 =	vmul.f32 v41, v5;
	v49 =	vld [tilespmem:s18+$0xFD20];
	v27 =	vadd.f32 v30, v35  }
0x1d2: {  	v35 =	vmul.f32 v39, v6;
	v28 =	vadd.f32 v28, v37;
	v37 =	vmul.f32 v41, v6;
	v51 =	vld [tilespmem:s18+$0xFDA0];
	[tilespmem:s18+$0x11E10] =	vst v31  }
0x1d3: {  	v30 =	vmul.f32 v39, v7;
	v31 =	vmul.f32 v41, v7;
	[tilespmem:s18+$0x11D80] =	vst v27;
	v52 =	vld.idx.msk [tilespmem:v0+s18+$0x21A0 ss:$0x1], $0xffff  }
0x1d4: {  	v54 =	vmul.f32 v39, v8;
	v53 =	vmul.f32 v41, v8;
	[tilespmem:s18+$0x11C80] =	vst v28;
	v55 =	vld [tilespmem:s18+$0xFE20]  }
0x1d5: {  	v57 =	vmul.f32 v41, v2;
	v28 =	vadd.f32 v44, v40;
	v40 =	vmul.f32 v36, v2;
	v56 =	vld.idx.msk [tilespmem:v0+s18+$0x2010 ss:$0x1], $0xffff  }
0x1d6: {  	v27 =	vmul.f32 v41, v1;
	v44 =	vmul.f32 v39, v2;
	v41 =	vld.idx.msk [tilespmem:v0+s18+$0x2110 ss:$0x1], $0xffff  }
0x1d7: {  	v33 =	vmul.f32 v36, v1;
	v38 =	vadd.f32 v28, v38;
	v28 =	vmul.f32 v39, v1;
	v58 =	vld [tilespmem:s18+$0xFCB0]  }
0x1d8: {  	v39 =	vld [tilespmem:s18+$0xFD30]  }
0x1d9: {  	[tilespmem:s18+$0x11D10] =	vst v38;
	v38 =	vld [tilespmem:s18+$0xFDB0];
	v52 =	vadd.f32 v52, v55;
	v55 =	vmul.f32 v9, v5  }
0x1da: {  	v59 =	vld.idx.msk [tilespmem:v0+s18+$0x20A0 ss:$0x1], $0xffff  }
0x1db: {  	v43 =	vadd.f32 v56, v43;
	v36 =	vld [tilespmem:s18+$0xFCC0];
	v52 =	vadd.f32 v52, v55  }
0x1dc: {  	v29 =	vadd.f32 v41, v29;
	v55 =	vld [tilespmem:s18+$0xFD40]  }
0x1dd: {  	v41 =	vadd.f32 v43, v46;
	v43 =	vld [tilespmem:s18+$0xFDC0];
	[tilespmem:s18+$0x11E20] =	vst v52  }
0x1de: {  	v29 =	vadd.f32 v29, v45;
	v45 =	vld.idx.msk [tilespmem:v0+s18+$0x21B0 ss:$0x1], $0xffff  }
0x1df: {  	[tilespmem:s18+$0x11C90] =	vst v41;
	v41 =	vld [tilespmem:s18+$0xFE30]  }
0x1e0: {  	v49 =	vadd.f32 v59, v49;
	v46 =	vld.idx.msk [tilespmem:v0+s18+$0x2020 ss:$0x1], $0xffff;
	[tilespmem:s18+$0x11D90] =	vst v29  }
0x1e1: {  	v52 =	vld.idx.msk [tilespmem:v0+s18+$0x2120 ss:$0x1], $0xffff  }
0x1e2: {  	v29 =	vadd.f32 v49, v42;
	v42 =	vld.idx.msk [tilespmem:v0+s22+$0x2050 ss:$0x1], $0xffff  }
0x1e3: {  	v49 =	vld.idx.msk [tilespmem:v0+s22+$0x2150 ss:$0x1], $0xffff  }
0x1e4: {  	v56 =	vld [tilespmem:s18+$0xFCD0];
	[tilespmem:s18+$0x11D20] =	vst v29;
	v41 =	vadd.f32 v45, v41;
	v45 =	vmul.f32 v9, v6  }
0x1e5: {  	v59 =	vld.idx.msk [tilespmem:v0+s18+$0x20B0 ss:$0x1], $0xffff  }
0x1e6: {  	v46 =	vadd.f32 v46, v47;
	v29 =	vld [tilespmem:s18+$0xFD50];
	v41 =	vadd.f32 v41, v45  }
0x1e7: {  	v45 =	vadd.f32 v52, v51;
	v47 =	vld [tilespmem:s18+$0xFDD0]  }
0x1e8: {  	v46 =	vadd.f32 v46, v48;
	[tilespmem:s18+$0x11E30] =	vst v41;
	v41 =	vadd.f32 v42, v13;
	v42 =	vld.idx.msk [tilespmem:v0+s22+$0x20E0 ss:$0x1], $0xffff  }
0x1e9: {  	v45 =	vadd.f32 v45, v50;
	v51 =	vadd.f32 v49, v15;
	v48 =	vld.idx.msk [tilespmem:v0+s18+$0x21C0 ss:$0x1], $0xffff;
	v13 =	vmov v56  }
0x1ea: {  	[tilespmem:s18+$0x11CA0] =	vst v46;
	v46 =	vld [tilespmem:s18+$0xFE40];
	v41 =	vadd.f32 v41, v22;
	v22 =	vmov v53  }
0x1eb: {  	v39 =	vadd.f32 v59, v39;
	v49 =	vld.idx.msk [tilespmem:v0+s18+$0x2030 ss:$0x1], $0xffff;
	[tilespmem:s18+$0x11DA0] =	vst v45;
	v45 =	vadd.f32 v51, v24;
	v24 =	vmov v54  }
0x1ec: {  	v50 =	vld.idx.msk [tilespmem:v0+s18+$0x2130 ss:$0x1], $0xffff;
	[tilespmem:s22+$0x11CD0] =	vst v41;
	v15 =	vmov v47  }
0x1ed: {  	v34 =	vadd.f32 v39, v34;
	v39 =	vld.idx.msk [tilespmem:v0+s22+$0x2060 ss:$0x1], $0xffff;
	[tilespmem:s22+$0x11DD0] =	vst v45  }
0x1ee: {  	v17 =	vadd.f32 v42, v17;
	v41 =	vld.idx.msk [tilespmem:v0+s22+$0x2160 ss:$0x1], $0xffff  }
0x1ef: {  	v45 =	vmul.f32 v9, v7;
	v42 =	vld [tilespmem:s18+$0xFCE0];
	[tilespmem:s18+$0x11D30] =	vst v34;
	v34 =	vadd.f32 v48, v46  }
0x1f0: {  	v47 =	vadd.f32 v17, v21;
	v21 =	vmov v40;
	v46 =	vld.idx.msk [tilespmem:v0+s18+$0x20C0 ss:$0x1], $0xffff  }
0x1f1: {  	v40 =	vadd.f32 v49, v58;
	v17 =	vld [tilespmem:s18+$0xFD60];
	v34 =	vadd.f32 v34, v45  }
0x1f2: {  	v38 =	vadd.f32 v50, v38;
	v45 =	vld [tilespmem:s18+$0xFDE0];
	[tilespmem:s22+$0x11D60] =	vst v47  }
0x1f3: {  	v37 =	vadd.f32 v40, v37;
	[tilespmem:s18+$0x11E40] =	vst v34;
	v34 =	vadd.f32 v39, v16;
	v39 =	vld.idx.msk [tilespmem:v0+s22+$0x20F0 ss:$0x1], $0xffff  }
0x1f4: {  	v35 =	vadd.f32 v38, v35;
	v47 =	vadd.f32 v41, v18;
	v38 =	vld.idx.msk [tilespmem:v0+s18+$0x21D0 ss:$0x1], $0xffff;
	v16 =	vmov v42  }
0x1f5: {  	[tilespmem:s18+$0x11CB0] =	vst v37;
	v40 =	vld [tilespmem:s18+$0xFE50];
	v34 =	vadd.f32 v34, v20;
	v20 =	vmov v57  }
0x1f6: {  	v37 =	vadd.f32 v46, v55;
	v42 =	vadd.f32 v47, v23;
	v23 =	vmov v44;
	v41 =	vld.idx.msk [tilespmem:v0+s18+$0x2040 ss:$0x1], $0xffff;
	[tilespmem:s18+$0x11DB0] =	vst v35  }
0x1f7: {  	v44 =	vld.idx.msk [tilespmem:v0+s18+$0x2140 ss:$0x1], $0xffff;
	[tilespmem:s22+$0x11CE0] =	vst v34;
	v18 =	vmov v45  }
0x1f8: {  	v32 =	vadd.f32 v37, v32;
	v35 =	vld.idx.msk [tilespmem:v0+s22+$0x2070 ss:$0x1], $0xffff;
	[tilespmem:s22+$0x11DE0] =	vst v42  }
.Ltmp1:
0x1f9: {  	v25 =	vadd.f32 v39, v25;
	v37 =	vld.idx.msk [tilespmem:v0+s22+$0x2170 ss:$0x1], $0xffff;
	(pc) =	sbr.rel @p2 .LBB2_5-.Ltmp1, $4  }
0x1fa: {  	v39 =	vmul.f32 v9, v8;
	v34 =	vld [tilespmem:s18+$0xFCF0];
	[tilespmem:s18+$0x11D40] =	vst v32;
	v32 =	vadd.f32 v38, v40  }
0x1fb: {  	v40 =	vadd.f32 v25, v19;
	v19 =	vmov v33;
	v38 =	vld.idx.msk [tilespmem:v0+s18+$0x20D0 ss:$0x1], $0xffff  }
0x1fc: {  	v36 =	vadd.f32 v41, v36;
	v25 =	vld [tilespmem:s18+$0xFD70];
	v33 =	vadd.f32 v32, v39  }
0x1fd: {  	s19 =	sadd.s32 $0x40, s19;
	v39 =	vadd.f32 v44, v43;
	v32 =	vld [tilespmem:s18+$0xFDF0];
	[tilespmem:s22+$0x11D70] =	vst v40  }
0x1fe: {  	_ = 	snop  }
0x1ff: {  	v3 =	vadd.f32 v36, v31  }
0x200: {  	v4 =	vadd.f32 v39, v30  }
0x201: {  	[tilespmem:s18+$0x11CC0] =	vst v3  }
0x202: {  	[tilespmem:s18+$0x11DC0] =	vst v4;
	v3 =	vld.idx.msk [tilespmem:v0+s18+$0x2050 ss:$0x1], $0xffff  }
0x203: {  	v4 =	vld.idx.msk [tilespmem:v0+s18+$0x2150 ss:$0x1], $0xffff;
	_ =	sdelay $0x2  }
0x204: {  	v5 =	vadd.f32 v38, v29  }
0x205: {  	v3 =	vadd.f32 v3, v13  }
0x206: {  	[tilespmem:s18+$0x11E50] =	vst v33;
	v7 =	vld [tilespmem:s18+$0xFE60];
	v5 =	vadd.f32 v5, v26;
	v4 =	vadd.f32 v4, v15  }
0x207: {  	v6 =	vld.idx.msk [tilespmem:v0+s18+$0x21E0 ss:$0x1], $0xffff;
	v3 =	vadd.f32 v3, v22  }
0x208: {  	[tilespmem:s18+$0x11D50] =	vst v5;
	v4 =	vadd.f32 v4, v24  }
0x209: {  	v5 =	vld.idx.msk [tilespmem:v0+s18+$0x20E0 ss:$0x1], $0xffff;
	[tilespmem:s18+$0x11CD0] =	vst v3  }
0x20a: {  	v3 =	vld.idx.msk [tilespmem:v0+s18+$0x2060 ss:$0x1], $0xffff;
	[tilespmem:s18+$0x11DD0] =	vst v4  }
0x20b: {  	v4 =	vld.idx.msk [tilespmem:v0+s18+$0x2160 ss:$0x1], $0xffff  }
0x20c: {  	v2 =	vmul.f32 v9, v2;
	v6 =	vadd.f32 v6, v7;
	_ =	sdelay $0x1  }
0x20d: {  	v2 =	vadd.f32 v6, v2;
	v5 =	vadd.f32 v5, v17  }
0x20e: {  	v3 =	vadd.f32 v3, v16  }
0x20f: {  	[tilespmem:s18+$0x11E60] =	vst v2;
	v2 =	vadd.f32 v5, v21;
	v4 =	vadd.f32 v4, v18  }
0x210: {  	v6 =	vld [tilespmem:s18+$0xFE70];
	v3 =	vadd.f32 v3, v20  }
0x211: {  	v5 =	vld.idx.msk [tilespmem:v0+s18+$0x21F0 ss:$0x1], $0xffff;
	[tilespmem:s18+$0x11D60] =	vst v2;
	v2 =	vadd.f32 v4, v23  }
0x212: {  	v4 =	vld.idx.msk [tilespmem:v0+s18+$0x20F0 ss:$0x1], $0xffff;
	[tilespmem:s18+$0x11CE0] =	vst v3  }
0x213: {  	v3 =	vld.idx.msk [tilespmem:v0+s18+$0x2070 ss:$0x1], $0xffff;
	[tilespmem:s18+$0x11DE0] =	vst v2  }
0x214: {  	v2 =	vadd.f32 v35, v10;
	v0 =	vld.idx.msk [tilespmem:v0+s18+$0x2170 ss:$0x1], $0xffff  }
0x215: {  	v7 =	vadd.f32 v37, v11  }
0x216: {  	v1 =	vmul.f32 v9, v1;
	v5 =	vadd.f32 v5, v6;
	v2 =	vadd.f32 v2, v12  }
0x217: {  	v6 =	vadd.f32 v7, v14;
	v4 =	vadd.f32 v4, v25  }
0x218: {  	v1 =	vadd.f32 v5, v1;
	[tilespmem:s22+$0x11CF0] =	vst v2;
	v2 =	vadd.f32 v3, v34  }
0x219: {  	[tilespmem:s22+$0x11DF0] =	vst v6;
	v3 =	vadd.f32 v4, v19;
	v0 =	vadd.f32 v0, v32  }
0x21a: {  	s0 =	sadd.s32 @!p1 $0x5, s8;
	[tilespmem:s18+$0x11E70] =	vst v1;
	v1 =	vadd.f32 v2, v27  }
0x21b: {  	s17 =	sshll.u32 @!p1 s0, $0x7;
	s0 =	sshll.u32 @!p1 s0, $0x4;
	[tilespmem:s18+$0x11D70] =	vst v3;
	v0 =	vadd.f32 v0, v28  }
0x21c: {  	s19 =	simm.s32 @!p1 $0x40;
	s21 =	simm.s32 @!p1 $0xFC80;
	s0 =	sand.u32 @!p1 $0x50, s0;
	[tilespmem:s18+$0x11CF0] =	vst v1  }
0x21d: {  	s0 =	sadd.s32 @!p1 s9, s0;
	[tilespmem:s18+$0x11DF0] =	vst v0;
	s18 =	sand.u32 @!p1 $0x3FFFFF80, s17;
	s17 =	sand.u32 @!p1 $0x7C00, s17  }
0x21e: {  	[tilespmem:s21], [sflag:$0x2] =	stream.indirect.gather @!p1 [hbm4b:s1+s19], $0x80, s18, s19, $0xb8;
	[tilespmem:$0x1C880] =	vst v63  }
0x21f: {  	s22 =	sshll.u32 s11, $0x4;
	s0 =	sadd.s32 @!p1 s17, s0  }
0x220: {  	s17 =	simm.s32 @!p1 $0x80;
	s18 =	simm.s32 @!p1 $0x400;
	s19 =	simm.s32 @!p1 $0x13C80  }
0x221: {  	[tilespmem:s19], [sflag:$0x6] =	stream.strided.gather @!p1 [hbm4b:s0+s17], $0x400, s18, s17, $0x38;
	[tilespmem:$0x1C880] =	vst v63  }
0x222: {  	s24 =	simm.s32 $0x11C80;
	s0 =	sadd.s32 s3, s22  }
0x223: {  	[hbm4b:s0+s4] =	stream.linear.scatter [tilespmem:s24], [sflag:$0xA], $0x2000, $0x38;
	[tilespmem:$0x1C880] =	vst v63  }
0x224: {  	s0 =	simm.s32 @!p0 $0xB  }
0x225: {  	_ =	swait.ge @!p0 [sflag:s0], $0x2000  }
0x226: {  	[sflag:s0] =	ssyncset.done @!p0 $0x0  }
0x227: {  	[sflag:s0] =	ssyncadd.s32 @!p0 $0xFFFFE000  }
0x228: {  	_ =	swait.ge [sflag:s28], $0x400  }
0x229: {  	[sflag:s28] =	ssyncset.done $0x0  }
0x22a: {  	[sflag:s28] =	ssyncadd.s32 $0xFFFFFC00  }
0x22b: {  	_ =	swait.ge [sflag:s29], $0x2000  }
0x22c: {  	v0 =	vmov s23;
	[sflag:s29] =	ssyncset.done $0x0  }
0x22d: {  	[sflag:s29] =	ssyncadd.s32 $0xFFFFE000  }
0x22e: {  	v3 =	vld [tilespmem:$0xB800]  }
0x22f: {  	s26 =	simm.s32 $0x180A0;
	v4 =	vld [tilespmem:$0xB810]  }
0x230: {  	s22 =	simm.s32 $0x0;
	v19 =	vld [tilespmem:s26+$0x10]  }
0x231: {  	v1 =	vld.idx.msk [tilespmem:v0+s22+$0x4180 ss:$0x1], $0xffff  }
0x232: {  	v9 =	vld [tilespmem:s22+$0x14200]  }
0x233: {  	v5 =	vld [tilespmem:$0xB820]  }
0x234: {  	v6 =	vld [tilespmem:$0xB830]  }
0x235: {  	v7 =	vld [tilespmem:$0xB840]  }
0x236: {  	v8 =	vld [tilespmem:$0xB850]  }
0x237: {  	v2 =	vld [tilespmem:$0xB860]  }
0x238: {  	v11 =	vld.idx.msk [tilespmem:v0+s22+$0x4080 ss:$0x1], $0xffff  }
0x239: {  	v14 =	vld [tilespmem:s26+$0xFFFFFFF0]  }
0x23a: {  	v12 =	vld [tilespmem:s22+$0x14210]  }
0x23b: {  	v13 =	vld.idx.msk [tilespmem:v0+s22+$0x4000 ss:$0x1], $0xffff  }
0x23c: {  	v15 =	vld.idx.msk [tilespmem:v0+s22+$0x4100 ss:$0x1], $0xffff;
	v9 =	vadd.f32 v1, v9;
	v10 =	vmul.f32 v19, v3  }
0x23d: {  	v16 =	vld [tilespmem:s22+$0x14080]  }
0x23e: {  	v18 =	vld [tilespmem:s22+$0x14180];
	v9 =	vadd.f32 v9, v10  }
0x23f: {  	v1 =	vld [tilespmem:$0xB870]  }
0x240: {  	v10 =	vld [tilespmem:s22+$0x14100];
	[tilespmem:s22+$0x16200] =	vst v9  }
0x241: {  	v9 =	vld.idx.msk [tilespmem:v0+s22+$0x4190 ss:$0x1], $0xffff  }
0x242: {  	v17 =	vld [tilespmem:s26+$0x0]  }
0x243: {  	v21 =	vld [tilespmem:s22+$0x14220]  }
0x244: {  	v23 =	vld [tilespmem:s22+$0x140A0]  }
0x245: {  	v24 =	vld [tilespmem:s22+$0x141A0];
	v10 =	vadd.f32 v11, v10;
	v11 =	vmul.f32 v14, v3  }
0x246: {  	v9 =	vadd.f32 v9, v12;
	v12 =	vld [tilespmem:s26+$0xFFFFFFE0]  }
0x247: {  	v25 =	vld [tilespmem:s22+$0x14230];
	v20 =	vmul.f32 v19, v4;
	v10 =	vadd.f32 v10, v11  }
0x248: {  	v27 =	vld [tilespmem:s22+$0x141B0]  }
0x249: {  	v11 =	vld [tilespmem:s22+$0x14110];
	[tilespmem:s22+$0x16100] =	vst v10;
	v9 =	vadd.f32 v9, v20  }
0x24a: {  	s18 =	simm.s32 $0x200;
	v10 =	vld.idx.msk [tilespmem:v0+s22+$0x4090 ss:$0x1], $0xffff  }
0x24b: {  	v45 =	vld.idx.msk [tilespmem:v0+s18+$0x4000 ss:$0x1], $0xffff;
	v13 =	vadd.f32 v13, v16;
	[tilespmem:s22+$0x16210] =	vst v9;
	v16 =	vmul.f32 v12, v3  }
0x24c: {  	v15 =	vadd.f32 v15, v18;
	v22 =	vmul.f32 v17, v3;
	v9 =	vld.idx.msk [tilespmem:v0+s22+$0x41A0 ss:$0x1], $0xffff  }
0x24d: {  	v46 =	vld.idx.msk [tilespmem:v0+s18+$0x4080 ss:$0x1], $0xffff;
	v13 =	vadd.f32 v13, v16  }
0x24e: {  	v18 =	vld [tilespmem:s22+$0x14190];
	v15 =	vadd.f32 v15, v22  }
0x24f: {  	v22 =	vmul.f32 v14, v4;
	v20 =	vld [tilespmem:s22+$0x14090];
	v10 =	vadd.f32 v10, v11;
	[tilespmem:s22+$0x16080] =	vst v13  }
0x250: {  	[tilespmem:s22+$0x16180] =	vst v15;
	v11 =	vld.idx.msk [tilespmem:v0+s22+$0x4010 ss:$0x1], $0xffff  }
0x251: {  	v15 =	vld.idx.msk [tilespmem:v0+s22+$0x4110 ss:$0x1], $0xffff;
	v13 =	vmul.f32 v19, v5;
	v10 =	vadd.f32 v10, v22;
	v9 =	vadd.f32 v9, v21  }
0x252: {  	v47 =	vld.idx.msk [tilespmem:v0+s18+$0x4100 ss:$0x1], $0xffff  }
0x253: {  	v16 =	vld [tilespmem:s22+$0x14120];
	[tilespmem:s22+$0x16110] =	vst v10;
	v9 =	vadd.f32 v9, v13  }
0x254: {  	v10 =	vld.idx.msk [tilespmem:v0+s22+$0x40A0 ss:$0x1], $0xffff  }
0x255: {  	v48 =	vld [tilespmem:s18+$0x14080];
	[tilespmem:s22+$0x16220] =	vst v9;
	v9 =	vmul.f32 v12, v4;
	v11 =	vadd.f32 v11, v20  }
0x256: {  	v49 =	vld [tilespmem:s18+$0x14100];
	v26 =	vmul.f32 v17, v4;
	v18 =	vadd.f32 v15, v18  }
0x257: {  	v20 =	vld.idx.msk [tilespmem:v0+s22+$0x41B0 ss:$0x1], $0xffff;
	v9 =	vadd.f32 v11, v9  }
0x258: {  	v50 =	vld [tilespmem:s18+$0x14180];
	v18 =	vadd.f32 v18, v26  }
0x259: {  	v38 =	vld [tilespmem:s22+$0x14270];
	v11 =	vmul.f32 v14, v5;
	[tilespmem:s22+$0x16090] =	vst v9;
	v9 =	vadd.f32 v10, v16  }
0x25a: {  	v40 =	vld [tilespmem:s18+$0x14210];
	[tilespmem:s22+$0x16190] =	vst v18  }
0x25b: {  	v18 =	vld.idx.msk [tilespmem:v0+s22+$0x4120 ss:$0x1], $0xffff;
	v9 =	vadd.f32 v9, v11  }
0x25c: {  	v16 =	vmul.f32 v19, v6;
	v10 =	vld.idx.msk [tilespmem:v0+s22+$0x4020 ss:$0x1], $0xffff;
	v11 =	vadd.f32 v20, v25  }
0x25d: {  	v21 =	vld [tilespmem:s22+$0x14130];
	[tilespmem:s22+$0x16120] =	vst v9  }
0x25e: {  	v9 =	vadd.f32 v11, v16;
	v11 =	vld.idx.msk [tilespmem:v0+s22+$0x40B0 ss:$0x1], $0xffff  }
0x25f: {  	v41 =	vld [tilespmem:s18+$0x14090]  }
0x260: {  	v25 =	vld [tilespmem:s22+$0x14240];
	[tilespmem:s22+$0x16230] =	vst v9  }
0x261: {  	v9 =	vmul.f32 v12, v5;
	v10 =	vadd.f32 v10, v23;
	v20 =	vld.idx.msk [tilespmem:v0+s22+$0x41C0 ss:$0x1], $0xffff  }
0x262: {  	v53 =	vld [tilespmem:s18+$0x14110];
	v18 =	vadd.f32 v18, v24;
	v23 =	vmul.f32 v17, v5  }
0x263: {  	v54 =	vld [tilespmem:s18+$0x14190];
	v9 =	vadd.f32 v10, v9;
	v10 =	vmul.f32 v14, v6;
	v11 =	vadd.f32 v11, v21  }
0x264: {  	v26 =	vld [tilespmem:s22+$0x14140];
	v23 =	vadd.f32 v18, v23  }
0x265: {  	v22 =	vld [tilespmem:s22+$0x140B0];
	[tilespmem:s22+$0x160A0] =	vst v9;
	v10 =	vadd.f32 v11, v10  }
0x266: {  	[tilespmem:s22+$0x161A0] =	vst v23;
	v21 =	vmul.f32 v19, v7;
	v9 =	vld.idx.msk [tilespmem:v0+s22+$0x4030 ss:$0x1], $0xffff;
	v20 =	vadd.f32 v20, v25  }
0x267: {  	v11 =	vld.idx.msk [tilespmem:v0+s22+$0x4130 ss:$0x1], $0xffff;
	[tilespmem:s22+$0x16130] =	vst v10  }
0x268: {  	v21 =	vadd.f32 v20, v21;
	v10 =	vld.idx.msk [tilespmem:v0+s22+$0x40C0 ss:$0x1], $0xffff  }
0x269: {  	v43 =	vld [tilespmem:s18+$0x140A0]  }
0x26a: {  	v58 =	vld [tilespmem:s18+$0x14120];
	[tilespmem:s22+$0x16240] =	vst v21  }
0x26b: {  	v23 =	vmul.f32 v12, v6;
	v9 =	vadd.f32 v9, v22;
	v25 =	vld.idx.msk [tilespmem:v0+s22+$0x41D0 ss:$0x1], $0xffff  }
0x26c: {  	v21 =	vmul.f32 v17, v6;
	v11 =	vadd.f32 v11, v27;
	v27 =	vld [tilespmem:s22+$0x14250]  }
0x26d: {  	v35 =	vld [tilespmem:s18+$0x141A0];
	v28 =	vmul.f32 v14, v7;
	v9 =	vadd.f32 v9, v23;
	v10 =	vadd.f32 v10, v26  }
0x26e: {  	v60 =	vld [tilespmem:s18+$0x14220];
	v11 =	vadd.f32 v11, v21  }
0x26f: {  	v44 =	vld [tilespmem:s18+$0x140B0];
	[tilespmem:s22+$0x160B0] =	vst v9;
	v9 =	vadd.f32 v10, v28  }
0x270: {  	v15 =	vld [tilespmem:s22+$0x140C0];
	[tilespmem:s22+$0x161B0] =	vst v11  }
0x271: {  	v24 =	vld [tilespmem:s22+$0x14150];
	v11 =	vmul.f32 v19, v8;
	[tilespmem:s22+$0x16140] =	vst v9;
	v9 =	vadd.f32 v25, v27  }
0x272: {  	v13 =	vld [tilespmem:s22+$0x141C0]  }
0x273: {  	v26 =	vld [tilespmem:s22+$0x14260];
	v25 =	vadd.f32 v9, v11  }
0x274: {  	v28 =	vld [tilespmem:s18+$0x14200]  }
0x275: {  	v27 =	vld.idx.msk [tilespmem:v0+s18+$0x4180 ss:$0x1], $0xffff;
	[tilespmem:s22+$0x16250] =	vst v25  }
0x276: {  	s30 =	simm.s32 $0x180E0;
	v25 =	vld.idx.msk [tilespmem:v0+s22+$0x41E0 ss:$0x1], $0xffff  }
0x277: {  	v9 =	vld [tilespmem:s30+$0x10]  }
0x278: {  	v16 =	vld [tilespmem:s22+$0x140D0]  }
0x279: {  	v18 =	vld [tilespmem:s22+$0x141D0]  }
0x27a: {  	v20 =	vld [tilespmem:s22+$0x140E0]  }
0x27b: {  	v22 =	vld [tilespmem:s22+$0x141E0];
	v25 =	vadd.f32 v25, v26;
	v26 =	vmul.f32 v19, v2  }
0x27c: {  	v23 =	vld [tilespmem:s22+$0x14160];
	v27 =	vadd.f32 v27, v28;
	v28 =	vmul.f32 v9, v3  }
0x27d: {  	v26 =	vadd.f32 v25, v26;
	v25 =	vld [tilespmem:s30+$0xFFFFFFF0]  }
0x27e: {  	v21 =	vld [tilespmem:s22+$0x14170];
	v27 =	vadd.f32 v27, v28  }
0x27f: {  	v28 =	vld [tilespmem:s30+$0x0]  }
0x280: {  	[tilespmem:s18+$0x16200] =	vst v27;
	v27 =	vld [tilespmem:s30+$0xFFFFFFE0]  }
0x281: {  	v51 =	vld.idx.msk [tilespmem:v0+s18+$0x4190 ss:$0x1], $0xffff  }
0x282: {  	v33 =	vadd.f32 v46, v49;
	v29 =	vld.idx.msk [tilespmem:v0+s22+$0x4040 ss:$0x1], $0xffff;
	v52 =	vmul.f32 v25, v3  }
0x283: {  	v30 =	vld.idx.msk [tilespmem:v0+s22+$0x4140 ss:$0x1], $0xffff  }
0x284: {  	v34 =	vadd.f32 v47, v50;
	v10 =	vld [tilespmem:s22+$0x140F0];
	v57 =	vmul.f32 v28, v3;
	v33 =	vadd.f32 v33, v52  }
0x285: {  	v32 =	vadd.f32 v45, v48;
	v46 =	vmul.f32 v12, v7;
	v31 =	vld.idx.msk [tilespmem:v0+s22+$0x40D0 ss:$0x1], $0xffff;
	v56 =	vmul.f32 v27, v3  }
0x286: {  	v11 =	vld [tilespmem:s22+$0x141F0];
	v55 =	vmul.f32 v9, v4;
	v34 =	vadd.f32 v34, v57;
	v39 =	vadd.f32 v51, v40;
	[tilespmem:s18+$0x16100] =	vst v33  }
0x287: {  	v15 =	vadd.f32 v29, v15;
	[tilespmem:s22+$0x16260] =	vst v26;
	v32 =	vadd.f32 v32, v56;
	v42 =	vld.idx.msk [tilespmem:v0+s18+$0x4090 ss:$0x1], $0xffff  }
0x288: {  	v26 =	vld.idx.msk [tilespmem:v0+s22+$0x41F0 ss:$0x1], $0xffff;
	[tilespmem:s18+$0x16180] =	vst v34;
	v39 =	vadd.f32 v39, v55  }
0x289: {  	v15 =	vadd.f32 v15, v46;
	v63 =	vld.idx.msk [tilespmem:v0+s18+$0x4110 ss:$0x1], $0xffff;
	[tilespmem:s18+$0x16080] =	vst v32  }
0x28a: {  	[tilespmem:s18+$0x16210] =	vst v39;
	v62 =	vld.idx.msk [tilespmem:v0+s18+$0x4010 ss:$0x1], $0xffff  }
0x28b: {  	v13 =	vadd.f32 v30, v13;
	[tilespmem:s22+$0x160C0] =	vst v15;
	v51 =	vmul.f32 v17, v7;
	v59 =	vld.idx.msk [tilespmem:v0+s18+$0x41A0 ss:$0x1], $0xffff  }
0x28c: {  	v61 =	vmul.f32 v25, v4;
	v55 =	vld.idx.msk [tilespmem:v0+s22+$0x4050 ss:$0x1], $0xffff;
	v36 =	vadd.f32 v42, v53  }
0x28d: {  	v13 =	vadd.f32 v13, v51;
	v32 =	vld [tilespmem:s18+$0x140C0]  }
0x28e: {  	v39 =	vld [tilespmem:s18+$0x14130];
	v36 =	vadd.f32 v36, v61  }
0x28f: {  	v24 =	vadd.f32 v31, v24;
	v48 =	vmul.f32 v27, v4;
	[tilespmem:s22+$0x161C0] =	vst v13;
	v13 =	vld [tilespmem:s18+$0x140D0];
	v34 =	vadd.f32 v62, v41  }
0x290: {  	v45 =	vmul.f32 v9, v5;
	v31 =	vld.idx.msk [tilespmem:v0+s22+$0x4150 ss:$0x1], $0xffff;
	v37 =	vadd.f32 v59, v60;
	[tilespmem:s18+$0x16110] =	vst v36  }
0x291: {  	v30 =	vadd.f32 v34, v48;
	v47 =	vld.idx.msk [tilespmem:v0+s18+$0x40A0 ss:$0x1], $0xffff  }
0x292: {  	v33 =	vadd.f32 v63, v54;
	v63 =	vld [tilespmem:s18+$0x14240];
	v37 =	vadd.f32 v37, v45  }
0x293: {  	v29 =	vmul.f32 v28, v4;
	v41 =	vld [tilespmem:s18+$0x14140];
	[tilespmem:s18+$0x16090] =	vst v30  }
0x294: {  	v30 =	vld [tilespmem:s18+$0x14230];
	[tilespmem:s18+$0x16220] =	vst v37  }
0x295: {  	v29 =	vadd.f32 v33, v29;
	v52 =	vld.idx.msk [tilespmem:v0+s18+$0x41B0 ss:$0x1], $0xffff  }
0x296: {  	v53 =	vmul.f32 v25, v5;
	v34 =	vld [tilespmem:s18+$0x140F0];
	v40 =	vadd.f32 v47, v58  }
0x297: {  	v56 =	vmul.f32 v14, v8;
	[tilespmem:s18+$0x16190] =	vst v29;
	v54 =	vld.idx.msk [tilespmem:v0+s18+$0x4020 ss:$0x1], $0xffff  }
0x298: {  	v16 =	vadd.f32 v55, v16;
	v60 =	vmul.f32 v12, v8;
	v15 =	vld.idx.msk [tilespmem:v0+s18+$0x4120 ss:$0x1], $0xffff;
	v29 =	vadd.f32 v40, v53  }
0x299: {  	v49 =	vmul.f32 v17, v2;
	v24 =	vadd.f32 v24, v56;
	v45 =	vld [tilespmem:s18+$0x141C0]  }
0x29a: {  	v57 =	vmul.f32 v9, v6;
	v16 =	vadd.f32 v16, v60;
	v36 =	vld [tilespmem:s18+$0x141B0];
	v30 =	vadd.f32 v52, v30;
	[tilespmem:s18+$0x16120] =	vst v29  }
0x29b: {  	[tilespmem:s22+$0x16150] =	vst v24;
	v18 =	vadd.f32 v31, v18;
	v61 =	vmul.f32 v17, v8;
	v58 =	vld.idx.msk [tilespmem:v0+s18+$0x40B0 ss:$0x1], $0xffff  }
0x29c: {  	v59 =	vmul.f32 v27, v5;
	[tilespmem:s22+$0x160D0] =	vst v16;
	v16 =	vld [tilespmem:s18+$0x140E0];
	v37 =	vadd.f32 v54, v43;
	v30 =	vadd.f32 v30, v57  }
0x29d: {  	v24 =	vmul.f32 v28, v5;
	v18 =	vadd.f32 v18, v61;
	v48 =	vld.idx.msk [tilespmem:v0+s22+$0x4060 ss:$0x1], $0xffff;
	v35 =	vadd.f32 v15, v35  }
0x29e: {  	v51 =	vmul.f32 v14, v1;
	v37 =	vadd.f32 v37, v59;
	[tilespmem:s18+$0x16230] =	vst v30;
	v30 =	vld.idx.msk [tilespmem:v0+s22+$0x40E0 ss:$0x1], $0xffff  }
0x29f: {  	v31 =	vmul.f32 v25, v6;
	[tilespmem:s22+$0x161D0] =	vst v18;
	v24 =	vadd.f32 v35, v24;
	v62 =	vld.idx.msk [tilespmem:v0+s18+$0x41C0 ss:$0x1], $0xffff  }
0x2a0: {  	v18 =	vmul.f32 v14, v2;
	v14 =	vmul.f32 v17, v1;
	v17 =	vld [tilespmem:s18+$0x14160];
	[tilespmem:s18+$0x160A0] =	vst v37;
	v39 =	vadd.f32 v58, v39  }
0x2a1: {  	v19 =	vmul.f32 v19, v1;
	v38 =	vadd.f32 v26, v38;
	[tilespmem:s18+$0x161A0] =	vst v24;
	v46 =	vld.idx.msk [tilespmem:v0+s18+$0x4030 ss:$0x1], $0xffff  }
0x2a2: {  	v24 =	vld.idx.msk [tilespmem:v0+s18+$0x4130 ss:$0x1], $0xffff;
	v31 =	vadd.f32 v39, v31  }
0x2a3: {  	v50 =	vmul.f32 v9, v7;
	v19 =	vadd.f32 v38, v19;
	v15 =	vld [tilespmem:s18+$0x141D0];
	v23 =	vadd.f32 v30, v23  }
0x2a4: {  	v26 =	vmul.f32 v28, v6;
	v30 =	vld.idx.msk [tilespmem:v0+s22+$0x4160 ss:$0x1], $0xffff;
	[tilespmem:s18+$0x16130] =	vst v31;
	v31 =	vadd.f32 v62, v63  }
0x2a5: {  	[tilespmem:s22+$0x16270] =	vst v19;
	v47 =	vmul.f32 v12, v2;
	v20 =	vadd.f32 v48, v20;
	v57 =	vld [tilespmem:s18+$0x14250];
	v23 =	vadd.f32 v23, v18  }
0x2a6: {  	v53 =	vmul.f32 v27, v6;
	v33 =	vadd.f32 v46, v44;
	v52 =	vld.idx.msk [tilespmem:v0+s18+$0x40C0 ss:$0x1], $0xffff;
	v31 =	vadd.f32 v31, v50  }
0x2a7: {  	v56 =	vmul.f32 v25, v7;
	v20 =	vadd.f32 v20, v47;
	v29 =	vld [tilespmem:s18+$0x14150];
	v24 =	vadd.f32 v24, v36;
	[tilespmem:s22+$0x16160] =	vst v23  }
0x2a8: {  	v19 =	vmul.f32 v25, v1;
	v23 =	vadd.f32 v33, v53;
	v54 =	vld.idx.msk [tilespmem:v0+s22+$0x40F0 ss:$0x1], $0xffff;
	[tilespmem:s18+$0x16240] =	vst v31  }
0x2a9: {  	[tilespmem:s22+$0x160E0] =	vst v20;
	v24 =	vadd.f32 v24, v26;
	v22 =	vadd.f32 v30, v22;
	v55 =	vld.idx.msk [tilespmem:v0+s18+$0x41D0 ss:$0x1], $0xffff  }
0x2aa: {  	v12 =	vmul.f32 v12, v1;
	v20 =	vmul.f32 v27, v2;
	v35 =	vld.idx.msk [tilespmem:v0+s22+$0x4070 ss:$0x1], $0xffff;
	[tilespmem:s18+$0x160B0] =	vst v23  }
0x2ab: {  	[tilespmem:s18+$0x161B0] =	vst v24;
	v58 =	vld.idx.msk [tilespmem:v0+s18+$0x4040 ss:$0x1], $0xffff;
	v22 =	vadd.f32 v22, v49;
	v59 =	vadd.f32 v52, v41  }
0x2ac: {  	v26 =	vmul.f32 v25, v8;
	v24 =	vmul.f32 v28, v8;
	v60 =	vld.idx.msk [tilespmem:v0+s18+$0x4140 ss:$0x1], $0xffff  }
0x2ad: {  	v18 =	vld [tilespmem:s18+$0x141E0];
	v30 =	vmul.f32 v28, v7;
	[tilespmem:s22+$0x161E0] =	vst v22;
	v22 =	vadd.f32 v54, v21;
	v41 =	vadd.f32 v59, v56  }
0x2ae: {  	v62 =	vmul.f32 v9, v8;
	v23 =	vmul.f32 v27, v8;
	v37 =	vld.idx.msk [tilespmem:v0+s22+$0x4170 ss:$0x1], $0xffff;
	v61 =	vadd.f32 v55, v57  }
0x2af: {  	v31 =	vmul.f32 v27, v7;
	v21 =	vmul.f32 v25, v2;
	v25 =	vld [tilespmem:s18+$0x14170];
	v63 =	vadd.f32 v22, v51;
	[tilespmem:s18+$0x16140] =	vst v41  }
0x2b0: {  	s11 =	sadd.s32 $0x80, s20;
	v27 =	vmul.f32 v27, v1;
	v36 =	vadd.f32 v58, v32;
	v38 =	vld.idx.msk [tilespmem:v0+s18+$0x40D0 ss:$0x1], $0xffff;
	v33 =	vadd.f32 v61, v62  }
0x2b1: {  	s17 =	simm.s32 $0x4;
	s19 =	simm.s32 $0x18120;
	s0 =	simm.s32 $0x800;
	v39 =	vadd.f32 v60, v45;
	v22 =	vmul.f32 v28, v2;
	v28 =	vmul.f32 v28, v1;
	v32 =	vld [tilespmem:s18+$0x141F0];
	[tilespmem:s22+$0x16170] =	vst v63  }
.LBB2_7:
0x2b2: {  	v40 =	vld [tilespmem:s19+$0x10];
	v31 =	vadd.f32 v36, v31;
	[tilespmem:s18+$0x16250] =	vst v33;
	v33 =	vadd.f32 v35, v10  }
0x2b3: {  	s0 =	sadd.s32 $0x800, s0;
	v36 =	vadd.f32 v37, v11;
	v30 =	vadd.f32 v39, v30;
	v35 =	vld.idx.msk [tilespmem:v0+s18+$0x41E0 ss:$0x1], $0xffff;
	v10 =	vmov v34  }
0x2b4: {  	s17 =	sadd.s32 $0x4, s17;
	s21 =	sshra.s32 s0, $0x2;
	[tilespmem:s18+$0x160C0] =	vst v31;
	v31 =	vld [tilespmem:s18+$0x14260];
	v33 =	vadd.f32 v33, v12;
	v12 =	vmov v27  }
0x2b5: {  	p2 =	slt.u32 s17, $0x3C;
	v29 =	vadd.f32 v38, v29;
	v27 =	vld.idx.msk [tilespmem:v0+s21+$0x4180 ss:$0x1], $0xffff;
	[tilespmem:s18+$0x161C0] =	vst v30;
	v30 =	vadd.f32 v36, v14;
	v14 =	vmov v28  }
0x2b6: {  	v28 =	vld [tilespmem:s21+$0x14200];
	[tilespmem:s22+$0x160F0] =	vst v33;
	v11 =	vmov v32  }
0x2b7: {  	v26 =	vadd.f32 v29, v26;
	v32 =	vld.idx.msk [tilespmem:v0+s21+$0x4000 ss:$0x1], $0xffff;
	[tilespmem:s22+$0x161F0] =	vst v30;
	s22 =	smov.u32 s18;
	s18 =	smov.u32 s21  }
0x2b8: {  	v29 =	vld.idx.msk [tilespmem:v0+s18+$0x4080 ss:$0x1], $0xffff  }
0x2b9: {  	v30 =	vld.idx.msk [tilespmem:v0+s18+$0x4100 ss:$0x1], $0xffff;
	[tilespmem:s22+$0x16150] =	vst v26;
	v26 =	vadd.f32 v35, v31;
	v31 =	vmul.f32 v9, v2  }
0x2ba: {  	v33 =	vld [tilespmem:s18+$0x14080]  }
0x2bb: {  	v34 =	vld [tilespmem:s18+$0x14100];
	v27 =	vadd.f32 v27, v28;
	v28 =	vmul.f32 v40, v3;
	v26 =	vadd.f32 v26, v31  }
0x2bc: {  	v31 =	vld [tilespmem:s18+$0x14180]  }
0x2bd: {  	v36 =	vld [tilespmem:s19+$0xFFFFFFF0];
	v27 =	vadd.f32 v27, v28;
	[tilespmem:s22+$0x16260] =	vst v26  }
0x2be: {  	v26 =	vld.idx.msk [tilespmem:v0+s22+$0x41F0 ss:$0x1], $0xffff  }
0x2bf: {  	v28 =	vadd.f32 v32, v33;
	[tilespmem:s18+$0x16200] =	vst v27;
	v27 =	vld [tilespmem:s22+$0x14270]  }
0x2c0: {  	v29 =	vadd.f32 v29, v34;
	v33 =	vld.idx.msk [tilespmem:v0+s18+$0x4190 ss:$0x1], $0xffff  }
0x2c1: {  	v30 =	vadd.f32 v30, v31;
	v31 =	vld [tilespmem:s18+$0x14210]  }
0x2c2: {  	v32 =	vmul.f32 v36, v3;
	v38 =	vmul.f32 v36, v4;
	v39 =	vld [tilespmem:s19+$0x0]  }
0x2c3: {  	v42 =	vmul.f32 v36, v5;
	v34 =	vmul.f32 v36, v6;
	v41 =	vld [tilespmem:s19+$0xFFFFFFE0]  }
0x2c4: {  	v35 =	vmul.f32 v9, v1;
	v9 =	vmovc v40;
	v43 =	vld [tilespmem:s18+$0x14090];
	v29 =	vadd.f32 v29, v32;
	v27 =	vadd.f32 v26, v27  }
0x2c5: {  	v32 =	vmul.f32 v36, v7;
	v26 =	vmul.f32 v36, v8;
	v40 =	vld [tilespmem:s18+$0x14110]  }
0x2c6: {  	[tilespmem:s18+$0x16100] =	vst v29;
	v29 =	vld [tilespmem:s18+$0x14190];
	v31 =	vadd.f32 v33, v31;
	v33 =	vmul.f32 v9, v4;
	v27 =	vadd.f32 v27, v35  }
0x2c7: {  	v44 =	vld.idx.msk [tilespmem:v0+s18+$0x4090 ss:$0x1], $0xffff;
	v35 =	vmul.f32 v39, v3;
	v45 =	vmul.f32 v39, v4  }
0x2c8: {  	v37 =	vmul.f32 v41, v3;
	v46 =	vmul.f32 v41, v4;
	v47 =	vld [tilespmem:s18+$0x140A0];
	v31 =	vadd.f32 v31, v33;
	[tilespmem:s22+$0x16270] =	vst v27  }
0x2c9: {  	v50 =	vmul.f32 v39, v5;
	v48 =	vmul.f32 v41, v5;
	v49 =	vld [tilespmem:s18+$0x14120];
	v27 =	vadd.f32 v30, v35  }
0x2ca: {  	v35 =	vmul.f32 v39, v6;
	v28 =	vadd.f32 v28, v37;
	v37 =	vmul.f32 v41, v6;
	v51 =	vld [tilespmem:s18+$0x141A0];
	[tilespmem:s18+$0x16210] =	vst v31  }
0x2cb: {  	v30 =	vmul.f32 v39, v7;
	v31 =	vmul.f32 v41, v7;
	[tilespmem:s18+$0x16180] =	vst v27;
	v52 =	vld.idx.msk [tilespmem:v0+s18+$0x41A0 ss:$0x1], $0xffff  }
0x2cc: {  	v54 =	vmul.f32 v39, v8;
	v53 =	vmul.f32 v41, v8;
	[tilespmem:s18+$0x16080] =	vst v28;
	v55 =	vld [tilespmem:s18+$0x14220]  }
0x2cd: {  	v57 =	vmul.f32 v41, v2;
	v28 =	vadd.f32 v44, v40;
	v40 =	vmul.f32 v36, v2;
	v56 =	vld.idx.msk [tilespmem:v0+s18+$0x4010 ss:$0x1], $0xffff  }
0x2ce: {  	v27 =	vmul.f32 v41, v1;
	v44 =	vmul.f32 v39, v2;
	v41 =	vld.idx.msk [tilespmem:v0+s18+$0x4110 ss:$0x1], $0xffff  }
0x2cf: {  	v33 =	vmul.f32 v36, v1;
	v38 =	vadd.f32 v28, v38;
	v28 =	vmul.f32 v39, v1;
	v58 =	vld [tilespmem:s18+$0x140B0]  }
0x2d0: {  	v39 =	vld [tilespmem:s18+$0x14130]  }
0x2d1: {  	[tilespmem:s18+$0x16110] =	vst v38;
	v38 =	vld [tilespmem:s18+$0x141B0];
	v52 =	vadd.f32 v52, v55;
	v55 =	vmul.f32 v9, v5  }
0x2d2: {  	v59 =	vld.idx.msk [tilespmem:v0+s18+$0x40A0 ss:$0x1], $0xffff  }
0x2d3: {  	v43 =	vadd.f32 v56, v43;
	v36 =	vld [tilespmem:s18+$0x140C0];
	v52 =	vadd.f32 v52, v55  }
0x2d4: {  	v29 =	vadd.f32 v41, v29;
	v55 =	vld [tilespmem:s18+$0x14140]  }
0x2d5: {  	v41 =	vadd.f32 v43, v46;
	v43 =	vld [tilespmem:s18+$0x141C0];
	[tilespmem:s18+$0x16220] =	vst v52  }
0x2d6: {  	v29 =	vadd.f32 v29, v45;
	v45 =	vld.idx.msk [tilespmem:v0+s18+$0x41B0 ss:$0x1], $0xffff  }
0x2d7: {  	[tilespmem:s18+$0x16090] =	vst v41;
	v41 =	vld [tilespmem:s18+$0x14230]  }
0x2d8: {  	v49 =	vadd.f32 v59, v49;
	v46 =	vld.idx.msk [tilespmem:v0+s18+$0x4020 ss:$0x1], $0xffff;
	[tilespmem:s18+$0x16190] =	vst v29  }
0x2d9: {  	v52 =	vld.idx.msk [tilespmem:v0+s18+$0x4120 ss:$0x1], $0xffff  }
0x2da: {  	v29 =	vadd.f32 v49, v42;
	v42 =	vld.idx.msk [tilespmem:v0+s22+$0x4050 ss:$0x1], $0xffff  }
0x2db: {  	v49 =	vld.idx.msk [tilespmem:v0+s22+$0x4150 ss:$0x1], $0xffff  }
0x2dc: {  	v56 =	vld [tilespmem:s18+$0x140D0];
	[tilespmem:s18+$0x16120] =	vst v29;
	v41 =	vadd.f32 v45, v41;
	v45 =	vmul.f32 v9, v6  }
0x2dd: {  	v59 =	vld.idx.msk [tilespmem:v0+s18+$0x40B0 ss:$0x1], $0xffff  }
0x2de: {  	v46 =	vadd.f32 v46, v47;
	v29 =	vld [tilespmem:s18+$0x14150];
	v41 =	vadd.f32 v41, v45  }
0x2df: {  	v45 =	vadd.f32 v52, v51;
	v47 =	vld [tilespmem:s18+$0x141D0]  }
0x2e0: {  	v46 =	vadd.f32 v46, v48;
	[tilespmem:s18+$0x16230] =	vst v41;
	v41 =	vadd.f32 v42, v13;
	v42 =	vld.idx.msk [tilespmem:v0+s22+$0x40E0 ss:$0x1], $0xffff  }
0x2e1: {  	v45 =	vadd.f32 v45, v50;
	v51 =	vadd.f32 v49, v15;
	v48 =	vld.idx.msk [tilespmem:v0+s18+$0x41C0 ss:$0x1], $0xffff;
	v13 =	vmov v56  }
0x2e2: {  	[tilespmem:s18+$0x160A0] =	vst v46;
	v46 =	vld [tilespmem:s18+$0x14240];
	v41 =	vadd.f32 v41, v23;
	v23 =	vmov v53  }
0x2e3: {  	v39 =	vadd.f32 v59, v39;
	v49 =	vld.idx.msk [tilespmem:v0+s18+$0x4030 ss:$0x1], $0xffff;
	[tilespmem:s18+$0x161A0] =	vst v45;
	v45 =	vadd.f32 v51, v24;
	v24 =	vmov v54  }
0x2e4: {  	v50 =	vld.idx.msk [tilespmem:v0+s18+$0x4130 ss:$0x1], $0xffff;
	[tilespmem:s22+$0x160D0] =	vst v41;
	v15 =	vmov v47  }
0x2e5: {  	v34 =	vadd.f32 v39, v34;
	v39 =	vld.idx.msk [tilespmem:v0+s22+$0x4060 ss:$0x1], $0xffff;
	[tilespmem:s22+$0x161D0] =	vst v45  }
0x2e6: {  	v17 =	vadd.f32 v42, v17;
	v41 =	vld.idx.msk [tilespmem:v0+s22+$0x4160 ss:$0x1], $0xffff  }
0x2e7: {  	v45 =	vmul.f32 v9, v7;
	v42 =	vld [tilespmem:s18+$0x140E0];
	[tilespmem:s18+$0x16130] =	vst v34;
	v34 =	vadd.f32 v48, v46  }
0x2e8: {  	v47 =	vadd.f32 v17, v21;
	v21 =	vmov v40;
	v46 =	vld.idx.msk [tilespmem:v0+s18+$0x40C0 ss:$0x1], $0xffff  }
0x2e9: {  	v40 =	vadd.f32 v49, v58;
	v17 =	vld [tilespmem:s18+$0x14160];
	v34 =	vadd.f32 v34, v45  }
0x2ea: {  	v38 =	vadd.f32 v50, v38;
	v45 =	vld [tilespmem:s18+$0x141E0];
	[tilespmem:s22+$0x16160] =	vst v47  }
0x2eb: {  	v37 =	vadd.f32 v40, v37;
	[tilespmem:s18+$0x16240] =	vst v34;
	v34 =	vadd.f32 v39, v16;
	v39 =	vld.idx.msk [tilespmem:v0+s22+$0x40F0 ss:$0x1], $0xffff  }
0x2ec: {  	v35 =	vadd.f32 v38, v35;
	v47 =	vadd.f32 v41, v18;
	v38 =	vld.idx.msk [tilespmem:v0+s18+$0x41D0 ss:$0x1], $0xffff;
	v16 =	vmov v42  }
0x2ed: {  	[tilespmem:s18+$0x160B0] =	vst v37;
	v40 =	vld [tilespmem:s18+$0x14250];
	v34 =	vadd.f32 v34, v20;
	v20 =	vmov v57  }
0x2ee: {  	v37 =	vadd.f32 v46, v55;
	v42 =	vadd.f32 v47, v22;
	v22 =	vmov v44;
	v41 =	vld.idx.msk [tilespmem:v0+s18+$0x4040 ss:$0x1], $0xffff;
	[tilespmem:s18+$0x161B0] =	vst v35  }
0x2ef: {  	v44 =	vld.idx.msk [tilespmem:v0+s18+$0x4140 ss:$0x1], $0xffff;
	[tilespmem:s22+$0x160E0] =	vst v34;
	v18 =	vmov v45  }
0x2f0: {  	v32 =	vadd.f32 v37, v32;
	v35 =	vld.idx.msk [tilespmem:v0+s22+$0x4070 ss:$0x1], $0xffff;
	[tilespmem:s22+$0x161E0] =	vst v42  }
.Ltmp2:
0x2f1: {  	v25 =	vadd.f32 v39, v25;
	v37 =	vld.idx.msk [tilespmem:v0+s22+$0x4170 ss:$0x1], $0xffff;
	(pc) =	sbr.rel @p2 .LBB2_7-.Ltmp2, $4  }
0x2f2: {  	v39 =	vmul.f32 v9, v8;
	v34 =	vld [tilespmem:s18+$0x140F0];
	[tilespmem:s18+$0x16140] =	vst v32;
	v32 =	vadd.f32 v38, v40  }
0x2f3: {  	v40 =	vadd.f32 v25, v19;
	v19 =	vmov v33;
	v38 =	vld.idx.msk [tilespmem:v0+s18+$0x40D0 ss:$0x1], $0xffff  }
0x2f4: {  	v36 =	vadd.f32 v41, v36;
	v25 =	vld [tilespmem:s18+$0x14170];
	v33 =	vadd.f32 v32, v39  }
0x2f5: {  	s19 =	sadd.s32 $0x40, s19;
	v39 =	vadd.f32 v44, v43;
	v32 =	vld [tilespmem:s18+$0x141F0];
	[tilespmem:s22+$0x16170] =	vst v40  }
0x2f6: {  	_ = 	snop  }
0x2f7: {  	v3 =	vadd.f32 v36, v31  }
0x2f8: {  	v4 =	vadd.f32 v39, v30  }
0x2f9: {  	[tilespmem:s18+$0x160C0] =	vst v3  }
0x2fa: {  	[tilespmem:s18+$0x161C0] =	vst v4;
	v3 =	vld.idx.msk [tilespmem:v0+s18+$0x4050 ss:$0x1], $0xffff  }
0x2fb: {  	v4 =	vld.idx.msk [tilespmem:v0+s18+$0x4150 ss:$0x1], $0xffff;
	_ =	sdelay $0x2  }
0x2fc: {  	v5 =	vadd.f32 v38, v29  }
0x2fd: {  	v3 =	vadd.f32 v3, v13  }
0x2fe: {  	[tilespmem:s18+$0x16250] =	vst v33;
	v7 =	vld [tilespmem:s18+$0x14260];
	v5 =	vadd.f32 v5, v26;
	v4 =	vadd.f32 v4, v15  }
0x2ff: {  	v6 =	vld.idx.msk [tilespmem:v0+s18+$0x41E0 ss:$0x1], $0xffff;
	v3 =	vadd.f32 v3, v23  }
0x300: {  	[tilespmem:s18+$0x16150] =	vst v5;
	v4 =	vadd.f32 v4, v24  }
0x301: {  	v5 =	vld.idx.msk [tilespmem:v0+s18+$0x40E0 ss:$0x1], $0xffff;
	[tilespmem:s18+$0x160D0] =	vst v3  }
0x302: {  	v3 =	vld.idx.msk [tilespmem:v0+s18+$0x4060 ss:$0x1], $0xffff;
	[tilespmem:s18+$0x161D0] =	vst v4  }
0x303: {  	v4 =	vld.idx.msk [tilespmem:v0+s18+$0x4160 ss:$0x1], $0xffff  }
0x304: {  	v2 =	vmul.f32 v9, v2;
	v6 =	vadd.f32 v6, v7;
	_ =	sdelay $0x1  }
0x305: {  	v2 =	vadd.f32 v6, v2;
	v5 =	vadd.f32 v5, v17  }
0x306: {  	v3 =	vadd.f32 v3, v16  }
0x307: {  	[tilespmem:s18+$0x16260] =	vst v2;
	v2 =	vadd.f32 v5, v21;
	v4 =	vadd.f32 v4, v18  }
0x308: {  	v6 =	vld [tilespmem:s18+$0x14270];
	v3 =	vadd.f32 v3, v20  }
0x309: {  	v5 =	vld.idx.msk [tilespmem:v0+s18+$0x41F0 ss:$0x1], $0xffff;
	[tilespmem:s18+$0x16160] =	vst v2;
	v2 =	vadd.f32 v4, v22  }
0x30a: {  	v4 =	vld.idx.msk [tilespmem:v0+s18+$0x40F0 ss:$0x1], $0xffff;
	[tilespmem:s18+$0x160E0] =	vst v3  }
0x30b: {  	v3 =	vld.idx.msk [tilespmem:v0+s18+$0x4070 ss:$0x1], $0xffff;
	[tilespmem:s18+$0x161E0] =	vst v2  }
0x30c: {  	v2 =	vadd.f32 v35, v10;
	v0 =	vld.idx.msk [tilespmem:v0+s18+$0x4170 ss:$0x1], $0xffff  }
0x30d: {  	v7 =	vadd.f32 v37, v11  }
0x30e: {  	v1 =	vmul.f32 v9, v1;
	v5 =	vadd.f32 v5, v6;
	v2 =	vadd.f32 v2, v12  }
0x30f: {  	v6 =	vadd.f32 v7, v14;
	v4 =	vadd.f32 v4, v25  }
0x310: {  	v1 =	vadd.f32 v5, v1;
	[tilespmem:s22+$0x160F0] =	vst v2;
	v2 =	vadd.f32 v3, v34  }
0x311: {  	[tilespmem:s22+$0x161F0] =	vst v6;
	v3 =	vadd.f32 v4, v19;
	v0 =	vadd.f32 v0, v32  }
0x312: {  	s0 =	sadd.s32 @!p1 $0x6, s8;
	[tilespmem:s18+$0x16270] =	vst v1;
	v1 =	vadd.f32 v2, v27  }
0x313: {  	s17 =	sshll.u32 @!p1 s0, $0x7;
	s0 =	sshll.u32 @!p1 s0, $0x4;
	[tilespmem:s18+$0x16170] =	vst v3;
	v0 =	vadd.f32 v0, v28  }
0x314: {  	s19 =	simm.s32 @!p1 $0x40;
	s21 =	simm.s32 @!p1 $0x14080;
	s0 =	sand.u32 @!p1 $0x60, s0;
	[tilespmem:s18+$0x160F0] =	vst v1  }
0x315: {  	s0 =	sadd.s32 @!p1 s9, s0;
	[tilespmem:s18+$0x161F0] =	vst v0;
	s18 =	sand.u32 @!p1 $0x3FFFFF80, s17;
	s17 =	sand.u32 @!p1 $0x7C00, s17  }
0x316: {  	[tilespmem:s21], [sflag:$0x3] =	stream.indirect.gather @!p1 [hbm4b:s1+s19], $0x80, s18, s19, $0xb8;
	[tilespmem:$0x1C880] =	vst v63  }
0x317: {  	s23 =	sshll.u32 s11, $0x4;
	s0 =	sadd.s32 @!p1 s17, s0  }
0x318: {  	s17 =	simm.s32 @!p1 $0x80;
	s18 =	simm.s32 @!p1 $0x400;
	s19 =	simm.s32 @!p1 $0x18080  }
0x319: {  	[tilespmem:s19], [sflag:$0x7] =	stream.strided.gather @!p1 [hbm4b:s0+s17], $0x400, s18, s17, $0x38;
	[tilespmem:$0x1C880] =	vst v63  }
0x31a: {  	s24 =	simm.s32 $0x16080;
	s0 =	sadd.s32 s3, s23  }
0x31b: {  	[hbm4b:s0+s4] =	stream.linear.scatter [tilespmem:s24], [sflag:$0xB], $0x2000, $0x38;
	[tilespmem:$0x1C880] =	vst v63  }
0x31c: {  	s0 =	simm.s32 @!p0 $0xC  }
0x31d: {  	_ =	swait.ge @!p0 [sflag:s0], $0x2000  }
0x31e: {  	[sflag:s0] =	ssyncset.done @!p0 $0x0  }
0x31f: {  	[sflag:s0] =	ssyncadd.s32 @!p0 $0xFFFFE000  }
0x320: {  	_ =	swait.ge [sflag:s31], $0x400  }
0x321: {  	[sflag:s31] =	ssyncset.done $0x0  }
0x322: {  	[sflag:s31] =	ssyncadd.s32 $0xFFFFFC00  }
0x323: {  	_ =	swait.ge [sflag:s2], $0x2000  }
0x324: {  	v0 =	vmov s10;
	[sflag:s2] =	ssyncset.done $0x0  }
0x325: {  	[sflag:s2] =	ssyncadd.s32 $0xFFFFE000  }
0x326: {  	v3 =	vld [tilespmem:$0xB800]  }
0x327: {  	s26 =	simm.s32 $0x1C4A0;
	v4 =	vld [tilespmem:$0xB810]  }
0x328: {  	s10 =	simm.s32 $0x0;
	v19 =	vld [tilespmem:s26+$0x10]  }
0x329: {  	v1 =	vld.idx.msk [tilespmem:v0+s10+$0x6180 ss:$0x1], $0xffff  }
0x32a: {  	v9 =	vld [tilespmem:s10+$0x18600]  }
0x32b: {  	v5 =	vld [tilespmem:$0xB820]  }
0x32c: {  	v6 =	vld [tilespmem:$0xB830]  }
0x32d: {  	v7 =	vld [tilespmem:$0xB840]  }
0x32e: {  	v8 =	vld [tilespmem:$0xB850]  }
0x32f: {  	v2 =	vld [tilespmem:$0xB860]  }
0x330: {  	v11 =	vld.idx.msk [tilespmem:v0+s10+$0x6080 ss:$0x1], $0xffff  }
0x331: {  	v14 =	vld [tilespmem:s26+$0xFFFFFFF0]  }
0x332: {  	v12 =	vld [tilespmem:s10+$0x18610]  }
0x333: {  	v13 =	vld.idx.msk [tilespmem:v0+s10+$0x6000 ss:$0x1], $0xffff  }
0x334: {  	v15 =	vld.idx.msk [tilespmem:v0+s10+$0x6100 ss:$0x1], $0xffff;
	v9 =	vadd.f32 v1, v9;
	v10 =	vmul.f32 v19, v3  }
0x335: {  	v16 =	vld [tilespmem:s10+$0x18480]  }
0x336: {  	v18 =	vld [tilespmem:s10+$0x18580];
	v9 =	vadd.f32 v9, v10  }
0x337: {  	v1 =	vld [tilespmem:$0xB870]  }
0x338: {  	v10 =	vld [tilespmem:s10+$0x18500];
	[tilespmem:s10+$0x1A600] =	vst v9  }
0x339: {  	v9 =	vld.idx.msk [tilespmem:v0+s10+$0x6190 ss:$0x1], $0xffff  }
0x33a: {  	v17 =	vld [tilespmem:s26+$0x0]  }
0x33b: {  	v21 =	vld [tilespmem:s10+$0x18620]  }
0x33c: {  	v23 =	vld [tilespmem:s10+$0x184A0]  }
0x33d: {  	v24 =	vld [tilespmem:s10+$0x185A0];
	v10 =	vadd.f32 v11, v10;
	v11 =	vmul.f32 v14, v3  }
0x33e: {  	v9 =	vadd.f32 v9, v12;
	v12 =	vld [tilespmem:s26+$0xFFFFFFE0]  }
0x33f: {  	v25 =	vld [tilespmem:s10+$0x18630];
	v20 =	vmul.f32 v19, v4;
	v10 =	vadd.f32 v10, v11  }
0x340: {  	v27 =	vld [tilespmem:s10+$0x185B0]  }
0x341: {  	v11 =	vld [tilespmem:s10+$0x18510];
	[tilespmem:s10+$0x1A500] =	vst v10;
	v9 =	vadd.f32 v9, v20  }
0x342: {  	s18 =	simm.s32 $0x200;
	v10 =	vld.idx.msk [tilespmem:v0+s10+$0x6090 ss:$0x1], $0xffff  }
0x343: {  	v45 =	vld.idx.msk [tilespmem:v0+s18+$0x6000 ss:$0x1], $0xffff;
	v13 =	vadd.f32 v13, v16;
	[tilespmem:s10+$0x1A610] =	vst v9;
	v16 =	vmul.f32 v12, v3  }
0x344: {  	v15 =	vadd.f32 v15, v18;
	v22 =	vmul.f32 v17, v3;
	v9 =	vld.idx.msk [tilespmem:v0+s10+$0x61A0 ss:$0x1], $0xffff  }
0x345: {  	v46 =	vld.idx.msk [tilespmem:v0+s18+$0x6080 ss:$0x1], $0xffff;
	v13 =	vadd.f32 v13, v16  }
0x346: {  	v18 =	vld [tilespmem:s10+$0x18590];
	v15 =	vadd.f32 v15, v22  }
0x347: {  	v22 =	vmul.f32 v14, v4;
	v20 =	vld [tilespmem:s10+$0x18490];
	v10 =	vadd.f32 v10, v11;
	[tilespmem:s10+$0x1A480] =	vst v13  }
0x348: {  	[tilespmem:s10+$0x1A580] =	vst v15;
	v11 =	vld.idx.msk [tilespmem:v0+s10+$0x6010 ss:$0x1], $0xffff  }
0x349: {  	v15 =	vld.idx.msk [tilespmem:v0+s10+$0x6110 ss:$0x1], $0xffff;
	v13 =	vmul.f32 v19, v5;
	v10 =	vadd.f32 v10, v22;
	v9 =	vadd.f32 v9, v21  }
0x34a: {  	v47 =	vld.idx.msk [tilespmem:v0+s18+$0x6100 ss:$0x1], $0xffff  }
0x34b: {  	v16 =	vld [tilespmem:s10+$0x18520];
	[tilespmem:s10+$0x1A510] =	vst v10;
	v9 =	vadd.f32 v9, v13  }
0x34c: {  	v10 =	vld.idx.msk [tilespmem:v0+s10+$0x60A0 ss:$0x1], $0xffff  }
0x34d: {  	v48 =	vld [tilespmem:s18+$0x18480];
	[tilespmem:s10+$0x1A620] =	vst v9;
	v9 =	vmul.f32 v12, v4;
	v11 =	vadd.f32 v11, v20  }
0x34e: {  	v49 =	vld [tilespmem:s18+$0x18500];
	v26 =	vmul.f32 v17, v4;
	v18 =	vadd.f32 v15, v18  }
0x34f: {  	v20 =	vld.idx.msk [tilespmem:v0+s10+$0x61B0 ss:$0x1], $0xffff;
	v9 =	vadd.f32 v11, v9  }
0x350: {  	v50 =	vld [tilespmem:s18+$0x18580];
	v18 =	vadd.f32 v18, v26  }
0x351: {  	v38 =	vld [tilespmem:s10+$0x18670];
	v11 =	vmul.f32 v14, v5;
	[tilespmem:s10+$0x1A490] =	vst v9;
	v9 =	vadd.f32 v10, v16  }
0x352: {  	v40 =	vld [tilespmem:s18+$0x18610];
	[tilespmem:s10+$0x1A590] =	vst v18  }
0x353: {  	v18 =	vld.idx.msk [tilespmem:v0+s10+$0x6120 ss:$0x1], $0xffff;
	v9 =	vadd.f32 v9, v11  }
0x354: {  	v16 =	vmul.f32 v19, v6;
	v10 =	vld.idx.msk [tilespmem:v0+s10+$0x6020 ss:$0x1], $0xffff;
	v11 =	vadd.f32 v20, v25  }
0x355: {  	v21 =	vld [tilespmem:s10+$0x18530];
	[tilespmem:s10+$0x1A520] =	vst v9  }
0x356: {  	v9 =	vadd.f32 v11, v16;
	v11 =	vld.idx.msk [tilespmem:v0+s10+$0x60B0 ss:$0x1], $0xffff  }
0x357: {  	v41 =	vld [tilespmem:s18+$0x18490]  }
0x358: {  	v25 =	vld [tilespmem:s10+$0x18640];
	[tilespmem:s10+$0x1A630] =	vst v9  }
0x359: {  	v9 =	vmul.f32 v12, v5;
	v10 =	vadd.f32 v10, v23;
	v20 =	vld.idx.msk [tilespmem:v0+s10+$0x61C0 ss:$0x1], $0xffff  }
0x35a: {  	v53 =	vld [tilespmem:s18+$0x18510];
	v18 =	vadd.f32 v18, v24;
	v23 =	vmul.f32 v17, v5  }
0x35b: {  	v54 =	vld [tilespmem:s18+$0x18590];
	v9 =	vadd.f32 v10, v9;
	v10 =	vmul.f32 v14, v6;
	v11 =	vadd.f32 v11, v21  }
0x35c: {  	v26 =	vld [tilespmem:s10+$0x18540];
	v23 =	vadd.f32 v18, v23  }
0x35d: {  	v22 =	vld [tilespmem:s10+$0x184B0];
	[tilespmem:s10+$0x1A4A0] =	vst v9;
	v10 =	vadd.f32 v11, v10  }
0x35e: {  	[tilespmem:s10+$0x1A5A0] =	vst v23;
	v21 =	vmul.f32 v19, v7;
	v9 =	vld.idx.msk [tilespmem:v0+s10+$0x6030 ss:$0x1], $0xffff;
	v20 =	vadd.f32 v20, v25  }
0x35f: {  	v11 =	vld.idx.msk [tilespmem:v0+s10+$0x6130 ss:$0x1], $0xffff;
	[tilespmem:s10+$0x1A530] =	vst v10  }
0x360: {  	v21 =	vadd.f32 v20, v21;
	v10 =	vld.idx.msk [tilespmem:v0+s10+$0x60C0 ss:$0x1], $0xffff  }
0x361: {  	v43 =	vld [tilespmem:s18+$0x184A0]  }
0x362: {  	v58 =	vld [tilespmem:s18+$0x18520];
	[tilespmem:s10+$0x1A640] =	vst v21  }
0x363: {  	v23 =	vmul.f32 v12, v6;
	v9 =	vadd.f32 v9, v22;
	v25 =	vld.idx.msk [tilespmem:v0+s10+$0x61D0 ss:$0x1], $0xffff  }
0x364: {  	v21 =	vmul.f32 v17, v6;
	v11 =	vadd.f32 v11, v27;
	v27 =	vld [tilespmem:s10+$0x18650]  }
0x365: {  	v35 =	vld [tilespmem:s18+$0x185A0];
	v28 =	vmul.f32 v14, v7;
	v9 =	vadd.f32 v9, v23;
	v10 =	vadd.f32 v10, v26  }
0x366: {  	v60 =	vld [tilespmem:s18+$0x18620];
	v11 =	vadd.f32 v11, v21  }
0x367: {  	v44 =	vld [tilespmem:s18+$0x184B0];
	[tilespmem:s10+$0x1A4B0] =	vst v9;
	v9 =	vadd.f32 v10, v28  }
0x368: {  	v15 =	vld [tilespmem:s10+$0x184C0];
	[tilespmem:s10+$0x1A5B0] =	vst v11  }
0x369: {  	v24 =	vld [tilespmem:s10+$0x18550];
	v11 =	vmul.f32 v19, v8;
	[tilespmem:s10+$0x1A540] =	vst v9;
	v9 =	vadd.f32 v25, v27  }
0x36a: {  	v13 =	vld [tilespmem:s10+$0x185C0]  }
0x36b: {  	v26 =	vld [tilespmem:s10+$0x18660];
	v25 =	vadd.f32 v9, v11  }
0x36c: {  	v28 =	vld [tilespmem:s18+$0x18600]  }
0x36d: {  	v27 =	vld.idx.msk [tilespmem:v0+s18+$0x6180 ss:$0x1], $0xffff;
	[tilespmem:s10+$0x1A650] =	vst v25  }
0x36e: {  	s30 =	simm.s32 $0x1C4E0;
	v25 =	vld.idx.msk [tilespmem:v0+s10+$0x61E0 ss:$0x1], $0xffff  }
0x36f: {  	v9 =	vld [tilespmem:s30+$0x10]  }
0x370: {  	v16 =	vld [tilespmem:s10+$0x184D0]  }
0x371: {  	v18 =	vld [tilespmem:s10+$0x185D0]  }
0x372: {  	v20 =	vld [tilespmem:s10+$0x184E0]  }
0x373: {  	v22 =	vld [tilespmem:s10+$0x185E0];
	v25 =	vadd.f32 v25, v26;
	v26 =	vmul.f32 v19, v2  }
0x374: {  	v23 =	vld [tilespmem:s10+$0x18560];
	v27 =	vadd.f32 v27, v28;
	v28 =	vmul.f32 v9, v3  }
0x375: {  	v26 =	vadd.f32 v25, v26;
	v25 =	vld [tilespmem:s30+$0xFFFFFFF0]  }
0x376: {  	v21 =	vld [tilespmem:s10+$0x18570];
	v27 =	vadd.f32 v27, v28  }
0x377: {  	v28 =	vld [tilespmem:s30+$0x0]  }
0x378: {  	[tilespmem:s18+$0x1A600] =	vst v27;
	v27 =	vld [tilespmem:s30+$0xFFFFFFE0]  }
0x379: {  	v51 =	vld.idx.msk [tilespmem:v0+s18+$0x6190 ss:$0x1], $0xffff  }
0x37a: {  	v33 =	vadd.f32 v46, v49;
	v29 =	vld.idx.msk [tilespmem:v0+s10+$0x6040 ss:$0x1], $0xffff;
	v52 =	vmul.f32 v25, v3  }
0x37b: {  	v30 =	vld.idx.msk [tilespmem:v0+s10+$0x6140 ss:$0x1], $0xffff  }
0x37c: {  	v34 =	vadd.f32 v47, v50;
	v10 =	vld [tilespmem:s10+$0x184F0];
	v57 =	vmul.f32 v28, v3;
	v33 =	vadd.f32 v33, v52  }
0x37d: {  	v32 =	vadd.f32 v45, v48;
	v46 =	vmul.f32 v12, v7;
	v31 =	vld.idx.msk [tilespmem:v0+s10+$0x60D0 ss:$0x1], $0xffff;
	v56 =	vmul.f32 v27, v3  }
0x37e: {  	v11 =	vld [tilespmem:s10+$0x185F0];
	v55 =	vmul.f32 v9, v4;
	v34 =	vadd.f32 v34, v57;
	v39 =	vadd.f32 v51, v40;
	[tilespmem:s18+$0x1A500] =	vst v33  }
0x37f: {  	v15 =	vadd.f32 v29, v15;
	[tilespmem:s10+$0x1A660] =	vst v26;
	v32 =	vadd.f32 v32, v56;
	v42 =	vld.idx.msk [tilespmem:v0+s18+$0x6090 ss:$0x1], $0xffff  }
0x380: {  	v26 =	vld.idx.msk [tilespmem:v0+s10+$0x61F0 ss:$0x1], $0xffff;
	[tilespmem:s18+$0x1A580] =	vst v34;
	v39 =	vadd.f32 v39, v55  }
0x381: {  	v15 =	vadd.f32 v15, v46;
	v63 =	vld.idx.msk [tilespmem:v0+s18+$0x6110 ss:$0x1], $0xffff;
	[tilespmem:s18+$0x1A480] =	vst v32  }
0x382: {  	[tilespmem:s18+$0x1A610] =	vst v39;
	v62 =	vld.idx.msk [tilespmem:v0+s18+$0x6010 ss:$0x1], $0xffff  }
0x383: {  	v13 =	vadd.f32 v30, v13;
	[tilespmem:s10+$0x1A4C0] =	vst v15;
	v51 =	vmul.f32 v17, v7;
	v59 =	vld.idx.msk [tilespmem:v0+s18+$0x61A0 ss:$0x1], $0xffff  }
0x384: {  	v61 =	vmul.f32 v25, v4;
	v55 =	vld.idx.msk [tilespmem:v0+s10+$0x6050 ss:$0x1], $0xffff;
	v36 =	vadd.f32 v42, v53  }
0x385: {  	v13 =	vadd.f32 v13, v51;
	v32 =	vld [tilespmem:s18+$0x184C0]  }
0x386: {  	v39 =	vld [tilespmem:s18+$0x18530];
	v36 =	vadd.f32 v36, v61  }
0x387: {  	v24 =	vadd.f32 v31, v24;
	v48 =	vmul.f32 v27, v4;
	[tilespmem:s10+$0x1A5C0] =	vst v13;
	v13 =	vld [tilespmem:s18+$0x184D0];
	v34 =	vadd.f32 v62, v41  }
0x388: {  	v45 =	vmul.f32 v9, v5;
	v31 =	vld.idx.msk [tilespmem:v0+s10+$0x6150 ss:$0x1], $0xffff;
	v37 =	vadd.f32 v59, v60;
	[tilespmem:s18+$0x1A510] =	vst v36  }
0x389: {  	v30 =	vadd.f32 v34, v48;
	v47 =	vld.idx.msk [tilespmem:v0+s18+$0x60A0 ss:$0x1], $0xffff  }
0x38a: {  	v33 =	vadd.f32 v63, v54;
	v63 =	vld [tilespmem:s18+$0x18640];
	v37 =	vadd.f32 v37, v45  }
0x38b: {  	v29 =	vmul.f32 v28, v4;
	v41 =	vld [tilespmem:s18+$0x18540];
	[tilespmem:s18+$0x1A490] =	vst v30  }
0x38c: {  	v30 =	vld [tilespmem:s18+$0x18630];
	[tilespmem:s18+$0x1A620] =	vst v37  }
0x38d: {  	v29 =	vadd.f32 v33, v29;
	v52 =	vld.idx.msk [tilespmem:v0+s18+$0x61B0 ss:$0x1], $0xffff  }
0x38e: {  	v53 =	vmul.f32 v25, v5;
	v34 =	vld [tilespmem:s18+$0x184F0];
	v40 =	vadd.f32 v47, v58  }
0x38f: {  	v56 =	vmul.f32 v14, v8;
	[tilespmem:s18+$0x1A590] =	vst v29;
	v54 =	vld.idx.msk [tilespmem:v0+s18+$0x6020 ss:$0x1], $0xffff  }
0x390: {  	v16 =	vadd.f32 v55, v16;
	v60 =	vmul.f32 v12, v8;
	v15 =	vld.idx.msk [tilespmem:v0+s18+$0x6120 ss:$0x1], $0xffff;
	v29 =	vadd.f32 v40, v53  }
0x391: {  	v49 =	vmul.f32 v17, v2;
	v24 =	vadd.f32 v24, v56;
	v45 =	vld [tilespmem:s18+$0x185C0]  }
0x392: {  	v57 =	vmul.f32 v9, v6;
	v16 =	vadd.f32 v16, v60;
	v36 =	vld [tilespmem:s18+$0x185B0];
	v30 =	vadd.f32 v52, v30;
	[tilespmem:s18+$0x1A520] =	vst v29  }
0x393: {  	[tilespmem:s10+$0x1A550] =	vst v24;
	v18 =	vadd.f32 v31, v18;
	v61 =	vmul.f32 v17, v8;
	v58 =	vld.idx.msk [tilespmem:v0+s18+$0x60B0 ss:$0x1], $0xffff  }
0x394: {  	v59 =	vmul.f32 v27, v5;
	[tilespmem:s10+$0x1A4D0] =	vst v16;
	v16 =	vld [tilespmem:s18+$0x184E0];
	v37 =	vadd.f32 v54, v43;
	v30 =	vadd.f32 v30, v57  }
0x395: {  	v24 =	vmul.f32 v28, v5;
	v18 =	vadd.f32 v18, v61;
	v48 =	vld.idx.msk [tilespmem:v0+s10+$0x6060 ss:$0x1], $0xffff;
	v35 =	vadd.f32 v15, v35  }
0x396: {  	v51 =	vmul.f32 v14, v1;
	v37 =	vadd.f32 v37, v59;
	[tilespmem:s18+$0x1A630] =	vst v30;
	v30 =	vld.idx.msk [tilespmem:v0+s10+$0x60E0 ss:$0x1], $0xffff  }
0x397: {  	v31 =	vmul.f32 v25, v6;
	[tilespmem:s10+$0x1A5D0] =	vst v18;
	v24 =	vadd.f32 v35, v24;
	v62 =	vld.idx.msk [tilespmem:v0+s18+$0x61C0 ss:$0x1], $0xffff  }
0x398: {  	v18 =	vmul.f32 v14, v2;
	v14 =	vmul.f32 v17, v1;
	v17 =	vld [tilespmem:s18+$0x18560];
	[tilespmem:s18+$0x1A4A0] =	vst v37;
	v39 =	vadd.f32 v58, v39  }
0x399: {  	v19 =	vmul.f32 v19, v1;
	v38 =	vadd.f32 v26, v38;
	[tilespmem:s18+$0x1A5A0] =	vst v24;
	v46 =	vld.idx.msk [tilespmem:v0+s18+$0x6030 ss:$0x1], $0xffff  }
0x39a: {  	v24 =	vld.idx.msk [tilespmem:v0+s18+$0x6130 ss:$0x1], $0xffff;
	v31 =	vadd.f32 v39, v31  }
0x39b: {  	v50 =	vmul.f32 v9, v7;
	v19 =	vadd.f32 v38, v19;
	v15 =	vld [tilespmem:s18+$0x185D0];
	v23 =	vadd.f32 v30, v23  }
0x39c: {  	v26 =	vmul.f32 v28, v6;
	v30 =	vld.idx.msk [tilespmem:v0+s10+$0x6160 ss:$0x1], $0xffff;
	[tilespmem:s18+$0x1A530] =	vst v31;
	v31 =	vadd.f32 v62, v63  }
0x39d: {  	[tilespmem:s10+$0x1A670] =	vst v19;
	v47 =	vmul.f32 v12, v2;
	v20 =	vadd.f32 v48, v20;
	v57 =	vld [tilespmem:s18+$0x18650];
	v23 =	vadd.f32 v23, v18  }
0x39e: {  	v53 =	vmul.f32 v27, v6;
	v33 =	vadd.f32 v46, v44;
	v52 =	vld.idx.msk [tilespmem:v0+s18+$0x60C0 ss:$0x1], $0xffff;
	v31 =	vadd.f32 v31, v50  }
0x39f: {  	v56 =	vmul.f32 v25, v7;
	v20 =	vadd.f32 v20, v47;
	v29 =	vld [tilespmem:s18+$0x18550];
	v24 =	vadd.f32 v24, v36;
	[tilespmem:s10+$0x1A560] =	vst v23  }
0x3a0: {  	v19 =	vmul.f32 v25, v1;
	v23 =	vadd.f32 v33, v53;
	v54 =	vld.idx.msk [tilespmem:v0+s10+$0x60F0 ss:$0x1], $0xffff;
	[tilespmem:s18+$0x1A640] =	vst v31  }
0x3a1: {  	[tilespmem:s10+$0x1A4E0] =	vst v20;
	v24 =	vadd.f32 v24, v26;
	v22 =	vadd.f32 v30, v22;
	v55 =	vld.idx.msk [tilespmem:v0+s18+$0x61D0 ss:$0x1], $0xffff  }
0x3a2: {  	v12 =	vmul.f32 v12, v1;
	v20 =	vmul.f32 v27, v2;
	v35 =	vld.idx.msk [tilespmem:v0+s10+$0x6070 ss:$0x1], $0xffff;
	[tilespmem:s18+$0x1A4B0] =	vst v23  }
0x3a3: {  	[tilespmem:s18+$0x1A5B0] =	vst v24;
	v58 =	vld.idx.msk [tilespmem:v0+s18+$0x6040 ss:$0x1], $0xffff;
	v22 =	vadd.f32 v22, v49;
	v59 =	vadd.f32 v52, v41  }
0x3a4: {  	v26 =	vmul.f32 v25, v8;
	v24 =	vmul.f32 v28, v8;
	v60 =	vld.idx.msk [tilespmem:v0+s18+$0x6140 ss:$0x1], $0xffff  }
0x3a5: {  	v18 =	vld [tilespmem:s18+$0x185E0];
	v30 =	vmul.f32 v28, v7;
	[tilespmem:s10+$0x1A5E0] =	vst v22;
	v22 =	vadd.f32 v54, v21;
	v41 =	vadd.f32 v59, v56  }
0x3a6: {  	v62 =	vmul.f32 v9, v8;
	v23 =	vmul.f32 v27, v8;
	v37 =	vld.idx.msk [tilespmem:v0+s10+$0x6170 ss:$0x1], $0xffff;
	v61 =	vadd.f32 v55, v57  }
0x3a7: {  	v31 =	vmul.f32 v27, v7;
	v21 =	vmul.f32 v25, v2;
	v25 =	vld [tilespmem:s18+$0x18570];
	v63 =	vadd.f32 v22, v51;
	[tilespmem:s18+$0x1A540] =	vst v41  }
0x3a8: {  	s11 =	sadd.s32 $0xC0, s20;
	v27 =	vmul.f32 v27, v1;
	v36 =	vadd.f32 v58, v32;
	v38 =	vld.idx.msk [tilespmem:v0+s18+$0x60D0 ss:$0x1], $0xffff;
	v33 =	vadd.f32 v61, v62  }
0x3a9: {  	s17 =	simm.s32 $0x4;
	s19 =	simm.s32 $0x1C520;
	s0 =	simm.s32 $0x800;
	v39 =	vadd.f32 v60, v45;
	v22 =	vmul.f32 v28, v2;
	v28 =	vmul.f32 v28, v1;
	v32 =	vld [tilespmem:s18+$0x185F0];
	[tilespmem:s10+$0x1A570] =	vst v63  }
.LBB2_9:
0x3aa: {  	v40 =	vld [tilespmem:s19+$0x10];
	v31 =	vadd.f32 v36, v31;
	[tilespmem:s18+$0x1A650] =	vst v33;
	v33 =	vadd.f32 v35, v10  }
0x3ab: {  	s0 =	sadd.s32 $0x800, s0;
	v36 =	vadd.f32 v37, v11;
	v30 =	vadd.f32 v39, v30;
	v35 =	vld.idx.msk [tilespmem:v0+s18+$0x61E0 ss:$0x1], $0xffff;
	v10 =	vmov v34  }
0x3ac: {  	s17 =	sadd.s32 $0x4, s17;
	s20 =	sshra.s32 s0, $0x2;
	[tilespmem:s18+$0x1A4C0] =	vst v31;
	v31 =	vld [tilespmem:s18+$0x18660];
	v33 =	vadd.f32 v33, v12;
	v12 =	vmov v27  }
0x3ad: {  	p0 =	slt.u32 s17, $0x3C;
	v29 =	vadd.f32 v38, v29;
	v27 =	vld.idx.msk [tilespmem:v0+s20+$0x6180 ss:$0x1], $0xffff;
	[tilespmem:s18+$0x1A5C0] =	vst v30;
	v30 =	vadd.f32 v36, v14;
	v14 =	vmov v28  }
0x3ae: {  	v28 =	vld [tilespmem:s20+$0x18600];
	[tilespmem:s10+$0x1A4F0] =	vst v33;
	v11 =	vmov v32  }
0x3af: {  	v26 =	vadd.f32 v29, v26;
	v32 =	vld.idx.msk [tilespmem:v0+s20+$0x6000 ss:$0x1], $0xffff;
	[tilespmem:s10+$0x1A5F0] =	vst v30;
	s10 =	smov.u32 s18;
	s18 =	smov.u32 s20  }
0x3b0: {  	v29 =	vld.idx.msk [tilespmem:v0+s18+$0x6080 ss:$0x1], $0xffff  }
0x3b1: {  	v30 =	vld.idx.msk [tilespmem:v0+s18+$0x6100 ss:$0x1], $0xffff;
	[tilespmem:s10+$0x1A550] =	vst v26;
	v26 =	vadd.f32 v35, v31;
	v31 =	vmul.f32 v9, v2  }
0x3b2: {  	v33 =	vld [tilespmem:s18+$0x18480]  }
0x3b3: {  	v34 =	vld [tilespmem:s18+$0x18500];
	v27 =	vadd.f32 v27, v28;
	v28 =	vmul.f32 v40, v3;
	v26 =	vadd.f32 v26, v31  }
0x3b4: {  	v31 =	vld [tilespmem:s18+$0x18580]  }
0x3b5: {  	v36 =	vld [tilespmem:s19+$0xFFFFFFF0];
	v27 =	vadd.f32 v27, v28;
	[tilespmem:s10+$0x1A660] =	vst v26  }
0x3b6: {  	v26 =	vld.idx.msk [tilespmem:v0+s10+$0x61F0 ss:$0x1], $0xffff  }
0x3b7: {  	v28 =	vadd.f32 v32, v33;
	[tilespmem:s18+$0x1A600] =	vst v27;
	v27 =	vld [tilespmem:s10+$0x18670]  }
0x3b8: {  	v29 =	vadd.f32 v29, v34;
	v33 =	vld.idx.msk [tilespmem:v0+s18+$0x6190 ss:$0x1], $0xffff  }
0x3b9: {  	v30 =	vadd.f32 v30, v31;
	v31 =	vld [tilespmem:s18+$0x18610]  }
0x3ba: {  	v32 =	vmul.f32 v36, v3;
	v38 =	vmul.f32 v36, v4;
	v39 =	vld [tilespmem:s19+$0x0]  }
0x3bb: {  	v42 =	vmul.f32 v36, v5;
	v34 =	vmul.f32 v36, v6;
	v41 =	vld [tilespmem:s19+$0xFFFFFFE0]  }
0x3bc: {  	v35 =	vmul.f32 v9, v1;
	v9 =	vmovc v40;
	v43 =	vld [tilespmem:s18+$0x18490];
	v29 =	vadd.f32 v29, v32;
	v27 =	vadd.f32 v26, v27  }
0x3bd: {  	v32 =	vmul.f32 v36, v7;
	v26 =	vmul.f32 v36, v8;
	v40 =	vld [tilespmem:s18+$0x18510]  }
0x3be: {  	[tilespmem:s18+$0x1A500] =	vst v29;
	v29 =	vld [tilespmem:s18+$0x18590];
	v31 =	vadd.f32 v33, v31;
	v33 =	vmul.f32 v9, v4;
	v27 =	vadd.f32 v27, v35  }
0x3bf: {  	v44 =	vld.idx.msk [tilespmem:v0+s18+$0x6090 ss:$0x1], $0xffff;
	v35 =	vmul.f32 v39, v3;
	v45 =	vmul.f32 v39, v4  }
0x3c0: {  	v37 =	vmul.f32 v41, v3;
	v46 =	vmul.f32 v41, v4;
	v47 =	vld [tilespmem:s18+$0x184A0];
	v31 =	vadd.f32 v31, v33;
	[tilespmem:s10+$0x1A670] =	vst v27  }
0x3c1: {  	v50 =	vmul.f32 v39, v5;
	v48 =	vmul.f32 v41, v5;
	v49 =	vld [tilespmem:s18+$0x18520];
	v27 =	vadd.f32 v30, v35  }
0x3c2: {  	v35 =	vmul.f32 v39, v6;
	v28 =	vadd.f32 v28, v37;
	v37 =	vmul.f32 v41, v6;
	v51 =	vld [tilespmem:s18+$0x185A0];
	[tilespmem:s18+$0x1A610] =	vst v31  }
0x3c3: {  	v30 =	vmul.f32 v39, v7;
	v31 =	vmul.f32 v41, v7;
	[tilespmem:s18+$0x1A580] =	vst v27;
	v52 =	vld.idx.msk [tilespmem:v0+s18+$0x61A0 ss:$0x1], $0xffff  }
0x3c4: {  	v54 =	vmul.f32 v39, v8;
	v53 =	vmul.f32 v41, v8;
	[tilespmem:s18+$0x1A480] =	vst v28;
	v55 =	vld [tilespmem:s18+$0x18620]  }
0x3c5: {  	v57 =	vmul.f32 v41, v2;
	v28 =	vadd.f32 v44, v40;
	v40 =	vmul.f32 v36, v2;
	v56 =	vld.idx.msk [tilespmem:v0+s18+$0x6010 ss:$0x1], $0xffff  }
0x3c6: {  	v27 =	vmul.f32 v41, v1;
	v44 =	vmul.f32 v39, v2;
	v41 =	vld.idx.msk [tilespmem:v0+s18+$0x6110 ss:$0x1], $0xffff  }
0x3c7: {  	v33 =	vmul.f32 v36, v1;
	v38 =	vadd.f32 v28, v38;
	v28 =	vmul.f32 v39, v1;
	v58 =	vld [tilespmem:s18+$0x184B0]  }
0x3c8: {  	v39 =	vld [tilespmem:s18+$0x18530]  }
0x3c9: {  	[tilespmem:s18+$0x1A510] =	vst v38;
	v38 =	vld [tilespmem:s18+$0x185B0];
	v52 =	vadd.f32 v52, v55;
	v55 =	vmul.f32 v9, v5  }
0x3ca: {  	v59 =	vld.idx.msk [tilespmem:v0+s18+$0x60A0 ss:$0x1], $0xffff  }
0x3cb: {  	v43 =	vadd.f32 v56, v43;
	v36 =	vld [tilespmem:s18+$0x184C0];
	v52 =	vadd.f32 v52, v55  }
0x3cc: {  	v29 =	vadd.f32 v41, v29;
	v55 =	vld [tilespmem:s18+$0x18540]  }
0x3cd: {  	v41 =	vadd.f32 v43, v46;
	v43 =	vld [tilespmem:s18+$0x185C0];
	[tilespmem:s18+$0x1A620] =	vst v52  }
0x3ce: {  	v29 =	vadd.f32 v29, v45;
	v45 =	vld.idx.msk [tilespmem:v0+s18+$0x61B0 ss:$0x1], $0xffff  }
0x3cf: {  	[tilespmem:s18+$0x1A490] =	vst v41;
	v41 =	vld [tilespmem:s18+$0x18630]  }
0x3d0: {  	v49 =	vadd.f32 v59, v49;
	v46 =	vld.idx.msk [tilespmem:v0+s18+$0x6020 ss:$0x1], $0xffff;
	[tilespmem:s18+$0x1A590] =	vst v29  }
0x3d1: {  	v52 =	vld.idx.msk [tilespmem:v0+s18+$0x6120 ss:$0x1], $0xffff  }
0x3d2: {  	v29 =	vadd.f32 v49, v42;
	v42 =	vld.idx.msk [tilespmem:v0+s10+$0x6050 ss:$0x1], $0xffff  }
0x3d3: {  	v49 =	vld.idx.msk [tilespmem:v0+s10+$0x6150 ss:$0x1], $0xffff  }
0x3d4: {  	v56 =	vld [tilespmem:s18+$0x184D0];
	[tilespmem:s18+$0x1A520] =	vst v29;
	v41 =	vadd.f32 v45, v41;
	v45 =	vmul.f32 v9, v6  }
0x3d5: {  	v59 =	vld.idx.msk [tilespmem:v0+s18+$0x60B0 ss:$0x1], $0xffff  }
0x3d6: {  	v46 =	vadd.f32 v46, v47;
	v29 =	vld [tilespmem:s18+$0x18550];
	v41 =	vadd.f32 v41, v45  }
0x3d7: {  	v45 =	vadd.f32 v52, v51;
	v47 =	vld [tilespmem:s18+$0x185D0]  }
0x3d8: {  	v46 =	vadd.f32 v46, v48;
	[tilespmem:s18+$0x1A630] =	vst v41;
	v41 =	vadd.f32 v42, v13;
	v42 =	vld.idx.msk [tilespmem:v0+s10+$0x60E0 ss:$0x1], $0xffff  }
0x3d9: {  	v45 =	vadd.f32 v45, v50;
	v51 =	vadd.f32 v49, v15;
	v48 =	vld.idx.msk [tilespmem:v0+s18+$0x61C0 ss:$0x1], $0xffff;
	v13 =	vmov v56  }
0x3da: {  	[tilespmem:s18+$0x1A4A0] =	vst v46;
	v46 =	vld [tilespmem:s18+$0x18640];
	v41 =	vadd.f32 v41, v23;
	v23 =	vmov v53  }
0x3db: {  	v39 =	vadd.f32 v59, v39;
	v49 =	vld.idx.msk [tilespmem:v0+s18+$0x6030 ss:$0x1], $0xffff;
	[tilespmem:s18+$0x1A5A0] =	vst v45;
	v45 =	vadd.f32 v51, v24;
	v24 =	vmov v54  }
0x3dc: {  	v50 =	vld.idx.msk [tilespmem:v0+s18+$0x6130 ss:$0x1], $0xffff;
	[tilespmem:s10+$0x1A4D0] =	vst v41;
	v15 =	vmov v47  }
0x3dd: {  	v34 =	vadd.f32 v39, v34;
	v39 =	vld.idx.msk [tilespmem:v0+s10+$0x6060 ss:$0x1], $0xffff;
	[tilespmem:s10+$0x1A5D0] =	vst v45  }
0x3de: {  	v17 =	vadd.f32 v42, v17;
	v41 =	vld.idx.msk [tilespmem:v0+s10+$0x6160 ss:$0x1], $0xffff  }
0x3df: {  	v45 =	vmul.f32 v9, v7;
	v42 =	vld [tilespmem:s18+$0x184E0];
	[tilespmem:s18+$0x1A530] =	vst v34;
	v34 =	vadd.f32 v48, v46  }
0x3e0: {  	v47 =	vadd.f32 v17, v21;
	v21 =	vmov v40;
	v46 =	vld.idx.msk [tilespmem:v0+s18+$0x60C0 ss:$0x1], $0xffff  }
0x3e1: {  	v40 =	vadd.f32 v49, v58;
	v17 =	vld [tilespmem:s18+$0x18560];
	v34 =	vadd.f32 v34, v45  }
0x3e2: {  	v38 =	vadd.f32 v50, v38;
	v45 =	vld [tilespmem:s18+$0x185E0];
	[tilespmem:s10+$0x1A560] =	vst v47  }
0x3e3: {  	v37 =	vadd.f32 v40, v37;
	[tilespmem:s18+$0x1A640] =	vst v34;
	v34 =	vadd.f32 v39, v16;
	v39 =	vld.idx.msk [tilespmem:v0+s10+$0x60F0 ss:$0x1], $0xffff  }
0x3e4: {  	v35 =	vadd.f32 v38, v35;
	v47 =	vadd.f32 v41, v18;
	v38 =	vld.idx.msk [tilespmem:v0+s18+$0x61D0 ss:$0x1], $0xffff;
	v16 =	vmov v42  }
0x3e5: {  	[tilespmem:s18+$0x1A4B0] =	vst v37;
	v40 =	vld [tilespmem:s18+$0x18650];
	v34 =	vadd.f32 v34, v20;
	v20 =	vmov v57  }
0x3e6: {  	v37 =	vadd.f32 v46, v55;
	v42 =	vadd.f32 v47, v22;
	v22 =	vmov v44;
	v41 =	vld.idx.msk [tilespmem:v0+s18+$0x6040 ss:$0x1], $0xffff;
	[tilespmem:s18+$0x1A5B0] =	vst v35  }
0x3e7: {  	v44 =	vld.idx.msk [tilespmem:v0+s18+$0x6140 ss:$0x1], $0xffff;
	[tilespmem:s10+$0x1A4E0] =	vst v34;
	v18 =	vmov v45  }
0x3e8: {  	v32 =	vadd.f32 v37, v32;
	v35 =	vld.idx.msk [tilespmem:v0+s10+$0x6070 ss:$0x1], $0xffff;
	[tilespmem:s10+$0x1A5E0] =	vst v42  }
.Ltmp3:
0x3e9: {  	v25 =	vadd.f32 v39, v25;
	v37 =	vld.idx.msk [tilespmem:v0+s10+$0x6170 ss:$0x1], $0xffff;
	(pc) =	sbr.rel @p0 .LBB2_9-.Ltmp3, $4  }
0x3ea: {  	v39 =	vmul.f32 v9, v8;
	v34 =	vld [tilespmem:s18+$0x184F0];
	[tilespmem:s18+$0x1A540] =	vst v32;
	v32 =	vadd.f32 v38, v40  }
0x3eb: {  	v40 =	vadd.f32 v25, v19;
	v19 =	vmov v33;
	v38 =	vld.idx.msk [tilespmem:v0+s18+$0x60D0 ss:$0x1], $0xffff  }
0x3ec: {  	v36 =	vadd.f32 v41, v36;
	v25 =	vld [tilespmem:s18+$0x18570];
	v33 =	vadd.f32 v32, v39  }
0x3ed: {  	s19 =	sadd.s32 $0x40, s19;
	v39 =	vadd.f32 v44, v43;
	v32 =	vld [tilespmem:s18+$0x185F0];
	[tilespmem:s10+$0x1A570] =	vst v40  }
0x3ee: {  	_ = 	snop  }
0x3ef: {  	v3 =	vadd.f32 v36, v31  }
0x3f0: {  	v4 =	vadd.f32 v39, v30  }
0x3f1: {  	[tilespmem:s18+$0x1A4C0] =	vst v3  }
0x3f2: {  	[tilespmem:s18+$0x1A5C0] =	vst v4;
	v3 =	vld.idx.msk [tilespmem:v0+s18+$0x6050 ss:$0x1], $0xffff  }
0x3f3: {  	v4 =	vld.idx.msk [tilespmem:v0+s18+$0x6150 ss:$0x1], $0xffff;
	_ =	sdelay $0x2  }
0x3f4: {  	v5 =	vadd.f32 v38, v29  }
0x3f5: {  	v3 =	vadd.f32 v3, v13  }
0x3f6: {  	v5 =	vadd.f32 v5, v26;
	v4 =	vadd.f32 v4, v15  }
0x3f7: {  	[tilespmem:s18+$0x1A650] =	vst v33;
	v7 =	vld [tilespmem:s18+$0x18660];
	v3 =	vadd.f32 v3, v23  }
0x3f8: {  	v6 =	vld.idx.msk [tilespmem:v0+s18+$0x61E0 ss:$0x1], $0xffff;
	[tilespmem:s18+$0x1A550] =	vst v5;
	v4 =	vadd.f32 v4, v24  }
0x3f9: {  	v5 =	vld.idx.msk [tilespmem:v0+s18+$0x60E0 ss:$0x1], $0xffff;
	[tilespmem:s18+$0x1A4D0] =	vst v3  }
0x3fa: {  	v3 =	vld.idx.msk [tilespmem:v0+s18+$0x6060 ss:$0x1], $0xffff;
	[tilespmem:s18+$0x1A5D0] =	vst v4  }
0x3fb: {  	v4 =	vld.idx.msk [tilespmem:v0+s18+$0x6160 ss:$0x1], $0xffff;
	_ =	sdelay $0x1  }
0x3fc: {  	v2 =	vmul.f32 v9, v2;
	v6 =	vadd.f32 v6, v7  }
0x3fd: {  	v5 =	vadd.f32 v5, v17  }
0x3fe: {  	v2 =	vadd.f32 v6, v2;
	v3 =	vadd.f32 v3, v16  }
0x3ff: {  	v52 =	vadd.f32 v5, v21;
	v4 =	vadd.f32 v4, v18  }
0x400: {  	v54 =	vld [tilespmem:s18+$0x18670];
	[tilespmem:s18+$0x1A660] =	vst v2;
	v3 =	vadd.f32 v3, v20  }
0x401: {  	v53 =	vld.idx.msk [tilespmem:v0+s18+$0x61F0 ss:$0x1], $0xffff;
	[tilespmem:s18+$0x1A560] =	vst v52;
	v55 =	vadd.f32 v4, v22  }
0x402: {  	v56 =	vld.idx.msk [tilespmem:v0+s18+$0x60F0 ss:$0x1], $0xffff;
	[tilespmem:s18+$0x1A4E0] =	vst v3  }
0x403: {  	v3 =	vld.idx.msk [tilespmem:v0+s18+$0x6070 ss:$0x1], $0xffff;
	[tilespmem:s18+$0x1A5E0] =	vst v55  }
0x404: {  	v59 =	vadd.f32 v37, v11;
	v58 =	vld.idx.msk [tilespmem:v0+s18+$0x6170 ss:$0x1], $0xffff  }
0x405: {  	v57 =	vadd.f32 v35, v10  }
0x406: {  	v1 =	vmul.f32 v9, v1;
	v60 =	vadd.f32 v59, v14;
	v5 =	vadd.f32 v53, v54  }
0x407: {  	v2 =	vadd.f32 v57, v12;
	v4 =	vadd.f32 v56, v25  }
0x408: {  	s0 =	sadd.s32 @!p1 $0x7, s8;
	[tilespmem:s10+$0x1A5F0] =	vst v60;
	v1 =	vadd.f32 v5, v1;
	v61 =	vadd.f32 v3, v34  }
0x409: {  	s17 =	simm.s32 @!p1 $0x40;
	s26 =	sshll.u32 s11, $0x4;
	s30 =	simm.s32 $0x1A480;
	[tilespmem:s10+$0x1A4F0] =	vst v2;
	v62 =	vadd.f32 v4, v19;
	v0 =	vadd.f32 v58, v32  }
0x40a: {  	s6 =	sadd.s32 $0x1, s6;
	s8 =	sshll.u32 @!p1 s0, $0x7;
	s0 =	sshll.u32 @!p1 s0, $0x4;
	[tilespmem:s18+$0x1A670] =	vst v1;
	v63 =	vadd.f32 v61, v27  }
0x40b: {  	s5 =	sadd.s32 $0x8000, s5;
	s12 =	sadd.s32 $0x100, s12;
	s0 =	sand.u32 @!p1 $0x70, s0;
	[tilespmem:s18+$0x1A570] =	vst v62;
	v0 =	vadd.f32 v0, v28  }
0x40c: {  	s13 =	sadd.s32 $0x8000, s13;
	p0 =	sne.s32 s6, $0x19;
	s0 =	sadd.s32 @!p1 s9, s0;
	[tilespmem:s18+$0x1A4F0] =	vst v63  }
0x40d: {  	s10 =	sand.u32 @!p1 $0x3FFFFF80, s8;
	s8 =	sand.u32 @!p1 $0x7C00, s8;
	[tilespmem:s18+$0x1A5F0] =	vst v0;
	s18 =	simm.s32 @!p1 $0x18480  }
0x40e: {  	[tilespmem:s18], [sflag:$0x4] =	stream.indirect.gather @!p1 [hbm4b:s1+s17], $0x80, s10, s17, $0xb8;
	[tilespmem:$0x1C880] =	vst v63  }
.Ltmp4:
0x40f: {  	s14 =	sadd.s32 $0x100, s14;
	s0 =	sadd.s32 @!p1 s8, s0;
	(pc) =	sbr.rel @p0 .LBB2_2-.Ltmp4, $4  }
0x410: {  	s8 =	simm.s32 @!p1 $0x80;
	s10 =	simm.s32 @!p1 $0x400;
	s17 =	simm.s32 @!p1 $0x1C480  }
0x411: {  	[tilespmem:s17], [sflag:$0x8] =	stream.strided.gather @!p1 [hbm4b:s0+s8], $0x400, s10, s8, $0x38;
	[tilespmem:$0x1C880] =	vst v63  }
0x412: {  	s15 =	sadd.s32 $0x100, s15;
	s16 =	sadd.s32 $0x100, s16;
	s0 =	sadd.s32 s3, s26  }
0x413: {  	[hbm4b:s0+s4] =	stream.linear.scatter [tilespmem:s30], [sflag:$0xC], $0x2000, $0x38;
	[tilespmem:$0x1C880] =	vst v63  }
0x414: {  	s0 =	simm.s32 $0x9  }
0x415: {  	_ =	swait.ge [sflag:s0], $0x2000  }
0x416: {  	[sflag:s0] =	ssyncset.done $0x0  }
0x417: {  	s24 =	simm.s32 $0xA;
	[sflag:s0] =	ssyncadd.s32 $0xFFFFE000  }
0x418: {  	_ =	swait.ge [sflag:s24], $0x2000  }
0x419: {  	[sflag:s24] =	ssyncset.done $0x0  }
0x41a: {  	s26 =	simm.s32 $0xB;
	[sflag:s24] =	ssyncadd.s32 $0xFFFFE000  }
0x41b: {  	_ =	swait.ge [sflag:s26], $0x2000  }
0x41c: {  	[sflag:s26] =	ssyncset.done $0x0  }
0x41d: {  	s5 =	simm.s32 $0xC;
	[sflag:s26] =	ssyncadd.s32 $0xFFFFE000  }
0x41e: {  	_ =	swait.ge [sflag:s5], $0x2000  }
0x41f: {  	s6 =	rddreg [dreg:$0xe]  }
0x420: {  	s30 =	rddreg [dreg:$0x7];
	s6 =	sadd.s32 $0x1, s6  }
0x421: {  	p0 =	sne.s32 s6, s30  }
.Ltmp5:
0x422: {  	_ = 	snop;
	(pc) =	sbr.rel @p0 .LBB2_1-.Ltmp5, $3  }
0x423: {  	_ =	sdelay $0x1  }
0x424: {  	[sflag:s5] =	ssyncset.done $0x0  }
0x425: {  	[sflag:s5] =	ssyncadd.s32 $0xFFFFE000  }
0x426: {  	_ =	sfence.sel $0x180000  }
0x427: {  	[bflag:$0x0] =	sbarrier.arrive $0xFFFF  }
0x428: {  	_ =	strace $0x90000047  }
0x429: {  	s0 =	stileid.u32;
	[bflag:$0x2] =	sbarrier.arrive $0xFFFF  }
0x42a: {  	p0 =	sne.s32 s0, $0x0;
	s0 =	rddreg [dreg:$0x3]  }
0x42b: {  	s0 =	sadd.s32 @!p0 $0x100000, s0  }
0x42c: {  	[sflag:s0] =	ssyncadd.tile.s32 @!p0 $0x1;
	_ =	shalt  }
.Lfunc_end2:
_tile_overlayer_lowered:
.L_overlay_start_2:
0x42d: {  	(tag) =	ssettag $0x2  }
0x42e: {  	s0 =	rddreg [dreg:$0x0];
	s2 =	stileid.u32  }
0x42f: {  	s1 =	rddreg [dreg:$0x1];
	p0 =	sne.s32 s2, $0x0  }
0x430: {  	s3 =	rddreg [dreg:$0x2];
	[bflag:$0x3] =	sbarrier.arrive $0xFFFF;
	s2 =	simm.s32 @!p0 $0x1C0D  }
0x431: {  	[timem:s3], [sflag:s2] =	dma.local @!p0 [hbm:s0], s1  }
0x432: {  	s0 =	simm.s32 @!p0 $0xD  }
0x433: {  	_ =	swait.ge @!p0 [sflag:s0], s1  }
0x434: {  	s1 =	ssub.s32 @!p0 $0x0, s1;
	[sflag:s0] =	ssyncset.done @!p0 $0x0  }
0x435: {  	[sflag:s0] =	ssyncadd.s32 @!p0 s1  }
0x436: {  	[bflag:$0x3] =	sbarrier.arrive $0xFFFF  }
0x437: {  	_ =	shalt  }

</sc_bundles>
